<compile_context>
chip_gen: v7x
topology: tpu7x:2x2x1
jax: 0.10.2.dev20260603
libtpu: 0.0.44.dev20260713+nightly
codegen_flags: <defaults>
</compile_context>

<pallas_src>
import dataclasses
import functools

import jax
import jax.numpy as jnp
from jax import lax
from jax.experimental import pallas as pl
from jax.experimental.pallas import tpu as pltpu
from jax.experimental.pallas import tpu_sc as plsc

N_NODES = 10000
N_EDGES = 320000
D = 128

NC = 2
NS = 16
NW = NC * NS
EDGES_PER_W = N_EDGES // NW
BLK = 64
N_PAD = 10240
ROWS_PER_TILE = N_PAD // NS
PADE = N_PAD - EDGES_PER_W
NBLK = N_PAD // BLK

_mesh = lambda: plsc.VectorSubcoreMesh(core_axis_name="c", subcore_axis_name="s")


def _pad_edges(src, dst):
    srcw = src.reshape(NW, EDGES_PER_W)
    dstw = dst.reshape(NW, EDGES_PER_W)
    ar = jnp.arange(PADE, dtype=jnp.int32)
    wid = jnp.arange(NW, dtype=jnp.int32)[:, None]
    pad_s = jnp.broadcast_to((ar * 41) % N_NODES, (NW, PADE))
    pad_h = N_NODES + (ar[None, :] + wid * 7) % PADE
    src_p = jnp.concatenate([srcw, pad_s], axis=1)
    dst_p = jnp.concatenate([dstw, pad_h], axis=1).reshape(NW, NBLK, BLK)
    return src_p, dst_p


def _sc_message_pass(table, src_p, dst_p):

    @functools.partial(
        pl.kernel,
        out_type=jax.ShapeDtypeStruct((NC, N_PAD, D), jnp.float32),
        mesh=_mesh(),
        scratch_types=[
            pltpu.VMEM((N_PAD,), jnp.int32),
            pltpu.VMEM((BLK,), jnp.int32),
            pltpu.VMEM((BLK,), jnp.int32),
            pltpu.VMEM((BLK,), jnp.int32),
            pltpu.VMEM((BLK,), jnp.int32),
            pltpu.VMEM((BLK, D), jnp.float32),
            pltpu.VMEM((BLK, D), jnp.float32),
            pltpu.VMEM((BLK, D), jnp.float32),
            pltpu.VMEM((BLK, D), jnp.float32),
            pltpu.VMEM((32, D), jnp.float32),
            pltpu.VMEM_SHARED((N_PAD, D), jnp.float32),
            pltpu.SemaphoreType.DMA,
            pltpu.SemaphoreType.DMA,
            pltpu.SemaphoreType.DMA,
            pltpu.SemaphoreType.DMA,
            pltpu.SemaphoreType.DMA,
            pltpu.SemaphoreType.DMA,
            pltpu.SemaphoreType.DMA,
            pltpu.SemaphoreType.DMA,
            pltpu.SemaphoreType.DMA,
            pltpu.SemaphoreType.DMA,
        ],
    )
    def k(table_hbm, srcp_hbm, dstp_hbm, out_hbm,
          sidx, didx0, didx1, didx2, didx3, rows0, rows1, rows2, rows3,
          zbuf, acc, gs0, gs1, gs2, gs3, ss0, ss1, ss2, ss3, isem, zsem):
        cid = lax.axis_index("c")
        sid = lax.axis_index("s")
        wid = sid * NC + cid
        my_row0 = sid * ROWS_PER_TILE
        my_dst = dstp_hbm.at[wid]
        didx = [didx0, didx1, didx2, didx3]
        rows = [rows0, rows1, rows2, rows3]
        gs = [gs0, gs1, gs2, gs3]
        ss = [ss0, ss1, ss2, ss3]

        pltpu.async_copy(srcp_hbm.at[wid], sidx, isem)

        @pl.loop(0, 32)
        def _(i):
            @pl.loop(0, D, step=16)
            def _(j):
                zbuf[i, pl.ds(j, 16)] = jnp.zeros((16,), jnp.float32)
        @pl.loop(0, ROWS_PER_TILE, step=32)
        def _(r):
            pltpu.async_copy(zbuf, acc.at[pl.ds(my_row0 + r, 32)], zsem)

        pltpu.make_async_copy(srcp_hbm.at[wid], sidx, isem).wait()
        pltpu.sync_copy(my_dst.at[0], didx0)
        pltpu.sync_copy(my_dst.at[1], didx1)
        pltpu.async_copy(table_hbm.at[sidx.at[pl.ds(0, BLK)]], rows0, gs0)
        pltpu.async_copy(table_hbm.at[sidx.at[pl.ds(BLK, BLK)]], rows1, gs1)

        @pl.loop(0, ROWS_PER_TILE, step=32)
        def _(r):
            pltpu.make_async_copy(zbuf, acc.at[pl.ds(my_row0 + r, 32)], zsem).wait()
        plsc.subcore_barrier()

        @pl.loop(0, NBLK, step=4)
        def _(b):
            for kk in range(4):
                bk = b + kk
                j = (kk + 2) % 4

                @pl.when(bk >= 2)
                def _():
                    pltpu.make_async_copy(rows[j], acc.at[didx[j]], ss[j]).wait()

                @pl.when(bk + 2 < NBLK)
                def _():
                    pltpu.sync_copy(my_dst.at[bk + 2], didx[j])

                pltpu.make_async_copy(table_hbm.at[sidx.at[pl.ds(bk * BLK, BLK)]],
                                      rows[kk], gs[kk]).wait()

                @pl.when(bk + 2 < NBLK)
                def _():
                    pltpu.async_copy(
                        table_hbm.at[sidx.at[pl.ds((bk + 2) * BLK, BLK)]],
                        rows[j], gs[j])

                pltpu.make_async_copy(rows[kk], acc.at[didx[kk]],
                                      ss[kk]).start(add=True)

        pltpu.make_async_copy(rows2, acc.at[didx2], ss2).wait()
        pltpu.make_async_copy(rows3, acc.at[didx3], ss3).wait()
        plsc.subcore_barrier()

        pltpu.sync_copy(acc.at[pl.ds(my_row0, ROWS_PER_TILE)],
                        out_hbm.at[cid].at[pl.ds(my_row0, ROWS_PER_TILE)])

    return k(table, src_p, dst_p)


def _sc_degrees(srcw, dstw):

    cp = pltpu.CompilerParams()
    if "needs_layout_passes" in pltpu.CompilerParams.__dataclass_fields__:
        cp = dataclasses.replace(cp, needs_layout_passes=False)

    @functools.partial(
        pl.kernel,
        out_type=jax.ShapeDtypeStruct((2, NW, N_PAD), jnp.float32),
        mesh=_mesh(),
        compiler_params=cp,
        scratch_types=[
            pltpu.VMEM((EDGES_PER_W,), jnp.int32),
            pltpu.VMEM((EDGES_PER_W,), jnp.int32),
            pltpu.VMEM((N_PAD,), jnp.float32),
            pltpu.VMEM((N_PAD,), jnp.float32),
            pltpu.SemaphoreType.DMA,
        ],
    )
    def k(src_hbm, dst_hbm, out_hbm, sidx, didx, hist_s, hist_d, isem):
        cid = lax.axis_index("c")
        sid = lax.axis_index("s")
        wid = sid * NC + cid

        pltpu.async_copy(src_hbm.at[wid], sidx, isem)
        pltpu.async_copy(dst_hbm.at[wid], didx, isem)

        zeros = jnp.zeros((16,), jnp.float32)
        @pl.loop(0, N_PAD, step=16)
        def _(j):
            hist_s[pl.ds(j, 16)] = zeros
            hist_d[pl.ds(j, 16)] = zeros

        pltpu.make_async_copy(src_hbm.at[wid], sidx, isem).wait()
        pltpu.make_async_copy(dst_hbm.at[wid], didx, isem).wait()

        ones = jnp.ones((16,), jnp.float32)
        @pl.loop(0, EDGES_PER_W, step=16)
        def _(e):
            plsc.addupdate_scatter(hist_s, [sidx[pl.ds(e, 16)]], ones)
            plsc.addupdate_scatter(hist_d, [didx[pl.ds(e, 16)]], ones)

        pltpu.sync_copy(hist_s, out_hbm.at[0].at[wid])
        pltpu.sync_copy(hist_d, out_hbm.at[1].at[wid])

    return k(srcw, dstw)


def _norms(d_ref):
    deg_out = jnp.sum(d_ref[:, :NW], axis=1, keepdims=True)
    deg_in = jnp.sum(d_ref[:, NW:], axis=1, keepdims=True)
    return (lax.rsqrt(jnp.maximum(deg_out, 1.0)),
            lax.rsqrt(jnp.maximum(deg_in, 1.0)))


def _tc_matmul_scale(x, w, degp_t):
    def body(x_ref, w_ref, d_ref, o_ref):
        ns, _ = _norms(d_ref)
        o_ref[...] = jnp.dot(x_ref[...], w_ref[...],
                             preferred_element_type=jnp.float32) * ns
    return pl.pallas_call(
        body, out_shape=jax.ShapeDtypeStruct((x.shape[0], w.shape[1]), jnp.float32),
    )(x, w, degp_t)


def _tc_mid(partials, degp_t, b1, w2):
    def body(p_ref, d_ref, b_ref, w_ref, o_ref):
        ns, nd = _norms(d_ref)
        u = (p_ref[0, :N_NODES] + p_ref[1, :N_NODES]) * nd + b_ref[...]
        u = jnp.maximum(u, 0.0)
        o_ref[...] = jnp.dot(u, w_ref[...],
                             preferred_element_type=jnp.float32) * ns
    return pl.pallas_call(
        body, out_shape=jax.ShapeDtypeStruct((N_NODES, D), jnp.float32),
    )(partials, degp_t, b1, w2)


def _tc_final(partials, degp_t, b2):
    def body(p_ref, d_ref, b_ref, o_ref):
        _, nd = _norms(d_ref)
        o_ref[...] = (p_ref[0, :N_NODES] + p_ref[1, :N_NODES]) * nd + b_ref[...]
    return pl.pallas_call(
        body, out_shape=jax.ShapeDtypeStruct((N_NODES, D), jnp.float32),
    )(partials, degp_t, b2)


def kernel(features, edge_index, W1, b1, W2, b2):
    src = edge_index[0].astype(jnp.int32)
    dst = edge_index[1].astype(jnp.int32)
    b1r = b1.reshape(1, D)
    b2r = b2.reshape(1, D)

    src_p, dst_p = _pad_edges(src, dst)
    degp = _sc_degrees(src.reshape(NW, EDGES_PER_W),
                       dst.reshape(NW, EDGES_PER_W))
    degp_t = jnp.transpose(degp.reshape(2 * NW, N_PAD)[:, :N_NODES])
    h1 = _tc_matmul_scale(features, W1, degp_t)
    p1 = _sc_message_pass(h1, src_p, dst_p)
    h2 = _tc_mid(p1, degp_t, b1r, W2)
    p2 = _sc_message_pass(h2, src_p, dst_p)
    return _tc_final(p2, degp_t, b2r)

# --- scband reference (transcript-rebuilt; emitter-appended) ---
"""Pipeline reference for scband-gcn-25580825215441 (READ-ONLY COPY).

The authoritative reference and input builder live on the scoring server;
editing this copy changes nothing except your own understanding.
"""

import jax, jax.numpy as jnp
import numpy as np

N_NODES = 10000
N_EDGES = 320000
D_IN = 128
D_HID = 128
D_OUT = 128


def setup_inputs(seed: int = 0) -> dict:
    key = jax.random.key(seed)
    k1, k2, k3, k4, k5, k6 = jax.random.split(key, 6)
    features = jax.random.normal(k1, (N_NODES, D_IN), dtype=jnp.float32)
    edge_index = jax.random.randint(k2, (2, N_EDGES), 0, N_NODES, dtype=jnp.int64)
    # Glorot-initialized weights, zero bias (matches dgl GraphConv defaults)
    s1 = float(np.sqrt(6.0 / (D_IN + D_HID)))
    s2 = float(np.sqrt(6.0 / (D_HID + D_OUT)))
    W1 = jax.random.uniform(k3, (D_IN, D_HID), dtype=jnp.float32, minval=-s1, maxval=s1)
    b1 = jnp.zeros((D_HID,), dtype=jnp.float32)
    W2 = jax.random.uniform(k4, (D_HID, D_OUT), dtype=jnp.float32, minval=-s2, maxval=s2)
    b2 = jnp.zeros((D_OUT,), dtype=jnp.float32)
    return {"features": features, "edge_index": edge_index, "W1": W1, "b1": b1, "W2": W2, "b2": b2}


def _graph_conv(x, src, dst, W, b, num_nodes):
    # dgl GraphConv with norm='both':
    #   h = D_in^{-1/2} * A^T * (D_out^{-1/2} * x) @ W + b
    ones = jnp.ones((src.shape[0],), dtype=x.dtype)
    deg_out = jnp.zeros((num_nodes,), dtype=x.dtype).at[src].add(ones)
    deg_in = jnp.zeros((num_nodes,), dtype=x.dtype).at[dst].add(ones)
    norm_src = jax.lax.rsqrt(jnp.clip(deg_out, 1.0, None))
    norm_dst = jax.lax.rsqrt(jnp.clip(deg_in, 1.0, None))
    h = x * norm_src[:, None]
    h = h @ W
    msgs = jnp.take(h, src, axis=0)
    agg = jnp.zeros((num_nodes, h.shape[1]), dtype=x.dtype).at[dst].add(msgs)
    agg = agg * norm_dst[:, None]
    return agg + b


def reference(features, edge_index, W1, b1, W2, b2):
    src = edge_index[0]
    dst = edge_index[1]
    h = _graph_conv(features, src, dst, W1, b1, N_NODES)
    h = jax.nn.relu(h)
    h = _graph_conv(h, src, dst, W2, b2, N_NODES)
    return h

if __name__ == "__main__":
    import jax
    _d = setup_inputs()
    print(jax.jit(kernel)(*tuple(_d.values())))

</pallas_src>

<mosaic_0001>
#map = affine_map<(d0, d1) -> (0, 0)>
#map1 = affine_map<(d0, d1) -> (0, 0, 0)>
module attributes {stable_mosaic.version = 14 : i64} {
  func.func @k(%arg0: i32, %arg1: i32, %arg2: memref<10000x128xf32, #tpu.memory_space<hbm>>, %arg3: memref<32x10240xi32, #tpu.memory_space<hbm>>, %arg4: memref<32x160x64xi32, #tpu.memory_space<hbm>>, %arg5: memref<2x10240x128xf32, #tpu.memory_space<hbm>>, %arg6: memref<10240xi32, #tpu.memory_space<vmem>>, %arg7: memref<64xi32, #tpu.memory_space<vmem>>, %arg8: memref<64xi32, #tpu.memory_space<vmem>>, %arg9: memref<64xi32, #tpu.memory_space<vmem>>, %arg10: memref<64xi32, #tpu.memory_space<vmem>>, %arg11: memref<64x128xf32, #tpu.memory_space<vmem>>, %arg12: memref<64x128xf32, #tpu.memory_space<vmem>>, %arg13: memref<64x128xf32, #tpu.memory_space<vmem>>, %arg14: memref<64x128xf32, #tpu.memory_space<vmem>>, %arg15: memref<32x128xf32, #tpu.memory_space<vmem>>, %arg16: memref<10240x128xf32, #tpu.memory_space<vmem_shared>>, %arg17: memref<!tpu.dma_semaphore, #tpu.memory_space<semaphore_mem>>, %arg18: memref<!tpu.dma_semaphore, #tpu.memory_space<semaphore_mem>>, %arg19: memref<!tpu.dma_semaphore, #tpu.memory_space<semaphore_mem>>, %arg20: memref<!tpu.dma_semaphore, #tpu.memory_space<semaphore_mem>>, %arg21: memref<!tpu.dma_semaphore, #tpu.memory_space<semaphore_mem>>, %arg22: memref<!tpu.dma_semaphore, #tpu.memory_space<semaphore_mem>>, %arg23: memref<!tpu.dma_semaphore, #tpu.memory_space<semaphore_mem>>, %arg24: memref<!tpu.dma_semaphore, #tpu.memory_space<semaphore_mem>>, %arg25: memref<!tpu.dma_semaphore, #tpu.memory_space<semaphore_mem>>, %arg26: memref<!tpu.dma_semaphore, #tpu.memory_space<semaphore_mem>>) attributes {dimension_semantics = [#tpu.dimension_semantics<core_parallel>, #tpu.dimension_semantics<subcore_parallel>], iteration_bounds = array<i64: 2, 16>, scalar_prefetch = 0 : i64, scratch_operands = 21 : i64, tpu.core_type = #tpu.core_type<sc_vector_subcore>, window_params = [{transform_indices = #map}, {transform_indices = #map}, {transform_indices = #map1}, {transform_indices = #map1}]} {
    %mul3A = arith.constant 2 : i32
    %mul3A_0 = arith.muli %arg1, %mul3A : i32
    %add3A = arith.addi %mul3A_0, %arg0 : i32
    %mul3A_1 = arith.constant 640 : i32
    %mul3A_2 = arith.muli %arg1, %mul3A_1 : i32
    %dma_start3A = arith.constant 0 : i32
    %dma_start3A_3 = tpu.memref_slice %arg3[%add3A, %dma_start3A] : memref<32x10240xi32, #tpu.memory_space<hbm>> -> memref<1x10240xi32, #tpu.memory_space<hbm>>
    %dma_start3A_4 = tpu.memref_squeeze %dma_start3A_3 : memref<1x10240xi32, #tpu.memory_space<hbm>> -> memref<10240xi32, #tpu.memory_space<hbm>>
    %dma_start3A_5 = arith.constant 0 : i32
    %dma_start3A_6 = tpu.memref_slice %arg3[%add3A, %dma_start3A_5] : memref<32x10240xi32, #tpu.memory_space<hbm>> -> memref<1x10240xi32, #tpu.memory_space<hbm>>
    %dma_start3A_7 = tpu.memref_squeeze %dma_start3A_6 : memref<1x10240xi32, #tpu.memory_space<hbm>> -> memref<10240xi32, #tpu.memory_space<hbm>>
    tpu.enqueue_dma source(%dma_start3A_7 : memref<10240xi32, #tpu.memory_space<hbm>>) target(%arg6 : memref<10240xi32, #tpu.memory_space<vmem>>) target_semaphore(%arg25 : memref<!tpu.dma_semaphore, #tpu.memory_space<semaphore_mem>>)
    %scan3A = arith.constant 0 : i32
    %scan3A_8 = arith.constant 32 : i32
    %scan3A_9 = arith.addi %scan3A, %scan3A_8 : i32
    %scan3A_10 = arith.constant 1 : i32
    scf.for %scan3A_50 = %scan3A to %scan3A_9 step %scan3A_10  : i32 {
      %mul3A_51 = arith.constant 1 : i32
      %mul3A_52 = arith.muli %scan3A_50, %mul3A_51 : i32
      %add3A_53 = arith.constant 0 : i32
      %add3A_54 = arith.addi %add3A_53, %mul3A_52 : i32
      %scan3A_55 = arith.constant 0 : i32
      %scan3A_56 = arith.constant 8 : i32
      %scan3A_57 = arith.addi %scan3A_55, %scan3A_56 : i32
      %scan3A_58 = arith.constant 1 : i32
      scf.for %scan3A_60 = %scan3A_55 to %scan3A_57 step %scan3A_58  : i32 {
        %mul3A_61 = arith.constant 16 : i32
        %mul3A_62 = arith.muli %scan3A_60, %mul3A_61 : i32
        %add3A_63 = arith.constant 0 : i32
        %add3A_64 = arith.addi %add3A_63, %mul3A_62 : i32
        %broadcast_in_dim3A = arith.constant 0.000000e+00 : f32
        %broadcast_in_dim3A_65 = vector.broadcast %broadcast_in_dim3A : f32 to vector<16xf32>
        %swap3A = arith.index_cast %add3A_54 : i32 to index
        %swap3A_66 = arith.index_cast %add3A_64 : i32 to index
        %swap3A_67 = tpu.vector_load %arg15[%swap3A, %swap3A_66] {strides = array<i32>} : memref<32x128xf32, #tpu.memory_space<vmem>>, vector<1x16xf32>,
        %swap3A_68 = vector.shape_cast %swap3A_67 : vector<1x16xf32> to vector<16xf32>
        %swap3A_69 = vector.shape_cast %broadcast_in_dim3A_65 : vector<16xf32> to vector<1x16xf32>
        tpu.vector_store %arg15[%swap3A, %swap3A_66], %swap3A_69 {strides = array<i32>} : memref<32x128xf32, #tpu.memory_space<vmem>>, vector<1x16xf32>,
      }
      %scan3A_59 = arith.constant 8 : i32
    }
    %scan3A_11 = arith.constant 32 : i32
    %scan3A_12 = arith.constant 0 : i32
    %scan3A_13 = arith.constant 20 : i32
    %scan3A_14 = arith.addi %scan3A_12, %scan3A_13 : i32
    %scan3A_15 = arith.constant 1 : i32
    scf.for %scan3A_50 = %scan3A_12 to %scan3A_14 step %scan3A_15  : i32 {
      %mul3A_51 = arith.constant 32 : i32
      %mul3A_52 = arith.muli %scan3A_50, %mul3A_51 : i32
      %add3A_53 = arith.constant 0 : i32
      %add3A_54 = arith.addi %add3A_53, %mul3A_52 : i32
      %add3A_55 = arith.addi %mul3A_2, %add3A_54 : i32
      %dma_start3A_56 = arith.constant 0 : i32
      %dma_start3A_57 = tpu.memref_slice %arg16[%add3A_55, %dma_start3A_56] : memref<10240x128xf32, #tpu.memory_space<vmem_shared>> -> memref<32x128xf32, #tpu.memory_space<vmem_shared>>
      %dma_start3A_58 = arith.constant 0 : i32
      %dma_start3A_59 = tpu.memref_slice %arg16[%add3A_55, %dma_start3A_58] : memref<10240x128xf32, #tpu.memory_space<vmem_shared>> -> memref<32x128xf32, #tpu.memory_space<vmem_shared>>
      tpu.enqueue_dma source(%arg15 : memref<32x128xf32, #tpu.memory_space<vmem>>) target(%dma_start3A_59 : memref<32x128xf32, #tpu.memory_space<vmem_shared>>) target_semaphore(%arg26 : memref<!tpu.dma_semaphore, #tpu.memory_space<semaphore_mem>>)
    }
    %scan3A_16 = arith.constant 20 : i32
    %dma_wait3A = arith.constant 0 : i32
    %dma_wait3A_17 = tpu.memref_slice %arg3[%add3A, %dma_wait3A] : memref<32x10240xi32, #tpu.memory_space<hbm>> -> memref<1x10240xi32, #tpu.memory_space<hbm>>
    %dma_wait3A_18 = tpu.memref_squeeze %dma_wait3A_17 : memref<1x10240xi32, #tpu.memory_space<hbm>> -> memref<10240xi32, #tpu.memory_space<hbm>>
    %dma_wait3A_19 = arith.constant 0 : i32
    %dma_wait3A_20 = tpu.memref_slice %arg3[%add3A, %dma_wait3A_19] : memref<32x10240xi32, #tpu.memory_space<hbm>> -> memref<1x10240xi32, #tpu.memory_space<hbm>>
    %dma_wait3A_21 = tpu.memref_squeeze %dma_wait3A_20 : memref<1x10240xi32, #tpu.memory_space<hbm>> -> memref<10240xi32, #tpu.memory_space<hbm>>
    tpu.wait_dma2 semaphore(%arg25 : memref<!tpu.dma_semaphore, #tpu.memory_space<semaphore_mem>>) src(%dma_wait3A_21 : memref<10240xi32, #tpu.memory_space<hbm>>) dst(%arg6 : memref<10240xi32, #tpu.memory_space<vmem>>)
    %run_scoped3A = arith.constant 0 : i32
    "tpu.region"() ({
      %run_scoped3A_50 = tpu.sem_alloc : memref<!tpu.dma_semaphore, #tpu.memory_space<semaphore_mem>>
      %dma_start3A_51 = arith.constant 0 : i32
      %dma_start3A_52 = arith.constant 0 : i32
      %dma_start3A_53 = tpu.memref_slice %arg4[%add3A, %dma_start3A_51, %dma_start3A_52] : memref<32x160x64xi32, #tpu.memory_space<hbm>> -> memref<1x160x64xi32, #tpu.memory_space<hbm>>
      %dma_start3A_54 = tpu.memref_squeeze %dma_start3A_53 : memref<1x160x64xi32, #tpu.memory_space<hbm>> -> memref<160x64xi32, #tpu.memory_space<hbm>>
      %dma_start3A_55 = arith.constant 0 : i32
      %dma_start3A_56 = tpu.memref_slice %dma_start3A_54[%run_scoped3A, %dma_start3A_55] : memref<160x64xi32, #tpu.memory_space<hbm>> -> memref<1x64xi32, #tpu.memory_space<hbm>>
      %dma_start3A_57 = tpu.memref_squeeze %dma_start3A_56 : memref<1x64xi32, #tpu.memory_space<hbm>> -> memref<64xi32, #tpu.memory_space<hbm>>
      %dma_start3A_58 = arith.constant 0 : i32
      %dma_start3A_59 = arith.constant 0 : i32
      %dma_start3A_60 = tpu.memref_slice %arg4[%add3A, %dma_start3A_58, %dma_start3A_59] : memref<32x160x64xi32, #tpu.memory_space<hbm>> -> memref<1x160x64xi32, #tpu.memory_space<hbm>>
      %dma_start3A_61 = tpu.memref_squeeze %dma_start3A_60 : memref<1x160x64xi32, #tpu.memory_space<hbm>> -> memref<160x64xi32, #tpu.memory_space<hbm>>
      %dma_start3A_62 = arith.constant 0 : i32
      %dma_start3A_63 = tpu.memref_slice %dma_start3A_61[%run_scoped3A, %dma_start3A_62] : memref<160x64xi32, #tpu.memory_space<hbm>> -> memref<1x64xi32, #tpu.memory_space<hbm>>
      %dma_start3A_64 = tpu.memref_squeeze %dma_start3A_63 : memref<1x64xi32, #tpu.memory_space<hbm>> -> memref<64xi32, #tpu.memory_space<hbm>>
      tpu.enqueue_dma source(%dma_start3A_64 : memref<64xi32, #tpu.memory_space<hbm>>) target(%arg7 : memref<64xi32, #tpu.memory_space<vmem>>) target_semaphore(%run_scoped3A_50 : memref<!tpu.dma_semaphore, #tpu.memory_space<semaphore_mem>>)
      %dma_wait3A_65 = arith.constant 0 : i32
      %dma_wait3A_66 = arith.constant 0 : i32
      %dma_wait3A_67 = tpu.memref_slice %arg4[%add3A, %dma_wait3A_65, %dma_wait3A_66] : memref<32x160x64xi32, #tpu.memory_space<hbm>> -> memref<1x160x64xi32, #tpu.memory_space<hbm>>
      %dma_wait3A_68 = tpu.memref_squeeze %dma_wait3A_67 : memref<1x160x64xi32, #tpu.memory_space<hbm>> -> memref<160x64xi32, #tpu.memory_space<hbm>>
      %dma_wait3A_69 = arith.constant 0 : i32
      %dma_wait3A_70 = tpu.memref_slice %dma_wait3A_68[%run_scoped3A, %dma_wait3A_69] : memref<160x64xi32, #tpu.memory_space<hbm>> -> memref<1x64xi32, #tpu.memory_space<hbm>>
      %dma_wait3A_71 = tpu.memref_squeeze %dma_wait3A_70 : memref<1x64xi32, #tpu.memory_space<hbm>> -> memref<64xi32, #tpu.memory_space<hbm>>
      %dma_wait3A_72 = arith.constant 0 : i32
      %dma_wait3A_73 = arith.constant 0 : i32
      %dma_wait3A_74 = tpu.memref_slice %arg4[%add3A, %dma_wait3A_72, %dma_wait3A_73] : memref<32x160x64xi32, #tpu.memory_space<hbm>> -> memref<1x160x64xi32, #tpu.memory_space<hbm>>
      %dma_wait3A_75 = tpu.memref_squeeze %dma_wait3A_74 : memref<1x160x64xi32, #tpu.memory_space<hbm>> -> memref<160x64xi32, #tpu.memory_space<hbm>>
      %dma_wait3A_76 = arith.constant 0 : i32
      %dma_wait3A_77 = tpu.memref_slice %dma_wait3A_75[%run_scoped3A, %dma_wait3A_76] : memref<160x64xi32, #tpu.memory_space<hbm>> -> memref<1x64xi32, #tpu.memory_space<hbm>>
      %dma_wait3A_78 = tpu.memref_squeeze %dma_wait3A_77 : memref<1x64xi32, #tpu.memory_space<hbm>> -> memref<64xi32, #tpu.memory_space<hbm>>
      tpu.wait_dma2 semaphore(%run_scoped3A_50 : memref<!tpu.dma_semaphore, #tpu.memory_space<semaphore_mem>>) src(%dma_wait3A_78 : memref<64xi32, #tpu.memory_space<hbm>>) dst(%arg7 : memref<64xi32, #tpu.memory_space<vmem>>)
      tpu.yield
    }) : () -> ()
    %run_scoped3A_22 = arith.constant 1 : i32
    "tpu.region"() ({
      %run_scoped3A_50 = tpu.sem_alloc : memref<!tpu.dma_semaphore, #tpu.memory_space<semaphore_mem>>
      %dma_start3A_51 = arith.constant 0 : i32
      %dma_start3A_52 = arith.constant 0 : i32
      %dma_start3A_53 = tpu.memref_slice %arg4[%add3A, %dma_start3A_51, %dma_start3A_52] : memref<32x160x64xi32, #tpu.memory_space<hbm>> -> memref<1x160x64xi32, #tpu.memory_space<hbm>>
      %dma_start3A_54 = tpu.memref_squeeze %dma_start3A_53 : memref<1x160x64xi32, #tpu.memory_space<hbm>> -> memref<160x64xi32, #tpu.memory_space<hbm>>
      %dma_start3A_55 = arith.constant 0 : i32
      %dma_start3A_56 = tpu.memref_slice %dma_start3A_54[%run_scoped3A_22, %dma_start3A_55] : memref<160x64xi32, #tpu.memory_space<hbm>> -> memref<1x64xi32, #tpu.memory_space<hbm>>
      %dma_start3A_57 = tpu.memref_squeeze %dma_start3A_56 : memref<1x64xi32, #tpu.memory_space<hbm>> -> memref<64xi32, #tpu.memory_space<hbm>>
      %dma_start3A_58 = arith.constant 0 : i32
      %dma_start3A_59 = arith.constant 0 : i32
      %dma_start3A_60 = tpu.memref_slice %arg4[%add3A, %dma_start3A_58, %dma_start3A_59] : memref<32x160x64xi32, #tpu.memory_space<hbm>> -> memref<1x160x64xi32, #tpu.memory_space<hbm>>
      %dma_start3A_61 = tpu.memref_squeeze %dma_start3A_60 : memref<1x160x64xi32, #tpu.memory_space<hbm>> -> memref<160x64xi32, #tpu.memory_space<hbm>>
      %dma_start3A_62 = arith.constant 0 : i32
      %dma_start3A_63 = tpu.memref_slice %dma_start3A_61[%run_scoped3A_22, %dma_start3A_62] : memref<160x64xi32, #tpu.memory_space<hbm>> -> memref<1x64xi32, #tpu.memory_space<hbm>>
      %dma_start3A_64 = tpu.memref_squeeze %dma_start3A_63 : memref<1x64xi32, #tpu.memory_space<hbm>> -> memref<64xi32, #tpu.memory_space<hbm>>
      tpu.enqueue_dma source(%dma_start3A_64 : memref<64xi32, #tpu.memory_space<hbm>>) target(%arg8 : memref<64xi32, #tpu.memory_space<vmem>>) target_semaphore(%run_scoped3A_50 : memref<!tpu.dma_semaphore, #tpu.memory_space<semaphore_mem>>)
      %dma_wait3A_65 = arith.constant 0 : i32
      %dma_wait3A_66 = arith.constant 0 : i32
      %dma_wait3A_67 = tpu.memref_slice %arg4[%add3A, %dma_wait3A_65, %dma_wait3A_66] : memref<32x160x64xi32, #tpu.memory_space<hbm>> -> memref<1x160x64xi32, #tpu.memory_space<hbm>>
      %dma_wait3A_68 = tpu.memref_squeeze %dma_wait3A_67 : memref<1x160x64xi32, #tpu.memory_space<hbm>> -> memref<160x64xi32, #tpu.memory_space<hbm>>
      %dma_wait3A_69 = arith.constant 0 : i32
      %dma_wait3A_70 = tpu.memref_slice %dma_wait3A_68[%run_scoped3A_22, %dma_wait3A_69] : memref<160x64xi32, #tpu.memory_space<hbm>> -> memref<1x64xi32, #tpu.memory_space<hbm>>
      %dma_wait3A_71 = tpu.memref_squeeze %dma_wait3A_70 : memref<1x64xi32, #tpu.memory_space<hbm>> -> memref<64xi32, #tpu.memory_space<hbm>>
      %dma_wait3A_72 = arith.constant 0 : i32
      %dma_wait3A_73 = arith.constant 0 : i32
      %dma_wait3A_74 = tpu.memref_slice %arg4[%add3A, %dma_wait3A_72, %dma_wait3A_73] : memref<32x160x64xi32, #tpu.memory_space<hbm>> -> memref<1x160x64xi32, #tpu.memory_space<hbm>>
      %dma_wait3A_75 = tpu.memref_squeeze %dma_wait3A_74 : memref<1x160x64xi32, #tpu.memory_space<hbm>> -> memref<160x64xi32, #tpu.memory_space<hbm>>
      %dma_wait3A_76 = arith.constant 0 : i32
      %dma_wait3A_77 = tpu.memref_slice %dma_wait3A_75[%run_scoped3A_22, %dma_wait3A_76] : memref<160x64xi32, #tpu.memory_space<hbm>> -> memref<1x64xi32, #tpu.memory_space<hbm>>
      %dma_wait3A_78 = tpu.memref_squeeze %dma_wait3A_77 : memref<1x64xi32, #tpu.memory_space<hbm>> -> memref<64xi32, #tpu.memory_space<hbm>>
      tpu.wait_dma2 semaphore(%run_scoped3A_50 : memref<!tpu.dma_semaphore, #tpu.memory_space<semaphore_mem>>) src(%dma_wait3A_78 : memref<64xi32, #tpu.memory_space<hbm>>) dst(%arg8 : memref<64xi32, #tpu.memory_space<vmem>>)
      tpu.yield
    }) : () -> ()
    %dma_start3A_23 = arith.constant 0 : i32
    %dma_start3A_24 = tpu.memref_slice %arg6[%dma_start3A_23] : memref<10240xi32, #tpu.memory_space<vmem>> -> memref<64xi32, #tpu.memory_space<vmem>>
    %dma_start3A_25 = arith.constant 0 : i32
    %dma_start3A_26 = arith.constant 0 : i32
    %dma_start3A_27 = tpu.memref_slice %arg2[%dma_start3A_25, %dma_start3A_26] : memref<10000x128xf32, #tpu.memory_space<hbm>> -> memref<10000x128xf32, #tpu.memory_space<hbm>>
    tpu.enqueue_indirect_dma source(%dma_start3A_27 : memref<10000x128xf32, #tpu.memory_space<hbm>>) target(%arg11 : memref<64x128xf32, #tpu.memory_space<vmem>>) offsets(%dma_start3A_24 : memref<64xi32, #tpu.memory_space<vmem>>) semaphore(%arg17 : memref<!tpu.dma_semaphore, #tpu.memory_space<semaphore_mem>>)
    %dma_start3A_28 = arith.constant 64 : i32
    %dma_start3A_29 = tpu.memref_slice %arg6[%dma_start3A_28] : memref<10240xi32, #tpu.memory_space<vmem>> -> memref<64xi32, #tpu.memory_space<vmem>>
    %dma_start3A_30 = arith.constant 0 : i32
    %dma_start3A_31 = arith.constant 0 : i32
    %dma_start3A_32 = tpu.memref_slice %arg2[%dma_start3A_30, %dma_start3A_31] : memref<10000x128xf32, #tpu.memory_space<hbm>> -> memref<10000x128xf32, #tpu.memory_space<hbm>>
    tpu.enqueue_indirect_dma source(%dma_start3A_32 : memref<10000x128xf32, #tpu.memory_space<hbm>>) target(%arg12 : memref<64x128xf32, #tpu.memory_space<vmem>>) offsets(%dma_start3A_29 : memref<64xi32, #tpu.memory_space<vmem>>) semaphore(%arg18 : memref<!tpu.dma_semaphore, #tpu.memory_space<semaphore_mem>>)
    %scan3A_33 = arith.constant 0 : i32
    %scan3A_34 = arith.constant 20 : i32
    %scan3A_35 = arith.addi %scan3A_33, %scan3A_34 : i32
    %scan3A_36 = arith.constant 1 : i32
    scf.for %scan3A_50 = %scan3A_33 to %scan3A_35 step %scan3A_36  : i32 {
      %mul3A_51 = arith.constant 32 : i32
      %mul3A_52 = arith.muli %scan3A_50, %mul3A_51 : i32
      %add3A_53 = arith.constant 0 : i32
      %add3A_54 = arith.addi %add3A_53, %mul3A_52 : i32
      %add3A_55 = arith.addi %mul3A_2, %add3A_54 : i32
      %dma_wait3A_56 = arith.constant 0 : i32
      %dma_wait3A_57 = tpu.memref_slice %arg16[%add3A_55, %dma_wait3A_56] : memref<10240x128xf32, #tpu.memory_space<vmem_shared>> -> memref<32x128xf32, #tpu.memory_space<vmem_shared>>
      %dma_wait3A_58 = arith.constant 0 : i32
      %dma_wait3A_59 = tpu.memref_slice %arg16[%add3A_55, %dma_wait3A_58] : memref<10240x128xf32, #tpu.memory_space<vmem_shared>> -> memref<32x128xf32, #tpu.memory_space<vmem_shared>>
      tpu.wait_dma2 semaphore(%arg26 : memref<!tpu.dma_semaphore, #tpu.memory_space<semaphore_mem>>) src(%arg15 : memref<32x128xf32, #tpu.memory_space<vmem>>) dst(%dma_wait3A_59 : memref<32x128xf32, #tpu.memory_space<vmem_shared>>)
    }
    %scan3A_37 = arith.constant 20 : i32
    %barrier3A = arith.constant 0 : index
    tpu.barrier barrier_id(%barrier3A)
    %scan3A_38 = arith.constant 0 : i32
    %scan3A_39 = arith.constant 40 : i32
    %scan3A_40 = arith.addi %scan3A_38, %scan3A_39 : i32
    %scan3A_41 = arith.constant 1 : i32
    scf.for %scan3A_50 = %scan3A_38 to %scan3A_40 step %scan3A_41  : i32 {
      %mul3A_51 = arith.constant 4 : i32
      %mul3A_52 = arith.muli %scan3A_50, %mul3A_51 : i32
      %add3A_53 = arith.constant 0 : i32
      %add3A_54 = arith.addi %add3A_53, %mul3A_52 : i32
      %add3A_55 = arith.constant 0 : i32
      %add3A_56 = arith.addi %add3A_54, %add3A_55 : i32
      %ge3A = arith.constant 2 : i32
      %ge3A_57 = arith.cmpi sge, %add3A_56, %ge3A : i32
      %convert_element_type3A = arith.extui %ge3A_57 : i1 to i32
      %cond3A = arith.constant 0 : i32
      %cond3A_58 = arith.cmpi ne, %convert_element_type3A, %cond3A : i32
      scf.if %cond3A_58 {
        %dma_wait3A_171 = arith.constant 0 : i32
        %dma_wait3A_172 = arith.constant 0 : i32
        %dma_wait3A_173 = tpu.memref_slice %arg16[%dma_wait3A_171, %dma_wait3A_172] : memref<10240x128xf32, #tpu.memory_space<vmem_shared>> -> memref<10240x128xf32, #tpu.memory_space<vmem_shared>>
        tpu.wait_indirect_dma semaphore(%arg23 : memref<!tpu.dma_semaphore, #tpu.memory_space<semaphore_mem>>) src(%arg13 : memref<64x128xf32, #tpu.memory_space<vmem>>) dst(%dma_wait3A_173 : memref<10240x128xf32, #tpu.memory_space<vmem_shared>>)
      } else {
      }
      %add3A_59 = arith.constant 2 : i32
      %add3A_60 = arith.addi %add3A_56, %add3A_59 : i32
      %lt3A = arith.constant 160 : i32
      %lt3A_61 = arith.cmpi slt, %add3A_60, %lt3A : i32
      %convert_element_type3A_62 = arith.extui %lt3A_61 : i1 to i32
      %cond3A_63 = arith.constant 0 : i32
      %cond3A_64 = arith.cmpi ne, %convert_element_type3A_62, %cond3A_63 : i32
      scf.if %cond3A_64 {
        %add3A_171 = arith.constant 2 : i32
        %add3A_172 = arith.addi %add3A_56, %add3A_171 : i32
        "tpu.region"() ({
          %run_scoped3A_173 = tpu.sem_alloc : memref<!tpu.dma_semaphore, #tpu.memory_space<semaphore_mem>>
          %dma_start3A_174 = arith.constant 0 : i32
          %dma_start3A_175 = arith.constant 0 : i32
          %dma_start3A_176 = tpu.memref_slice %arg4[%add3A, %dma_start3A_174, %dma_start3A_175] : memref<32x160x64xi32, #tpu.memory_space<hbm>> -> memref<1x160x64xi32, #tpu.memory_space<hbm>>
          %dma_start3A_177 = tpu.memref_squeeze %dma_start3A_176 : memref<1x160x64xi32, #tpu.memory_space<hbm>> -> memref<160x64xi32, #tpu.memory_space<hbm>>
          %dma_start3A_178 = arith.constant 0 : i32
          %dma_start3A_179 = tpu.memref_slice %dma_start3A_177[%add3A_172, %dma_start3A_178] : memref<160x64xi32, #tpu.memory_space<hbm>> -> memref<1x64xi32, #tpu.memory_space<hbm>>
          %dma_start3A_180 = tpu.memref_squeeze %dma_start3A_179 : memref<1x64xi32, #tpu.memory_space<hbm>> -> memref<64xi32, #tpu.memory_space<hbm>>
          %dma_start3A_181 = arith.constant 0 : i32
          %dma_start3A_182 = arith.constant 0 : i32
          %dma_start3A_183 = tpu.memref_slice %arg4[%add3A, %dma_start3A_181, %dma_start3A_182] : memref<32x160x64xi32, #tpu.memory_space<hbm>> -> memref<1x160x64xi32, #tpu.memory_space<hbm>>
          %dma_start3A_184 = tpu.memref_squeeze %dma_start3A_183 : memref<1x160x64xi32, #tpu.memory_space<hbm>> -> memref<160x64xi32, #tpu.memory_space<hbm>>
          %dma_start3A_185 = arith.constant 0 : i32
          %dma_start3A_186 = tpu.memref_slice %dma_start3A_184[%add3A_172, %dma_start3A_185] : memref<160x64xi32, #tpu.memory_space<hbm>> -> memref<1x64xi32, #tpu.memory_space<hbm>>
          %dma_start3A_187 = tpu.memref_squeeze %dma_start3A_186 : memref<1x64xi32, #tpu.memory_space<hbm>> -> memref<64xi32, #tpu.memory_space<hbm>>
          tpu.enqueue_dma source(%dma_start3A_187 : memref<64xi32, #tpu.memory_space<hbm>>) target(%arg9 : memref<64xi32, #tpu.memory_space<vmem>>) target_semaphore(%run_scoped3A_173 : memref<!tpu.dma_semaphore, #tpu.memory_space<semaphore_mem>>)
          %dma_wait3A_188 = arith.constant 0 : i32
          %dma_wait3A_189 = arith.constant 0 : i32
          %dma_wait3A_190 = tpu.memref_slice %arg4[%add3A, %dma_wait3A_188, %dma_wait3A_189] : memref<32x160x64xi32, #tpu.memory_space<hbm>> -> memref<1x160x64xi32, #tpu.memory_space<hbm>>
          %dma_wait3A_191 = tpu.memref_squeeze %dma_wait3A_190 : memref<1x160x64xi32, #tpu.memory_space<hbm>> -> memref<160x64xi32, #tpu.memory_space<hbm>>
          %dma_wait3A_192 = arith.constant 0 : i32
          %dma_wait3A_193 = tpu.memref_slice %dma_wait3A_191[%add3A_172, %dma_wait3A_192] : memref<160x64xi32, #tpu.memory_space<hbm>> -> memref<1x64xi32, #tpu.memory_space<hbm>>
          %dma_wait3A_194 = tpu.memref_squeeze %dma_wait3A_193 : memref<1x64xi32, #tpu.memory_space<hbm>> -> memref<64xi32, #tpu.memory_space<hbm>>
          %dma_wait3A_195 = arith.constant 0 : i32
          %dma_wait3A_196 = arith.constant 0 : i32
          %dma_wait3A_197 = tpu.memref_slice %arg4[%add3A, %dma_wait3A_195, %dma_wait3A_196] : memref<32x160x64xi32, #tpu.memory_space<hbm>> -> memref<1x160x64xi32, #tpu.memory_space<hbm>>
          %dma_wait3A_198 = tpu.memref_squeeze %dma_wait3A_197 : memref<1x160x64xi32, #tpu.memory_space<hbm>> -> memref<160x64xi32, #tpu.memory_space<hbm>>
          %dma_wait3A_199 = arith.constant 0 : i32
          %dma_wait3A_200 = tpu.memref_slice %dma_wait3A_198[%add3A_172, %dma_wait3A_199] : memref<160x64xi32, #tpu.memory_space<hbm>> -> memref<1x64xi32, #tpu.memory_space<hbm>>
          %dma_wait3A_201 = tpu.memref_squeeze %dma_wait3A_200 : memref<1x64xi32, #tpu.memory_space<hbm>> -> memref<64xi32, #tpu.memory_space<hbm>>
          tpu.wait_dma2 semaphore(%run_scoped3A_173 : memref<!tpu.dma_semaphore, #tpu.memory_space<semaphore_mem>>) src(%dma_wait3A_201 : memref<64xi32, #tpu.memory_space<hbm>>) dst(%arg9 : memref<64xi32, #tpu.memory_space<vmem>>)
          tpu.yield
        }) : () -> ()
      } else {
      }
      %mul3A_65 = arith.constant 64 : i32
      %mul3A_66 = arith.muli %add3A_56, %mul3A_65 : i32
      %dma_wait3A_67 = tpu.memref_slice %arg6[%mul3A_66] : memref<10240xi32, #tpu.memory_space<vmem>> -> memref<64xi32, #tpu.memory_space<vmem>>
      %dma_wait3A_68 = arith.constant 0 : i32
      %dma_wait3A_69 = arith.constant 0 : i32
      %dma_wait3A_70 = tpu.memref_slice %arg2[%dma_wait3A_68, %dma_wait3A_69] : memref<10000x128xf32, #tpu.memory_space<hbm>> -> memref<10000x128xf32, #tpu.memory_space<hbm>>
      tpu.wait_indirect_dma semaphore(%arg17 : memref<!tpu.dma_semaphore, #tpu.memory_space<semaphore_mem>>) src(%dma_wait3A_70 : memref<10000x128xf32, #tpu.memory_space<hbm>>) dst(%arg11 : memref<64x128xf32, #tpu.memory_space<vmem>>)
      %add3A_71 = arith.constant 2 : i32
      %add3A_72 = arith.addi %add3A_56, %add3A_71 : i32
      %lt3A_73 = arith.constant 160 : i32
      %lt3A_74 = arith.cmpi slt, %add3A_72, %lt3A_73 : i32
      %convert_element_type3A_75 = arith.extui %lt3A_74 : i1 to i32
      %cond3A_76 = arith.constant 0 : i32
      %cond3A_77 = arith.cmpi ne, %convert_element_type3A_75, %cond3A_76 : i32
      scf.if %cond3A_77 {
        %add3A_171 = arith.constant 2 : i32
        %add3A_172 = arith.addi %add3A_56, %add3A_171 : i32
        %mul3A_173 = arith.constant 64 : i32
        %mul3A_174 = arith.muli %add3A_172, %mul3A_173 : i32
        %dma_start3A_175 = tpu.memref_slice %arg6[%mul3A_174] : memref<10240xi32, #tpu.memory_space<vmem>> -> memref<64xi32, #tpu.memory_space<vmem>>
        %dma_start3A_176 = arith.constant 0 : i32
        %dma_start3A_177 = arith.constant 0 : i32
        %dma_start3A_178 = tpu.memref_slice %arg2[%dma_start3A_176, %dma_start3A_177] : memref<10000x128xf32, #tpu.memory_space<hbm>> -> memref<10000x128xf32, #tpu.memory_space<hbm>>
        tpu.enqueue_indirect_dma source(%dma_start3A_178 : memref<10000x128xf32, #tpu.memory_space<hbm>>) target(%arg13 : memref<64x128xf32, #tpu.memory_space<vmem>>) offsets(%dma_start3A_175 : memref<64xi32, #tpu.memory_space<vmem>>) semaphore(%arg19 : memref<!tpu.dma_semaphore, #tpu.memory_space<semaphore_mem>>)
      } else {
      }
      %dma_start3A_78 = arith.constant 0 : i32
      %dma_start3A_79 = arith.constant 0 : i32
      %dma_start3A_80 = tpu.memref_slice %arg16[%dma_start3A_78, %dma_start3A_79] : memref<10240x128xf32, #tpu.memory_space<vmem_shared>> -> memref<10240x128xf32, #tpu.memory_space<vmem_shared>>
      tpu.enqueue_indirect_dma source(%arg11 : memref<64x128xf32, #tpu.memory_space<vmem>>) target(%dma_start3A_80 : memref<10240x128xf32, #tpu.memory_space<vmem_shared>>) offsets(%arg7 : memref<64xi32, #tpu.memory_space<vmem>>) semaphore(%arg21 : memref<!tpu.dma_semaphore, #tpu.memory_space<semaphore_mem>>) {add = true}
      %add3A_81 = arith.constant 1 : i32
      %add3A_82 = arith.addi %add3A_54, %add3A_81 : i32
      %ge3A_83 = arith.constant 2 : i32
      %ge3A_84 = arith.cmpi sge, %add3A_82, %ge3A_83 : i32
      %convert_element_type3A_85 = arith.extui %ge3A_84 : i1 to i32
      %cond3A_86 = arith.constant 0 : i32
      %cond3A_87 = arith.cmpi ne, %convert_element_type3A_85, %cond3A_86 : i32
      scf.if %cond3A_87 {
        %dma_wait3A_171 = arith.constant 0 : i32
        %dma_wait3A_172 = arith.constant 0 : i32
        %dma_wait3A_173 = tpu.memref_slice %arg16[%dma_wait3A_171, %dma_wait3A_172] : memref<10240x128xf32, #tpu.memory_space<vmem_shared>> -> memref<10240x128xf32, #tpu.memory_space<vmem_shared>>
        tpu.wait_indirect_dma semaphore(%arg24 : memref<!tpu.dma_semaphore, #tpu.memory_space<semaphore_mem>>) src(%arg14 : memref<64x128xf32, #tpu.memory_space<vmem>>) dst(%dma_wait3A_173 : memref<10240x128xf32, #tpu.memory_space<vmem_shared>>)
      } else {
      }
      %add3A_88 = arith.constant 2 : i32
      %add3A_89 = arith.addi %add3A_82, %add3A_88 : i32
      %lt3A_90 = arith.constant 160 : i32
      %lt3A_91 = arith.cmpi slt, %add3A_89, %lt3A_90 : i32
      %convert_element_type3A_92 = arith.extui %lt3A_91 : i1 to i32
      %cond3A_93 = arith.constant 0 : i32
      %cond3A_94 = arith.cmpi ne, %convert_element_type3A_92, %cond3A_93 : i32
      scf.if %cond3A_94 {
        %add3A_171 = arith.constant 2 : i32
        %add3A_172 = arith.addi %add3A_82, %add3A_171 : i32
        "tpu.region"() ({
          %run_scoped3A_173 = tpu.sem_alloc : memref<!tpu.dma_semaphore, #tpu.memory_space<semaphore_mem>>
          %dma_start3A_174 = arith.constant 0 : i32
          %dma_start3A_175 = arith.constant 0 : i32
          %dma_start3A_176 = tpu.memref_slice %arg4[%add3A, %dma_start3A_174, %dma_start3A_175] : memref<32x160x64xi32, #tpu.memory_space<hbm>> -> memref<1x160x64xi32, #tpu.memory_space<hbm>>
          %dma_start3A_177 = tpu.memref_squeeze %dma_start3A_176 : memref<1x160x64xi32, #tpu.memory_space<hbm>> -> memref<160x64xi32, #tpu.memory_space<hbm>>
          %dma_start3A_178 = arith.constant 0 : i32
          %dma_start3A_179 = tpu.memref_slice %dma_start3A_177[%add3A_172, %dma_start3A_178] : memref<160x64xi32, #tpu.memory_space<hbm>> -> memref<1x64xi32, #tpu.memory_space<hbm>>
          %dma_start3A_180 = tpu.memref_squeeze %dma_start3A_179 : memref<1x64xi32, #tpu.memory_space<hbm>> -> memref<64xi32, #tpu.memory_space<hbm>>
          %dma_start3A_181 = arith.constant 0 : i32
          %dma_start3A_182 = arith.constant 0 : i32
          %dma_start3A_183 = tpu.memref_slice %arg4[%add3A, %dma_start3A_181, %dma_start3A_182] : memref<32x160x64xi32, #tpu.memory_space<hbm>> -> memref<1x160x64xi32, #tpu.memory_space<hbm>>
          %dma_start3A_184 = tpu.memref_squeeze %dma_start3A_183 : memref<1x160x64xi32, #tpu.memory_space<hbm>> -> memref<160x64xi32, #tpu.memory_space<hbm>>
          %dma_start3A_185 = arith.constant 0 : i32
          %dma_start3A_186 = tpu.memref_slice %dma_start3A_184[%add3A_172, %dma_start3A_185] : memref<160x64xi32, #tpu.memory_space<hbm>> -> memref<1x64xi32, #tpu.memory_space<hbm>>
          %dma_start3A_187 = tpu.memref_squeeze %dma_start3A_186 : memref<1x64xi32, #tpu.memory_space<hbm>> -> memref<64xi32, #tpu.memory_space<hbm>>
          tpu.enqueue_dma source(%dma_start3A_187 : memref<64xi32, #tpu.memory_space<hbm>>) target(%arg10 : memref<64xi32, #tpu.memory_space<vmem>>) target_semaphore(%run_scoped3A_173 : memref<!tpu.dma_semaphore, #tpu.memory_space<semaphore_mem>>)
          %dma_wait3A_188 = arith.constant 0 : i32
          %dma_wait3A_189 = arith.constant 0 : i32
          %dma_wait3A_190 = tpu.memref_slice %arg4[%add3A, %dma_wait3A_188, %dma_wait3A_189] : memref<32x160x64xi32, #tpu.memory_space<hbm>> -> memref<1x160x64xi32, #tpu.memory_space<hbm>>
          %dma_wait3A_191 = tpu.memref_squeeze %dma_wait3A_190 : memref<1x160x64xi32, #tpu.memory_space<hbm>> -> memref<160x64xi32, #tpu.memory_space<hbm>>
          %dma_wait3A_192 = arith.constant 0 : i32
          %dma_wait3A_193 = tpu.memref_slice %dma_wait3A_191[%add3A_172, %dma_wait3A_192] : memref<160x64xi32, #tpu.memory_space<hbm>> -> memref<1x64xi32, #tpu.memory_space<hbm>>
          %dma_wait3A_194 = tpu.memref_squeeze %dma_wait3A_193 : memref<1x64xi32, #tpu.memory_space<hbm>> -> memref<64xi32, #tpu.memory_space<hbm>>
          %dma_wait3A_195 = arith.constant 0 : i32
          %dma_wait3A_196 = arith.constant 0 : i32
          %dma_wait3A_197 = tpu.memref_slice %arg4[%add3A, %dma_wait3A_195, %dma_wait3A_196] : memref<32x160x64xi32, #tpu.memory_space<hbm>> -> memref<1x160x64xi32, #tpu.memory_space<hbm>>
          %dma_wait3A_198 = tpu.memref_squeeze %dma_wait3A_197 : memref<1x160x64xi32, #tpu.memory_space<hbm>> -> memref<160x64xi32, #tpu.memory_space<hbm>>
          %dma_wait3A_199 = arith.constant 0 : i32
          %dma_wait3A_200 = tpu.memref_slice %dma_wait3A_198[%add3A_172, %dma_wait3A_199] : memref<160x64xi32, #tpu.memory_space<hbm>> -> memref<1x64xi32, #tpu.memory_space<hbm>>
          %dma_wait3A_201 = tpu.memref_squeeze %dma_wait3A_200 : memref<1x64xi32, #tpu.memory_space<hbm>> -> memref<64xi32, #tpu.memory_space<hbm>>
          tpu.wait_dma2 semaphore(%run_scoped3A_173 : memref<!tpu.dma_semaphore, #tpu.memory_space<semaphore_mem>>) src(%dma_wait3A_201 : memref<64xi32, #tpu.memory_space<hbm>>) dst(%arg10 : memref<64xi32, #tpu.memory_space<vmem>>)
          tpu.yield
        }) : () -> ()
      } else {
      }
      %mul3A_95 = arith.constant 64 : i32
      %mul3A_96 = arith.muli %add3A_82, %mul3A_95 : i32
      %dma_wait3A_97 = tpu.memref_slice %arg6[%mul3A_96] : memref<10240xi32, #tpu.memory_space<vmem>> -> memref<64xi32, #tpu.memory_space<vmem>>
      %dma_wait3A_98 = arith.constant 0 : i32
      %dma_wait3A_99 = arith.constant 0 : i32
      %dma_wait3A_100 = tpu.memref_slice %arg2[%dma_wait3A_98, %dma_wait3A_99] : memref<10000x128xf32, #tpu.memory_space<hbm>> -> memref<10000x128xf32, #tpu.memory_space<hbm>>
      tpu.wait_indirect_dma semaphore(%arg18 : memref<!tpu.dma_semaphore, #tpu.memory_space<semaphore_mem>>) src(%dma_wait3A_100 : memref<10000x128xf32, #tpu.memory_space<hbm>>) dst(%arg12 : memref<64x128xf32, #tpu.memory_space<vmem>>)
      %add3A_101 = arith.constant 2 : i32
      %add3A_102 = arith.addi %add3A_82, %add3A_101 : i32
      %lt3A_103 = arith.constant 160 : i32
      %lt3A_104 = arith.cmpi slt, %add3A_102, %lt3A_103 : i32
      %convert_element_type3A_105 = arith.extui %lt3A_104 : i1 to i32
      %cond3A_106 = arith.constant 0 : i32
      %cond3A_107 = arith.cmpi ne, %convert_element_type3A_105, %cond3A_106 : i32
      scf.if %cond3A_107 {
        %add3A_171 = arith.constant 2 : i32
        %add3A_172 = arith.addi %add3A_82, %add3A_171 : i32
        %mul3A_173 = arith.constant 64 : i32
        %mul3A_174 = arith.muli %add3A_172, %mul3A_173 : i32
        %dma_start3A_175 = tpu.memref_slice %arg6[%mul3A_174] : memref<10240xi32, #tpu.memory_space<vmem>> -> memref<64xi32, #tpu.memory_space<vmem>>
        %dma_start3A_176 = arith.constant 0 : i32
        %dma_start3A_177 = arith.constant 0 : i32
        %dma_start3A_178 = tpu.memref_slice %arg2[%dma_start3A_176, %dma_start3A_177] : memref<10000x128xf32, #tpu.memory_space<hbm>> -> memref<10000x128xf32, #tpu.memory_space<hbm>>
        tpu.enqueue_indirect_dma source(%dma_start3A_178 : memref<10000x128xf32, #tpu.memory_space<hbm>>) target(%arg14 : memref<64x128xf32, #tpu.memory_space<vmem>>) offsets(%dma_start3A_175 : memref<64xi32, #tpu.memory_space<vmem>>) semaphore(%arg20 : memref<!tpu.dma_semaphore, #tpu.memory_space<semaphore_mem>>)
      } else {
      }
      %dma_start3A_108 = arith.constant 0 : i32
      %dma_start3A_109 = arith.constant 0 : i32
      %dma_start3A_110 = tpu.memref_slice %arg16[%dma_start3A_108, %dma_start3A_109] : memref<10240x128xf32, #tpu.memory_space<vmem_shared>> -> memref<10240x128xf32, #tpu.memory_space<vmem_shared>>
      tpu.enqueue_indirect_dma source(%arg12 : memref<64x128xf32, #tpu.memory_space<vmem>>) target(%dma_start3A_110 : memref<10240x128xf32, #tpu.memory_space<vmem_shared>>) offsets(%arg8 : memref<64xi32, #tpu.memory_space<vmem>>) semaphore(%arg22 : memref<!tpu.dma_semaphore, #tpu.memory_space<semaphore_mem>>) {add = true}
      %add3A_111 = arith.constant 2 : i32
      %add3A_112 = arith.addi %add3A_54, %add3A_111 : i32
      %ge3A_113 = arith.constant 2 : i32
      %ge3A_114 = arith.cmpi sge, %add3A_112, %ge3A_113 : i32
      %convert_element_type3A_115 = arith.extui %ge3A_114 : i1 to i32
      %cond3A_116 = arith.constant 0 : i32
      %cond3A_117 = arith.cmpi ne, %convert_element_type3A_115, %cond3A_116 : i32
      scf.if %cond3A_117 {
        %dma_wait3A_171 = arith.constant 0 : i32
        %dma_wait3A_172 = arith.constant 0 : i32
        %dma_wait3A_173 = tpu.memref_slice %arg16[%dma_wait3A_171, %dma_wait3A_172] : memref<10240x128xf32, #tpu.memory_space<vmem_shared>> -> memref<10240x128xf32, #tpu.memory_space<vmem_shared>>
        tpu.wait_indirect_dma semaphore(%arg21 : memref<!tpu.dma_semaphore, #tpu.memory_space<semaphore_mem>>) src(%arg11 : memref<64x128xf32, #tpu.memory_space<vmem>>) dst(%dma_wait3A_173 : memref<10240x128xf32, #tpu.memory_space<vmem_shared>>)
      } else {
      }
      %add3A_118 = arith.constant 2 : i32
      %add3A_119 = arith.addi %add3A_112, %add3A_118 : i32
      %lt3A_120 = arith.constant 160 : i32
      %lt3A_121 = arith.cmpi slt, %add3A_119, %lt3A_120 : i32
      %convert_element_type3A_122 = arith.extui %lt3A_121 : i1 to i32
      %cond3A_123 = arith.constant 0 : i32
      %cond3A_124 = arith.cmpi ne, %convert_element_type3A_122, %cond3A_123 : i32
      scf.if %cond3A_124 {
        %add3A_171 = arith.constant 2 : i32
        %add3A_172 = arith.addi %add3A_112, %add3A_171 : i32
        "tpu.region"() ({
          %run_scoped3A_173 = tpu.sem_alloc : memref<!tpu.dma_semaphore, #tpu.memory_space<semaphore_mem>>
          %dma_start3A_174 = arith.constant 0 : i32
          %dma_start3A_175 = arith.constant 0 : i32
          %dma_start3A_176 = tpu.memref_slice %arg4[%add3A, %dma_start3A_174, %dma_start3A_175] : memref<32x160x64xi32, #tpu.memory_space<hbm>> -> memref<1x160x64xi32, #tpu.memory_space<hbm>>
          %dma_start3A_177 = tpu.memref_squeeze %dma_start3A_176 : memref<1x160x64xi32, #tpu.memory_space<hbm>> -> memref<160x64xi32, #tpu.memory_space<hbm>>
          %dma_start3A_178 = arith.constant 0 : i32
          %dma_start3A_179 = tpu.memref_slice %dma_start3A_177[%add3A_172, %dma_start3A_178] : memref<160x64xi32, #tpu.memory_space<hbm>> -> memref<1x64xi32, #tpu.memory_space<hbm>>
          %dma_start3A_180 = tpu.memref_squeeze %dma_start3A_179 : memref<1x64xi32, #tpu.memory_space<hbm>> -> memref<64xi32, #tpu.memory_space<hbm>>
          %dma_start3A_181 = arith.constant 0 : i32
          %dma_start3A_182 = arith.constant 0 : i32
          %dma_start3A_183 = tpu.memref_slice %arg4[%add3A, %dma_start3A_181, %dma_start3A_182] : memref<32x160x64xi32, #tpu.memory_space<hbm>> -> memref<1x160x64xi32, #tpu.memory_space<hbm>>
          %dma_start3A_184 = tpu.memref_squeeze %dma_start3A_183 : memref<1x160x64xi32, #tpu.memory_space<hbm>> -> memref<160x64xi32, #tpu.memory_space<hbm>>
          %dma_start3A_185 = arith.constant 0 : i32
          %dma_start3A_186 = tpu.memref_slice %dma_start3A_184[%add3A_172, %dma_start3A_185] : memref<160x64xi32, #tpu.memory_space<hbm>> -> memref<1x64xi32, #tpu.memory_space<hbm>>
          %dma_start3A_187 = tpu.memref_squeeze %dma_start3A_186 : memref<1x64xi32, #tpu.memory_space<hbm>> -> memref<64xi32, #tpu.memory_space<hbm>>
          tpu.enqueue_dma source(%dma_start3A_187 : memref<64xi32, #tpu.memory_space<hbm>>) target(%arg7 : memref<64xi32, #tpu.memory_space<vmem>>) target_semaphore(%run_scoped3A_173 : memref<!tpu.dma_semaphore, #tpu.memory_space<semaphore_mem>>)
          %dma_wait3A_188 = arith.constant 0 : i32
          %dma_wait3A_189 = arith.constant 0 : i32
          %dma_wait3A_190 = tpu.memref_slice %arg4[%add3A, %dma_wait3A_188, %dma_wait3A_189] : memref<32x160x64xi32, #tpu.memory_space<hbm>> -> memref<1x160x64xi32, #tpu.memory_space<hbm>>
          %dma_wait3A_191 = tpu.memref_squeeze %dma_wait3A_190 : memref<1x160x64xi32, #tpu.memory_space<hbm>> -> memref<160x64xi32, #tpu.memory_space<hbm>>
          %dma_wait3A_192 = arith.constant 0 : i32
          %dma_wait3A_193 = tpu.memref_slice %dma_wait3A_191[%add3A_172, %dma_wait3A_192] : memref<160x64xi32, #tpu.memory_space<hbm>> -> memref<1x64xi32, #tpu.memory_space<hbm>>
          %dma_wait3A_194 = tpu.memref_squeeze %dma_wait3A_193 : memref<1x64xi32, #tpu.memory_space<hbm>> -> memref<64xi32, #tpu.memory_space<hbm>>
          %dma_wait3A_195 = arith.constant 0 : i32
          %dma_wait3A_196 = arith.constant 0 : i32
          %dma_wait3A_197 = tpu.memref_slice %arg4[%add3A, %dma_wait3A_195, %dma_wait3A_196] : memref<32x160x64xi32, #tpu.memory_space<hbm>> -> memref<1x160x64xi32, #tpu.memory_space<hbm>>
          %dma_wait3A_198 = tpu.memref_squeeze %dma_wait3A_197 : memref<1x160x64xi32, #tpu.memory_space<hbm>> -> memref<160x64xi32, #tpu.memory_space<hbm>>
          %dma_wait3A_199 = arith.constant 0 : i32
          %dma_wait3A_200 = tpu.memref_slice %dma_wait3A_198[%add3A_172, %dma_wait3A_199] : memref<160x64xi32, #tpu.memory_space<hbm>> -> memref<1x64xi32, #tpu.memory_space<hbm>>
          %dma_wait3A_201 = tpu.memref_squeeze %dma_wait3A_200 : memref<1x64xi32, #tpu.memory_space<hbm>> -> memref<64xi32, #tpu.memory_space<hbm>>
          tpu.wait_dma2 semaphore(%run_scoped3A_173 : memref<!tpu.dma_semaphore, #tpu.memory_space<semaphore_mem>>) src(%dma_wait3A_201 : memref<64xi32, #tpu.memory_space<hbm>>) dst(%arg7 : memref<64xi32, #tpu.memory_space<vmem>>)
          tpu.yield
        }) : () -> ()
      } else {
      }
      %mul3A_125 = arith.constant 64 : i32
      %mul3A_126 = arith.muli %add3A_112, %mul3A_125 : i32
      %dma_wait3A_127 = tpu.memref_slice %arg6[%mul3A_126] : memref<10240xi32, #tpu.memory_space<vmem>> -> memref<64xi32, #tpu.memory_space<vmem>>
      %dma_wait3A_128 = arith.constant 0 : i32
      %dma_wait3A_129 = arith.constant 0 : i32
      %dma_wait3A_130 = tpu.memref_slice %arg2[%dma_wait3A_128, %dma_wait3A_129] : memref<10000x128xf32, #tpu.memory_space<hbm>> -> memref<10000x128xf32, #tpu.memory_space<hbm>>
      tpu.wait_indirect_dma semaphore(%arg19 : memref<!tpu.dma_semaphore, #tpu.memory_space<semaphore_mem>>) src(%dma_wait3A_130 : memref<10000x128xf32, #tpu.memory_space<hbm>>) dst(%arg13 : memref<64x128xf32, #tpu.memory_space<vmem>>)
      %add3A_131 = arith.constant 2 : i32
      %add3A_132 = arith.addi %add3A_112, %add3A_131 : i32
      %lt3A_133 = arith.constant 160 : i32
      %lt3A_134 = arith.cmpi slt, %add3A_132, %lt3A_133 : i32
      %convert_element_type3A_135 = arith.extui %lt3A_134 : i1 to i32
      %cond3A_136 = arith.constant 0 : i32
      %cond3A_137 = arith.cmpi ne, %convert_element_type3A_135, %cond3A_136 : i32
      scf.if %cond3A_137 {
        %add3A_171 = arith.constant 2 : i32
        %add3A_172 = arith.addi %add3A_112, %add3A_171 : i32
        %mul3A_173 = arith.constant 64 : i32
        %mul3A_174 = arith.muli %add3A_172, %mul3A_173 : i32
        %dma_start3A_175 = tpu.memref_slice %arg6[%mul3A_174] : memref<10240xi32, #tpu.memory_space<vmem>> -> memref<64xi32, #tpu.memory_space<vmem>>
        %dma_start3A_176 = arith.constant 0 : i32
        %dma_start3A_177 = arith.constant 0 : i32
        %dma_start3A_178 = tpu.memref_slice %arg2[%dma_start3A_176, %dma_start3A_177] : memref<10000x128xf32, #tpu.memory_space<hbm>> -> memref<10000x128xf32, #tpu.memory_space<hbm>>
        tpu.enqueue_indirect_dma source(%dma_start3A_178 : memref<10000x128xf32, #tpu.memory_space<hbm>>) target(%arg11 : memref<64x128xf32, #tpu.memory_space<vmem>>) offsets(%dma_start3A_175 : memref<64xi32, #tpu.memory_space<vmem>>) semaphore(%arg17 : memref<!tpu.dma_semaphore, #tpu.memory_space<semaphore_mem>>)
      } else {
      }
      %dma_start3A_138 = arith.constant 0 : i32
      %dma_start3A_139 = arith.constant 0 : i32
      %dma_start3A_140 = tpu.memref_slice %arg16[%dma_start3A_138, %dma_start3A_139] : memref<10240x128xf32, #tpu.memory_space<vmem_shared>> -> memref<10240x128xf32, #tpu.memory_space<vmem_shared>>
      tpu.enqueue_indirect_dma source(%arg13 : memref<64x128xf32, #tpu.memory_space<vmem>>) target(%dma_start3A_140 : memref<10240x128xf32, #tpu.memory_space<vmem_shared>>) offsets(%arg9 : memref<64xi32, #tpu.memory_space<vmem>>) semaphore(%arg23 : memref<!tpu.dma_semaphore, #tpu.memory_space<semaphore_mem>>) {add = true}
      %add3A_141 = arith.constant 3 : i32
      %add3A_142 = arith.addi %add3A_54, %add3A_141 : i32
      %ge3A_143 = arith.constant 2 : i32
      %ge3A_144 = arith.cmpi sge, %add3A_142, %ge3A_143 : i32
      %convert_element_type3A_145 = arith.extui %ge3A_144 : i1 to i32
      %cond3A_146 = arith.constant 0 : i32
      %cond3A_147 = arith.cmpi ne, %convert_element_type3A_145, %cond3A_146 : i32
      scf.if %cond3A_147 {
        %dma_wait3A_171 = arith.constant 0 : i32
        %dma_wait3A_172 = arith.constant 0 : i32
        %dma_wait3A_173 = tpu.memref_slice %arg16[%dma_wait3A_171, %dma_wait3A_172] : memref<10240x128xf32, #tpu.memory_space<vmem_shared>> -> memref<10240x128xf32, #tpu.memory_space<vmem_shared>>
        tpu.wait_indirect_dma semaphore(%arg22 : memref<!tpu.dma_semaphore, #tpu.memory_space<semaphore_mem>>) src(%arg12 : memref<64x128xf32, #tpu.memory_space<vmem>>) dst(%dma_wait3A_173 : memref<10240x128xf32, #tpu.memory_space<vmem_shared>>)
      } else {
      }
      %add3A_148 = arith.constant 2 : i32
      %add3A_149 = arith.addi %add3A_142, %add3A_148 : i32
      %lt3A_150 = arith.constant 160 : i32
      %lt3A_151 = arith.cmpi slt, %add3A_149, %lt3A_150 : i32
      %convert_element_type3A_152 = arith.extui %lt3A_151 : i1 to i32
      %cond3A_153 = arith.constant 0 : i32
      %cond3A_154 = arith.cmpi ne, %convert_element_type3A_152, %cond3A_153 : i32
      scf.if %cond3A_154 {
        %add3A_171 = arith.constant 2 : i32
        %add3A_172 = arith.addi %add3A_142, %add3A_171 : i32
        "tpu.region"() ({
          %run_scoped3A_173 = tpu.sem_alloc : memref<!tpu.dma_semaphore, #tpu.memory_space<semaphore_mem>>
          %dma_start3A_174 = arith.constant 0 : i32
          %dma_start3A_175 = arith.constant 0 : i32
          %dma_start3A_176 = tpu.memref_slice %arg4[%add3A, %dma_start3A_174, %dma_start3A_175] : memref<32x160x64xi32, #tpu.memory_space<hbm>> -> memref<1x160x64xi32, #tpu.memory_space<hbm>>
          %dma_start3A_177 = tpu.memref_squeeze %dma_start3A_176 : memref<1x160x64xi32, #tpu.memory_space<hbm>> -> memref<160x64xi32, #tpu.memory_space<hbm>>
          %dma_start3A_178 = arith.constant 0 : i32
          %dma_start3A_179 = tpu.memref_slice %dma_start3A_177[%add3A_172, %dma_start3A_178] : memref<160x64xi32, #tpu.memory_space<hbm>> -> memref<1x64xi32, #tpu.memory_space<hbm>>
          %dma_start3A_180 = tpu.memref_squeeze %dma_start3A_179 : memref<1x64xi32, #tpu.memory_space<hbm>> -> memref<64xi32, #tpu.memory_space<hbm>>
          %dma_start3A_181 = arith.constant 0 : i32
          %dma_start3A_182 = arith.constant 0 : i32
          %dma_start3A_183 = tpu.memref_slice %arg4[%add3A, %dma_start3A_181, %dma_start3A_182] : memref<32x160x64xi32, #tpu.memory_space<hbm>> -> memref<1x160x64xi32, #tpu.memory_space<hbm>>
          %dma_start3A_184 = tpu.memref_squeeze %dma_start3A_183 : memref<1x160x64xi32, #tpu.memory_space<hbm>> -> memref<160x64xi32, #tpu.memory_space<hbm>>
          %dma_start3A_185 = arith.constant 0 : i32
          %dma_start3A_186 = tpu.memref_slice %dma_start3A_184[%add3A_172, %dma_start3A_185] : memref<160x64xi32, #tpu.memory_space<hbm>> -> memref<1x64xi32, #tpu.memory_space<hbm>>
          %dma_start3A_187 = tpu.memref_squeeze %dma_start3A_186 : memref<1x64xi32, #tpu.memory_space<hbm>> -> memref<64xi32, #tpu.memory_space<hbm>>
          tpu.enqueue_dma source(%dma_start3A_187 : memref<64xi32, #tpu.memory_space<hbm>>) target(%arg8 : memref<64xi32, #tpu.memory_space<vmem>>) target_semaphore(%run_scoped3A_173 : memref<!tpu.dma_semaphore, #tpu.memory_space<semaphore_mem>>)
          %dma_wait3A_188 = arith.constant 0 : i32
          %dma_wait3A_189 = arith.constant 0 : i32
          %dma_wait3A_190 = tpu.memref_slice %arg4[%add3A, %dma_wait3A_188, %dma_wait3A_189] : memref<32x160x64xi32, #tpu.memory_space<hbm>> -> memref<1x160x64xi32, #tpu.memory_space<hbm>>
          %dma_wait3A_191 = tpu.memref_squeeze %dma_wait3A_190 : memref<1x160x64xi32, #tpu.memory_space<hbm>> -> memref<160x64xi32, #tpu.memory_space<hbm>>
          %dma_wait3A_192 = arith.constant 0 : i32
          %dma_wait3A_193 = tpu.memref_slice %dma_wait3A_191[%add3A_172, %dma_wait3A_192] : memref<160x64xi32, #tpu.memory_space<hbm>> -> memref<1x64xi32, #tpu.memory_space<hbm>>
          %dma_wait3A_194 = tpu.memref_squeeze %dma_wait3A_193 : memref<1x64xi32, #tpu.memory_space<hbm>> -> memref<64xi32, #tpu.memory_space<hbm>>
          %dma_wait3A_195 = arith.constant 0 : i32
          %dma_wait3A_196 = arith.constant 0 : i32
          %dma_wait3A_197 = tpu.memref_slice %arg4[%add3A, %dma_wait3A_195, %dma_wait3A_196] : memref<32x160x64xi32, #tpu.memory_space<hbm>> -> memref<1x160x64xi32, #tpu.memory_space<hbm>>
          %dma_wait3A_198 = tpu.memref_squeeze %dma_wait3A_197 : memref<1x160x64xi32, #tpu.memory_space<hbm>> -> memref<160x64xi32, #tpu.memory_space<hbm>>
          %dma_wait3A_199 = arith.constant 0 : i32
          %dma_wait3A_200 = tpu.memref_slice %dma_wait3A_198[%add3A_172, %dma_wait3A_199] : memref<160x64xi32, #tpu.memory_space<hbm>> -> memref<1x64xi32, #tpu.memory_space<hbm>>
          %dma_wait3A_201 = tpu.memref_squeeze %dma_wait3A_200 : memref<1x64xi32, #tpu.memory_space<hbm>> -> memref<64xi32, #tpu.memory_space<hbm>>
          tpu.wait_dma2 semaphore(%run_scoped3A_173 : memref<!tpu.dma_semaphore, #tpu.memory_space<semaphore_mem>>) src(%dma_wait3A_201 : memref<64xi32, #tpu.memory_space<hbm>>) dst(%arg8 : memref<64xi32, #tpu.memory_space<vmem>>)
          tpu.yield
        }) : () -> ()
      } else {
      }
      %mul3A_155 = arith.constant 64 : i32
      %mul3A_156 = arith.muli %add3A_142, %mul3A_155 : i32
      %dma_wait3A_157 = tpu.memref_slice %arg6[%mul3A_156] : memref<10240xi32, #tpu.memory_space<vmem>> -> memref<64xi32, #tpu.memory_space<vmem>>
      %dma_wait3A_158 = arith.constant 0 : i32
      %dma_wait3A_159 = arith.constant 0 : i32
      %dma_wait3A_160 = tpu.memref_slice %arg2[%dma_wait3A_158, %dma_wait3A_159] : memref<10000x128xf32, #tpu.memory_space<hbm>> -> memref<10000x128xf32, #tpu.memory_space<hbm>>
      tpu.wait_indirect_dma semaphore(%arg20 : memref<!tpu.dma_semaphore, #tpu.memory_space<semaphore_mem>>) src(%dma_wait3A_160 : memref<10000x128xf32, #tpu.memory_space<hbm>>) dst(%arg14 : memref<64x128xf32, #tpu.memory_space<vmem>>)
      %add3A_161 = arith.constant 2 : i32
      %add3A_162 = arith.addi %add3A_142, %add3A_161 : i32
      %lt3A_163 = arith.constant 160 : i32
      %lt3A_164 = arith.cmpi slt, %add3A_162, %lt3A_163 : i32
      %convert_element_type3A_165 = arith.extui %lt3A_164 : i1 to i32
      %cond3A_166 = arith.constant 0 : i32
      %cond3A_167 = arith.cmpi ne, %convert_element_type3A_165, %cond3A_166 : i32
      scf.if %cond3A_167 {
        %add3A_171 = arith.constant 2 : i32
        %add3A_172 = arith.addi %add3A_142, %add3A_171 : i32
        %mul3A_173 = arith.constant 64 : i32
        %mul3A_174 = arith.muli %add3A_172, %mul3A_173 : i32
        %dma_start3A_175 = tpu.memref_slice %arg6[%mul3A_174] : memref<10240xi32, #tpu.memory_space<vmem>> -> memref<64xi32, #tpu.memory_space<vmem>>
        %dma_start3A_176 = arith.constant 0 : i32
        %dma_start3A_177 = arith.constant 0 : i32
        %dma_start3A_178 = tpu.memref_slice %arg2[%dma_start3A_176, %dma_start3A_177] : memref<10000x128xf32, #tpu.memory_space<hbm>> -> memref<10000x128xf32, #tpu.memory_space<hbm>>
        tpu.enqueue_indirect_dma source(%dma_start3A_178 : memref<10000x128xf32, #tpu.memory_space<hbm>>) target(%arg12 : memref<64x128xf32, #tpu.memory_space<vmem>>) offsets(%dma_start3A_175 : memref<64xi32, #tpu.memory_space<vmem>>) semaphore(%arg18 : memref<!tpu.dma_semaphore, #tpu.memory_space<semaphore_mem>>)
      } else {
      }
      %dma_start3A_168 = arith.constant 0 : i32
      %dma_start3A_169 = arith.constant 0 : i32
      %dma_start3A_170 = tpu.memref_slice %arg16[%dma_start3A_168, %dma_start3A_169] : memref<10240x128xf32, #tpu.memory_space<vmem_shared>> -> memref<10240x128xf32, #tpu.memory_space<vmem_shared>>
      tpu.enqueue_indirect_dma source(%arg14 : memref<64x128xf32, #tpu.memory_space<vmem>>) target(%dma_start3A_170 : memref<10240x128xf32, #tpu.memory_space<vmem_shared>>) offsets(%arg10 : memref<64xi32, #tpu.memory_space<vmem>>) semaphore(%arg24 : memref<!tpu.dma_semaphore, #tpu.memory_space<semaphore_mem>>) {add = true}
    }
    %scan3A_42 = arith.constant 40 : i32
    %dma_wait3A_43 = arith.constant 0 : i32
    %dma_wait3A_44 = arith.constant 0 : i32
    %dma_wait3A_45 = tpu.memref_slice %arg16[%dma_wait3A_43, %dma_wait3A_44] : memref<10240x128xf32, #tpu.memory_space<vmem_shared>> -> memref<10240x128xf32, #tpu.memory_space<vmem_shared>>
    tpu.wait_indirect_dma semaphore(%arg23 : memref<!tpu.dma_semaphore, #tpu.memory_space<semaphore_mem>>) src(%arg13 : memref<64x128xf32, #tpu.memory_space<vmem>>) dst(%dma_wait3A_45 : memref<10240x128xf32, #tpu.memory_space<vmem_shared>>)
    %dma_wait3A_46 = arith.constant 0 : i32
    %dma_wait3A_47 = arith.constant 0 : i32
    %dma_wait3A_48 = tpu.memref_slice %arg16[%dma_wait3A_46, %dma_wait3A_47] : memref<10240x128xf32, #tpu.memory_space<vmem_shared>> -> memref<10240x128xf32, #tpu.memory_space<vmem_shared>>
    tpu.wait_indirect_dma semaphore(%arg24 : memref<!tpu.dma_semaphore, #tpu.memory_space<semaphore_mem>>) src(%arg14 : memref<64x128xf32, #tpu.memory_space<vmem>>) dst(%dma_wait3A_48 : memref<10240x128xf32, #tpu.memory_space<vmem_shared>>)
    %barrier3A_49 = arith.constant 0 : index
    tpu.barrier barrier_id(%barrier3A_49)
    "tpu.region"() ({
      %run_scoped3A_50 = tpu.sem_alloc : memref<!tpu.dma_semaphore, #tpu.memory_space<semaphore_mem>>
      %dma_start3A_51 = arith.constant 0 : i32
      %dma_start3A_52 = arith.constant 0 : i32
      %dma_start3A_53 = tpu.memref_slice %arg5[%arg0, %dma_start3A_51, %dma_start3A_52] : memref<2x10240x128xf32, #tpu.memory_space<hbm>> -> memref<1x10240x128xf32, #tpu.memory_space<hbm>>
      %dma_start3A_54 = tpu.memref_squeeze %dma_start3A_53 : memref<1x10240x128xf32, #tpu.memory_space<hbm>> -> memref<10240x128xf32, #tpu.memory_space<hbm>>
      %dma_start3A_55 = arith.constant 0 : i32
      %dma_start3A_56 = tpu.memref_slice %dma_start3A_54[%mul3A_2, %dma_start3A_55] : memref<10240x128xf32, #tpu.memory_space<hbm>> -> memref<640x128xf32, #tpu.memory_space<hbm>>
      %dma_start3A_57 = arith.constant 0 : i32
      %dma_start3A_58 = tpu.memref_slice %arg16[%mul3A_2, %dma_start3A_57] : memref<10240x128xf32, #tpu.memory_space<vmem_shared>> -> memref<640x128xf32, #tpu.memory_space<vmem_shared>>
      tpu.enqueue_dma source(%dma_start3A_58 : memref<640x128xf32, #tpu.memory_space<vmem_shared>>) target(%dma_start3A_56 : memref<640x128xf32, #tpu.memory_space<hbm>>) target_semaphore(%run_scoped3A_50 : memref<!tpu.dma_semaphore, #tpu.memory_space<semaphore_mem>>)
      %dma_wait3A_59 = arith.constant 0 : i32
      %dma_wait3A_60 = arith.constant 0 : i32
      %dma_wait3A_61 = tpu.memref_slice %arg5[%arg0, %dma_wait3A_59, %dma_wait3A_60] : memref<2x10240x128xf32, #tpu.memory_space<hbm>> -> memref<1x10240x128xf32, #tpu.memory_space<hbm>>
      %dma_wait3A_62 = tpu.memref_squeeze %dma_wait3A_61 : memref<1x10240x128xf32, #tpu.memory_space<hbm>> -> memref<10240x128xf32, #tpu.memory_space<hbm>>
      %dma_wait3A_63 = arith.constant 0 : i32
      %dma_wait3A_64 = tpu.memref_slice %dma_wait3A_62[%mul3A_2, %dma_wait3A_63] : memref<10240x128xf32, #tpu.memory_space<hbm>> -> memref<640x128xf32, #tpu.memory_space<hbm>>
      %dma_wait3A_65 = arith.constant 0 : i32
      %dma_wait3A_66 = tpu.memref_slice %arg16[%mul3A_2, %dma_wait3A_65] : memref<10240x128xf32, #tpu.memory_space<vmem_shared>> -> memref<640x128xf32, #tpu.memory_space<vmem_shared>>
      tpu.wait_dma2 semaphore(%run_scoped3A_50 : memref<!tpu.dma_semaphore, #tpu.memory_space<semaphore_mem>>) src(%dma_wait3A_66 : memref<640x128xf32, #tpu.memory_space<vmem_shared>>) dst(%dma_wait3A_64 : memref<640x128xf32, #tpu.memory_space<hbm>>)
      tpu.yield
    }) : () -> ()
    return
  }
}

#map = affine_map<(d0, d1) -> (0, 0)>
#map1 = affine_map<(d0, d1) -> (0, 0, 0)>
module attributes {stable_mosaic.version = 14 : i64} {
  func.func @k(%arg0: i32, %arg1: i32, %arg2: memref<32x10000xi32, #tpu.memory_space<hbm>>, %arg3: memref<32x10000xi32, #tpu.memory_space<hbm>>, %arg4: memref<2x32x10240xf32, #tpu.memory_space<hbm>>, %arg5: memref<10000xi32, #tpu.memory_space<vmem>>, %arg6: memref<10000xi32, #tpu.memory_space<vmem>>, %arg7: memref<10240xf32, #tpu.memory_space<vmem>>, %arg8: memref<10240xf32, #tpu.memory_space<vmem>>, %arg9: memref<!tpu.dma_semaphore, #tpu.memory_space<semaphore_mem>>) attributes {dimension_semantics = [#tpu.dimension_semantics<core_parallel>, #tpu.dimension_semantics<subcore_parallel>], iteration_bounds = array<i64: 2, 16>, scalar_prefetch = 0 : i64, scratch_operands = 5 : i64, tpu.core_type = #tpu.core_type<sc_vector_subcore>, window_params = [{transform_indices = #map}, {transform_indices = #map}, {transform_indices = #map1}]} {
    %mul3A = arith.constant 2 : i32
    %mul3A_0 = arith.muli %arg1, %mul3A : i32
    %add3A = arith.addi %mul3A_0, %arg0 : i32
    %dma_start3A = arith.constant 0 : i32
    %dma_start3A_1 = tpu.memref_slice %arg2[%add3A, %dma_start3A] : memref<32x10000xi32, #tpu.memory_space<hbm>> -> memref<1x10000xi32, #tpu.memory_space<hbm>>
    %dma_start3A_2 = tpu.memref_squeeze %dma_start3A_1 : memref<1x10000xi32, #tpu.memory_space<hbm>> -> memref<10000xi32, #tpu.memory_space<hbm>>
    %dma_start3A_3 = arith.constant 0 : i32
    %dma_start3A_4 = tpu.memref_slice %arg2[%add3A, %dma_start3A_3] : memref<32x10000xi32, #tpu.memory_space<hbm>> -> memref<1x10000xi32, #tpu.memory_space<hbm>>
    %dma_start3A_5 = tpu.memref_squeeze %dma_start3A_4 : memref<1x10000xi32, #tpu.memory_space<hbm>> -> memref<10000xi32, #tpu.memory_space<hbm>>
    tpu.enqueue_dma source(%dma_start3A_5 : memref<10000xi32, #tpu.memory_space<hbm>>) target(%arg5 : memref<10000xi32, #tpu.memory_space<vmem>>) target_semaphore(%arg9 : memref<!tpu.dma_semaphore, #tpu.memory_space<semaphore_mem>>)
    %dma_start3A_6 = arith.constant 0 : i32
    %dma_start3A_7 = tpu.memref_slice %arg3[%add3A, %dma_start3A_6] : memref<32x10000xi32, #tpu.memory_space<hbm>> -> memref<1x10000xi32, #tpu.memory_space<hbm>>
    %dma_start3A_8 = tpu.memref_squeeze %dma_start3A_7 : memref<1x10000xi32, #tpu.memory_space<hbm>> -> memref<10000xi32, #tpu.memory_space<hbm>>
    %dma_start3A_9 = arith.constant 0 : i32
    %dma_start3A_10 = tpu.memref_slice %arg3[%add3A, %dma_start3A_9] : memref<32x10000xi32, #tpu.memory_space<hbm>> -> memref<1x10000xi32, #tpu.memory_space<hbm>>
    %dma_start3A_11 = tpu.memref_squeeze %dma_start3A_10 : memref<1x10000xi32, #tpu.memory_space<hbm>> -> memref<10000xi32, #tpu.memory_space<hbm>>
    tpu.enqueue_dma source(%dma_start3A_11 : memref<10000xi32, #tpu.memory_space<hbm>>) target(%arg6 : memref<10000xi32, #tpu.memory_space<vmem>>) target_semaphore(%arg9 : memref<!tpu.dma_semaphore, #tpu.memory_space<semaphore_mem>>)
    %broadcast_in_dim3A = arith.constant 0.000000e+00 : f32
    %broadcast_in_dim3A_12 = vector.broadcast %broadcast_in_dim3A : f32 to vector<16xf32>
    %scan3A = arith.constant 0 : i32
    %scan3A_13 = arith.constant 640 : i32
    %scan3A_14 = arith.addi %scan3A, %scan3A_13 : i32
    %scan3A_15 = arith.constant 1 : i32
    scf.for %scan3A_36 = %scan3A to %scan3A_14 step %scan3A_15  : i32 {
      %mul3A_37 = arith.constant 16 : i32
      %mul3A_38 = arith.muli %scan3A_36, %mul3A_37 : i32
      %add3A_39 = arith.constant 0 : i32
      %add3A_40 = arith.addi %add3A_39, %mul3A_38 : i32
      %swap3A = arith.index_cast %add3A_40 : i32 to index
      %swap3A_41 = tpu.vector_load %arg7[%swap3A] {strides = array<i32>} : memref<10240xf32, #tpu.memory_space<vmem>>, vector<16xf32>,
      tpu.vector_store %arg7[%swap3A], %broadcast_in_dim3A_12 {strides = array<i32>} : memref<10240xf32, #tpu.memory_space<vmem>>, vector<16xf32>,
      %swap3A_42 = arith.index_cast %add3A_40 : i32 to index
      %swap3A_43 = tpu.vector_load %arg8[%swap3A_42] {strides = array<i32>} : memref<10240xf32, #tpu.memory_space<vmem>>, vector<16xf32>,
      tpu.vector_store %arg8[%swap3A_42], %broadcast_in_dim3A_12 {strides = array<i32>} : memref<10240xf32, #tpu.memory_space<vmem>>, vector<16xf32>,
    }
    %scan3A_16 = arith.constant 640 : i32
    %dma_wait3A = arith.constant 0 : i32
    %dma_wait3A_17 = tpu.memref_slice %arg2[%add3A, %dma_wait3A] : memref<32x10000xi32, #tpu.memory_space<hbm>> -> memref<1x10000xi32, #tpu.memory_space<hbm>>
    %dma_wait3A_18 = tpu.memref_squeeze %dma_wait3A_17 : memref<1x10000xi32, #tpu.memory_space<hbm>> -> memref<10000xi32, #tpu.memory_space<hbm>>
    %dma_wait3A_19 = arith.constant 0 : i32
    %dma_wait3A_20 = tpu.memref_slice %arg2[%add3A, %dma_wait3A_19] : memref<32x10000xi32, #tpu.memory_space<hbm>> -> memref<1x10000xi32, #tpu.memory_space<hbm>>
    %dma_wait3A_21 = tpu.memref_squeeze %dma_wait3A_20 : memref<1x10000xi32, #tpu.memory_space<hbm>> -> memref<10000xi32, #tpu.memory_space<hbm>>
    tpu.wait_dma2 semaphore(%arg9 : memref<!tpu.dma_semaphore, #tpu.memory_space<semaphore_mem>>) src(%dma_wait3A_21 : memref<10000xi32, #tpu.memory_space<hbm>>) dst(%arg5 : memref<10000xi32, #tpu.memory_space<vmem>>)
    %dma_wait3A_22 = arith.constant 0 : i32
    %dma_wait3A_23 = tpu.memref_slice %arg3[%add3A, %dma_wait3A_22] : memref<32x10000xi32, #tpu.memory_space<hbm>> -> memref<1x10000xi32, #tpu.memory_space<hbm>>
    %dma_wait3A_24 = tpu.memref_squeeze %dma_wait3A_23 : memref<1x10000xi32, #tpu.memory_space<hbm>> -> memref<10000xi32, #tpu.memory_space<hbm>>
    %dma_wait3A_25 = arith.constant 0 : i32
    %dma_wait3A_26 = tpu.memref_slice %arg3[%add3A, %dma_wait3A_25] : memref<32x10000xi32, #tpu.memory_space<hbm>> -> memref<1x10000xi32, #tpu.memory_space<hbm>>
    %dma_wait3A_27 = tpu.memref_squeeze %dma_wait3A_26 : memref<1x10000xi32, #tpu.memory_space<hbm>> -> memref<10000xi32, #tpu.memory_space<hbm>>
    tpu.wait_dma2 semaphore(%arg9 : memref<!tpu.dma_semaphore, #tpu.memory_space<semaphore_mem>>) src(%dma_wait3A_27 : memref<10000xi32, #tpu.memory_space<hbm>>) dst(%arg6 : memref<10000xi32, #tpu.memory_space<vmem>>)
    %broadcast_in_dim3A_28 = arith.constant 1.000000e+00 : f32
    %broadcast_in_dim3A_29 = vector.broadcast %broadcast_in_dim3A_28 : f32 to vector<16xf32>
    %scan3A_30 = arith.constant 0 : i32
    %scan3A_31 = arith.constant 625 : i32
    %scan3A_32 = arith.addi %scan3A_30, %scan3A_31 : i32
    %scan3A_33 = arith.constant 1 : i32
    scf.for %scan3A_36 = %scan3A_30 to %scan3A_32 step %scan3A_33  : i32 {
      %mul3A_37 = arith.constant 16 : i32
      %mul3A_38 = arith.muli %scan3A_36, %mul3A_37 : i32
      %add3A_39 = arith.constant 0 : i32
      %add3A_40 = arith.addi %add3A_39, %mul3A_38 : i32
      %get3A = arith.index_cast %add3A_40 : i32 to index
      %get3A_41 = tpu.vector_load %arg5[%get3A] {strides = array<i32>} : memref<10000xi32, #tpu.memory_space<vmem>>, vector<16xi32>,
      tpu.vector_store_idx %arg7[%get3A_41], %broadcast_in_dim3A_29 {add = true} : memref<10240xf32, #tpu.memory_space<vmem>>[vector<16xi32>], vector<16xf32>,
      %get3A_42 = arith.index_cast %add3A_40 : i32 to index
      %get3A_43 = tpu.vector_load %arg6[%get3A_42] {strides = array<i32>} : memref<10000xi32, #tpu.memory_space<vmem>>, vector<16xi32>,
      tpu.vector_store_idx %arg8[%get3A_43], %broadcast_in_dim3A_29 {add = true} : memref<10240xf32, #tpu.memory_space<vmem>>[vector<16xi32>], vector<16xf32>,
    }
    %scan3A_34 = arith.constant 625 : i32
    %run_scoped3A = arith.constant 0 : i32
    "tpu.region"() ({
      %run_scoped3A_36 = tpu.sem_alloc : memref<!tpu.dma_semaphore, #tpu.memory_space<semaphore_mem>>
      %dma_start3A_37 = arith.constant 0 : i32
      %dma_start3A_38 = arith.constant 0 : i32
      %dma_start3A_39 = tpu.memref_slice %arg4[%run_scoped3A, %dma_start3A_37, %dma_start3A_38] : memref<2x32x10240xf32, #tpu.memory_space<hbm>> -> memref<1x32x10240xf32, #tpu.memory_space<hbm>>
      %dma_start3A_40 = tpu.memref_squeeze %dma_start3A_39 : memref<1x32x10240xf32, #tpu.memory_space<hbm>> -> memref<32x10240xf32, #tpu.memory_space<hbm>>
      %dma_start3A_41 = arith.constant 0 : i32
      %dma_start3A_42 = tpu.memref_slice %dma_start3A_40[%add3A, %dma_start3A_41] : memref<32x10240xf32, #tpu.memory_space<hbm>> -> memref<1x10240xf32, #tpu.memory_space<hbm>>
      %dma_start3A_43 = tpu.memref_squeeze %dma_start3A_42 : memref<1x10240xf32, #tpu.memory_space<hbm>> -> memref<10240xf32, #tpu.memory_space<hbm>>
      %dma_start3A_44 = arith.constant 0 : i32
      %dma_start3A_45 = arith.constant 0 : i32
      %dma_start3A_46 = tpu.memref_slice %arg4[%run_scoped3A, %dma_start3A_44, %dma_start3A_45] : memref<2x32x10240xf32, #tpu.memory_space<hbm>> -> memref<1x32x10240xf32, #tpu.memory_space<hbm>>
      %dma_start3A_47 = tpu.memref_squeeze %dma_start3A_46 : memref<1x32x10240xf32, #tpu.memory_space<hbm>> -> memref<32x10240xf32, #tpu.memory_space<hbm>>
      %dma_start3A_48 = arith.constant 0 : i32
      %dma_start3A_49 = tpu.memref_slice %dma_start3A_47[%add3A, %dma_start3A_48] : memref<32x10240xf32, #tpu.memory_space<hbm>> -> memref<1x10240xf32, #tpu.memory_space<hbm>>
      %dma_start3A_50 = tpu.memref_squeeze %dma_start3A_49 : memref<1x10240xf32, #tpu.memory_space<hbm>> -> memref<10240xf32, #tpu.memory_space<hbm>>
      tpu.enqueue_dma source(%arg7 : memref<10240xf32, #tpu.memory_space<vmem>>) target(%dma_start3A_50 : memref<10240xf32, #tpu.memory_space<hbm>>) target_semaphore(%run_scoped3A_36 : memref<!tpu.dma_semaphore, #tpu.memory_space<semaphore_mem>>)
      %dma_wait3A_51 = arith.constant 0 : i32
      %dma_wait3A_52 = arith.constant 0 : i32
      %dma_wait3A_53 = tpu.memref_slice %arg4[%run_scoped3A, %dma_wait3A_51, %dma_wait3A_52] : memref<2x32x10240xf32, #tpu.memory_space<hbm>> -> memref<1x32x10240xf32, #tpu.memory_space<hbm>>
      %dma_wait3A_54 = tpu.memref_squeeze %dma_wait3A_53 : memref<1x32x10240xf32, #tpu.memory_space<hbm>> -> memref<32x10240xf32, #tpu.memory_space<hbm>>
      %dma_wait3A_55 = arith.constant 0 : i32
      %dma_wait3A_56 = tpu.memref_slice %dma_wait3A_54[%add3A, %dma_wait3A_55] : memref<32x10240xf32, #tpu.memory_space<hbm>> -> memref<1x10240xf32, #tpu.memory_space<hbm>>
      %dma_wait3A_57 = tpu.memref_squeeze %dma_wait3A_56 : memref<1x10240xf32, #tpu.memory_space<hbm>> -> memref<10240xf32, #tpu.memory_space<hbm>>
      %dma_wait3A_58 = arith.constant 0 : i32
      %dma_wait3A_59 = arith.constant 0 : i32
      %dma_wait3A_60 = tpu.memref_slice %arg4[%run_scoped3A, %dma_wait3A_58, %dma_wait3A_59] : memref<2x32x10240xf32, #tpu.memory_space<hbm>> -> memref<1x32x10240xf32, #tpu.memory_space<hbm>>
      %dma_wait3A_61 = tpu.memref_squeeze %dma_wait3A_60 : memref<1x32x10240xf32, #tpu.memory_space<hbm>> -> memref<32x10240xf32, #tpu.memory_space<hbm>>
      %dma_wait3A_62 = arith.constant 0 : i32
      %dma_wait3A_63 = tpu.memref_slice %dma_wait3A_61[%add3A, %dma_wait3A_62] : memref<32x10240xf32, #tpu.memory_space<hbm>> -> memref<1x10240xf32, #tpu.memory_space<hbm>>
      %dma_wait3A_64 = tpu.memref_squeeze %dma_wait3A_63 : memref<1x10240xf32, #tpu.memory_space<hbm>> -> memref<10240xf32, #tpu.memory_space<hbm>>
      tpu.wait_dma2 semaphore(%run_scoped3A_36 : memref<!tpu.dma_semaphore, #tpu.memory_space<semaphore_mem>>) src(%arg7 : memref<10240xf32, #tpu.memory_space<vmem>>) dst(%dma_wait3A_64 : memref<10240xf32, #tpu.memory_space<hbm>>)
      tpu.yield
    }) : () -> ()
    %run_scoped3A_35 = arith.constant 1 : i32
    "tpu.region"() ({
      %run_scoped3A_36 = tpu.sem_alloc : memref<!tpu.dma_semaphore, #tpu.memory_space<semaphore_mem>>
      %dma_start3A_37 = arith.constant 0 : i32
      %dma_start3A_38 = arith.constant 0 : i32
      %dma_start3A_39 = tpu.memref_slice %arg4[%run_scoped3A_35, %dma_start3A_37, %dma_start3A_38] : memref<2x32x10240xf32, #tpu.memory_space<hbm>> -> memref<1x32x10240xf32, #tpu.memory_space<hbm>>
      %dma_start3A_40 = tpu.memref_squeeze %dma_start3A_39 : memref<1x32x10240xf32, #tpu.memory_space<hbm>> -> memref<32x10240xf32, #tpu.memory_space<hbm>>
      %dma_start3A_41 = arith.constant 0 : i32
      %dma_start3A_42 = tpu.memref_slice %dma_start3A_40[%add3A, %dma_start3A_41] : memref<32x10240xf32, #tpu.memory_space<hbm>> -> memref<1x10240xf32, #tpu.memory_space<hbm>>
      %dma_start3A_43 = tpu.memref_squeeze %dma_start3A_42 : memref<1x10240xf32, #tpu.memory_space<hbm>> -> memref<10240xf32, #tpu.memory_space<hbm>>
      %dma_start3A_44 = arith.constant 0 : i32
      %dma_start3A_45 = arith.constant 0 : i32
      %dma_start3A_46 = tpu.memref_slice %arg4[%run_scoped3A_35, %dma_start3A_44, %dma_start3A_45] : memref<2x32x10240xf32, #tpu.memory_space<hbm>> -> memref<1x32x10240xf32, #tpu.memory_space<hbm>>
      %dma_start3A_47 = tpu.memref_squeeze %dma_start3A_46 : memref<1x32x10240xf32, #tpu.memory_space<hbm>> -> memref<32x10240xf32, #tpu.memory_space<hbm>>
      %dma_start3A_48 = arith.constant 0 : i32
      %dma_start3A_49 = tpu.memref_slice %dma_start3A_47[%add3A, %dma_start3A_48] : memref<32x10240xf32, #tpu.memory_space<hbm>> -> memref<1x10240xf32, #tpu.memory_space<hbm>>
      %dma_start3A_50 = tpu.memref_squeeze %dma_start3A_49 : memref<1x10240xf32, #tpu.memory_space<hbm>> -> memref<10240xf32, #tpu.memory_space<hbm>>
      tpu.enqueue_dma source(%arg8 : memref<10240xf32, #tpu.memory_space<vmem>>) target(%dma_start3A_50 : memref<10240xf32, #tpu.memory_space<hbm>>) target_semaphore(%run_scoped3A_36 : memref<!tpu.dma_semaphore, #tpu.memory_space<semaphore_mem>>)
      %dma_wait3A_51 = arith.constant 0 : i32
      %dma_wait3A_52 = arith.constant 0 : i32
      %dma_wait3A_53 = tpu.memref_slice %arg4[%run_scoped3A_35, %dma_wait3A_51, %dma_wait3A_52] : memref<2x32x10240xf32, #tpu.memory_space<hbm>> -> memref<1x32x10240xf32, #tpu.memory_space<hbm>>
      %dma_wait3A_54 = tpu.memref_squeeze %dma_wait3A_53 : memref<1x32x10240xf32, #tpu.memory_space<hbm>> -> memref<32x10240xf32, #tpu.memory_space<hbm>>
      %dma_wait3A_55 = arith.constant 0 : i32
      %dma_wait3A_56 = tpu.memref_slice %dma_wait3A_54[%add3A, %dma_wait3A_55] : memref<32x10240xf32, #tpu.memory_space<hbm>> -> memref<1x10240xf32, #tpu.memory_space<hbm>>
      %dma_wait3A_57 = tpu.memref_squeeze %dma_wait3A_56 : memref<1x10240xf32, #tpu.memory_space<hbm>> -> memref<10240xf32, #tpu.memory_space<hbm>>
      %dma_wait3A_58 = arith.constant 0 : i32
      %dma_wait3A_59 = arith.constant 0 : i32
      %dma_wait3A_60 = tpu.memref_slice %arg4[%run_scoped3A_35, %dma_wait3A_58, %dma_wait3A_59] : memref<2x32x10240xf32, #tpu.memory_space<hbm>> -> memref<1x32x10240xf32, #tpu.memory_space<hbm>>
      %dma_wait3A_61 = tpu.memref_squeeze %dma_wait3A_60 : memref<1x32x10240xf32, #tpu.memory_space<hbm>> -> memref<32x10240xf32, #tpu.memory_space<hbm>>
      %dma_wait3A_62 = arith.constant 0 : i32
      %dma_wait3A_63 = tpu.memref_slice %dma_wait3A_61[%add3A, %dma_wait3A_62] : memref<32x10240xf32, #tpu.memory_space<hbm>> -> memref<1x10240xf32, #tpu.memory_space<hbm>>
      %dma_wait3A_64 = tpu.memref_squeeze %dma_wait3A_63 : memref<1x10240xf32, #tpu.memory_space<hbm>> -> memref<10240xf32, #tpu.memory_space<hbm>>
      tpu.wait_dma2 semaphore(%run_scoped3A_36 : memref<!tpu.dma_semaphore, #tpu.memory_space<semaphore_mem>>) src(%arg8 : memref<10240xf32, #tpu.memory_space<vmem>>) dst(%dma_wait3A_64 : memref<10240xf32, #tpu.memory_space<hbm>>)
      tpu.yield
    }) : () -> ()
    return
  }
}

#map = affine_map<(d0, d1) -> (0, 0)>
#map1 = affine_map<(d0, d1) -> (0, 0, 0)>
module attributes {stable_mosaic.version = 14 : i64} {
  func.func @k(%arg0: i32, %arg1: i32, %arg2: memref<10000x128xf32, #tpu.memory_space<hbm>>, %arg3: memref<32x10240xi32, #tpu.memory_space<hbm>>, %arg4: memref<32x160x64xi32, #tpu.memory_space<hbm>>, %arg5: memref<2x10240x128xf32, #tpu.memory_space<hbm>>, %arg6: memref<10240xi32, #tpu.memory_space<vmem>>, %arg7: memref<64xi32, #tpu.memory_space<vmem>>, %arg8: memref<64xi32, #tpu.memory_space<vmem>>, %arg9: memref<64xi32, #tpu.memory_space<vmem>>, %arg10: memref<64xi32, #tpu.memory_space<vmem>>, %arg11: memref<64x128xf32, #tpu.memory_space<vmem>>, %arg12: memref<64x128xf32, #tpu.memory_space<vmem>>, %arg13: memref<64x128xf32, #tpu.memory_space<vmem>>, %arg14: memref<64x128xf32, #tpu.memory_space<vmem>>, %arg15: memref<32x128xf32, #tpu.memory_space<vmem>>, %arg16: memref<10240x128xf32, #tpu.memory_space<vmem_shared>>, %arg17: memref<!tpu.dma_semaphore, #tpu.memory_space<semaphore_mem>>, %arg18: memref<!tpu.dma_semaphore, #tpu.memory_space<semaphore_mem>>, %arg19: memref<!tpu.dma_semaphore, #tpu.memory_space<semaphore_mem>>, %arg20: memref<!tpu.dma_semaphore, #tpu.memory_space<semaphore_mem>>, %arg21: memref<!tpu.dma_semaphore, #tpu.memory_space<semaphore_mem>>, %arg22: memref<!tpu.dma_semaphore, #tpu.memory_space<semaphore_mem>>, %arg23: memref<!tpu.dma_semaphore, #tpu.memory_space<semaphore_mem>>, %arg24: memref<!tpu.dma_semaphore, #tpu.memory_space<semaphore_mem>>, %arg25: memref<!tpu.dma_semaphore, #tpu.memory_space<semaphore_mem>>, %arg26: memref<!tpu.dma_semaphore, #tpu.memory_space<semaphore_mem>>) attributes {dimension_semantics = [#tpu.dimension_semantics<core_parallel>, #tpu.dimension_semantics<subcore_parallel>], iteration_bounds = array<i64: 2, 16>, scalar_prefetch = 0 : i64, scratch_operands = 21 : i64, tpu.core_type = #tpu.core_type<sc_vector_subcore>, window_params = [{transform_indices = #map}, {transform_indices = #map}, {transform_indices = #map1}, {transform_indices = #map1}]} {
    %mul3A = arith.constant 2 : i32
    %mul3A_0 = arith.muli %arg1, %mul3A : i32
    %add3A = arith.addi %mul3A_0, %arg0 : i32
    %mul3A_1 = arith.constant 640 : i32
    %mul3A_2 = arith.muli %arg1, %mul3A_1 : i32
    %dma_start3A = arith.constant 0 : i32
    %dma_start3A_3 = tpu.memref_slice %arg3[%add3A, %dma_start3A] : memref<32x10240xi32, #tpu.memory_space<hbm>> -> memref<1x10240xi32, #tpu.memory_space<hbm>>
    %dma_start3A_4 = tpu.memref_squeeze %dma_start3A_3 : memref<1x10240xi32, #tpu.memory_space<hbm>> -> memref<10240xi32, #tpu.memory_space<hbm>>
    %dma_start3A_5 = arith.constant 0 : i32
    %dma_start3A_6 = tpu.memref_slice %arg3[%add3A, %dma_start3A_5] : memref<32x10240xi32, #tpu.memory_space<hbm>> -> memref<1x10240xi32, #tpu.memory_space<hbm>>
    %dma_start3A_7 = tpu.memref_squeeze %dma_start3A_6 : memref<1x10240xi32, #tpu.memory_space<hbm>> -> memref<10240xi32, #tpu.memory_space<hbm>>
    tpu.enqueue_dma source(%dma_start3A_7 : memref<10240xi32, #tpu.memory_space<hbm>>) target(%arg6 : memref<10240xi32, #tpu.memory_space<vmem>>) target_semaphore(%arg25 : memref<!tpu.dma_semaphore, #tpu.memory_space<semaphore_mem>>)
    %scan3A = arith.constant 0 : i32
    %scan3A_8 = arith.constant 32 : i32
    %scan3A_9 = arith.addi %scan3A, %scan3A_8 : i32
    %scan3A_10 = arith.constant 1 : i32
    scf.for %scan3A_50 = %scan3A to %scan3A_9 step %scan3A_10  : i32 {
      %mul3A_51 = arith.constant 1 : i32
      %mul3A_52 = arith.muli %scan3A_50, %mul3A_51 : i32
      %add3A_53 = arith.constant 0 : i32
      %add3A_54 = arith.addi %add3A_53, %mul3A_52 : i32
      %scan3A_55 = arith.constant 0 : i32
      %scan3A_56 = arith.constant 8 : i32
      %scan3A_57 = arith.addi %scan3A_55, %scan3A_56 : i32
      %scan3A_58 = arith.constant 1 : i32
      scf.for %scan3A_60 = %scan3A_55 to %scan3A_57 step %scan3A_58  : i32 {
        %mul3A_61 = arith.constant 16 : i32
        %mul3A_62 = arith.muli %scan3A_60, %mul3A_61 : i32
        %add3A_63 = arith.constant 0 : i32
        %add3A_64 = arith.addi %add3A_63, %mul3A_62 : i32
        %broadcast_in_dim3A = arith.constant 0.000000e+00 : f32
        %broadcast_in_dim3A_65 = vector.broadcast %broadcast_in_dim3A : f32 to vector<16xf32>
        %swap3A = arith.index_cast %add3A_54 : i32 to index
        %swap3A_66 = arith.index_cast %add3A_64 : i32 to index
        %swap3A_67 = tpu.vector_load %arg15[%swap3A, %swap3A_66] {strides = array<i32>} : memref<32x128xf32, #tpu.memory_space<vmem>>, vector<1x16xf32>,
        %swap3A_68 = vector.shape_cast %swap3A_67 : vector<1x16xf32> to vector<16xf32>
        %swap3A_69 = vector.shape_cast %broadcast_in_dim3A_65 : vector<16xf32> to vector<1x16xf32>
        tpu.vector_store %arg15[%swap3A, %swap3A_66], %swap3A_69 {strides = array<i32>} : memref<32x128xf32, #tpu.memory_space<vmem>>, vector<1x16xf32>,
      }
      %scan3A_59 = arith.constant 8 : i32
    }
    %scan3A_11 = arith.constant 32 : i32
    %scan3A_12 = arith.constant 0 : i32
    %scan3A_13 = arith.constant 20 : i32
    %scan3A_14 = arith.addi %scan3A_12, %scan3A_13 : i32
    %scan3A_15 = arith.constant 1 : i32
    scf.for %scan3A_50 = %scan3A_12 to %scan3A_14 step %scan3A_15  : i32 {
      %mul3A_51 = arith.constant 32 : i32
      %mul3A_52 = arith.muli %scan3A_50, %mul3A_51 : i32
      %add3A_53 = arith.constant 0 : i32
      %add3A_54 = arith.addi %add3A_53, %mul3A_52 : i32
      %add3A_55 = arith.addi %mul3A_2, %add3A_54 : i32
      %dma_start3A_56 = arith.constant 0 : i32
      %dma_start3A_57 = tpu.memref_slice %arg16[%add3A_55, %dma_start3A_56] : memref<10240x128xf32, #tpu.memory_space<vmem_shared>> -> memref<32x128xf32, #tpu.memory_space<vmem_shared>>
      %dma_start3A_58 = arith.constant 0 : i32
      %dma_start3A_59 = tpu.memref_slice %arg16[%add3A_55, %dma_start3A_58] : memref<10240x128xf32, #tpu.memory_space<vmem_shared>> -> memref<32x128xf32, #tpu.memory_space<vmem_shared>>
      tpu.enqueue_dma source(%arg15 : memref<32x128xf32, #tpu.memory_space<vmem>>) target(%dma_start3A_59 : memref<32x128xf32, #tpu.memory_space<vmem_shared>>) target_semaphore(%arg26 : memref<!tpu.dma_semaphore, #tpu.memory_space<semaphore_mem>>)
    }
    %scan3A_16 = arith.constant 20 : i32
    %dma_wait3A = arith.constant 0 : i32
    %dma_wait3A_17 = tpu.memref_slice %arg3[%add3A, %dma_wait3A] : memref<32x10240xi32, #tpu.memory_space<hbm>> -> memref<1x10240xi32, #tpu.memory_space<hbm>>
    %dma_wait3A_18 = tpu.memref_squeeze %dma_wait3A_17 : memref<1x10240xi32, #tpu.memory_space<hbm>> -> memref<10240xi32, #tpu.memory_space<hbm>>
    %dma_wait3A_19 = arith.constant 0 : i32
    %dma_wait3A_20 = tpu.memref_slice %arg3[%add3A, %dma_wait3A_19] : memref<32x10240xi32, #tpu.memory_space<hbm>> -> memref<1x10240xi32, #tpu.memory_space<hbm>>
    %dma_wait3A_21 = tpu.memref_squeeze %dma_wait3A_20 : memref<1x10240xi32, #tpu.memory_space<hbm>> -> memref<10240xi32, #tpu.memory_space<hbm>>
    tpu.wait_dma2 semaphore(%arg25 : memref<!tpu.dma_semaphore, #tpu.memory_space<semaphore_mem>>) src(%dma_wait3A_21 : memref<10240xi32, #tpu.memory_space<hbm>>) dst(%arg6 : memref<10240xi32, #tpu.memory_space<vmem>>)
    %run_scoped3A = arith.constant 0 : i32
    "tpu.region"() ({
      %run_scoped3A_50 = tpu.sem_alloc : memref<!tpu.dma_semaphore, #tpu.memory_space<semaphore_mem>>
      %dma_start3A_51 = arith.constant 0 : i32
      %dma_start3A_52 = arith.constant 0 : i32
      %dma_start3A_53 = tpu.memref_slice %arg4[%add3A, %dma_start3A_51, %dma_start3A_52] : memref<32x160x64xi32, #tpu.memory_space<hbm>> -> memref<1x160x64xi32, #tpu.memory_space<hbm>>
      %dma_start3A_54 = tpu.memref_squeeze %dma_start3A_53 : memref<1x160x64xi32, #tpu.memory_space<hbm>> -> memref<160x64xi32, #tpu.memory_space<hbm>>
      %dma_start3A_55 = arith.constant 0 : i32
      %dma_start3A_56 = tpu.memref_slice %dma_start3A_54[%run_scoped3A, %dma_start3A_55] : memref<160x64xi32, #tpu.memory_space<hbm>> -> memref<1x64xi32, #tpu.memory_space<hbm>>
      %dma_start3A_57 = tpu.memref_squeeze %dma_start3A_56 : memref<1x64xi32, #tpu.memory_space<hbm>> -> memref<64xi32, #tpu.memory_space<hbm>>
      %dma_start3A_58 = arith.constant 0 : i32
      %dma_start3A_59 = arith.constant 0 : i32
      %dma_start3A_60 = tpu.memref_slice %arg4[%add3A, %dma_start3A_58, %dma_start3A_59] : memref<32x160x64xi32, #tpu.memory_space<hbm>> -> memref<1x160x64xi32, #tpu.memory_space<hbm>>
      %dma_start3A_61 = tpu.memref_squeeze %dma_start3A_60 : memref<1x160x64xi32, #tpu.memory_space<hbm>> -> memref<160x64xi32, #tpu.memory_space<hbm>>
      %dma_start3A_62 = arith.constant 0 : i32
      %dma_start3A_63 = tpu.memref_slice %dma_start3A_61[%run_scoped3A, %dma_start3A_62] : memref<160x64xi32, #tpu.memory_space<hbm>> -> memref<1x64xi32, #tpu.memory_space<hbm>>
      %dma_start3A_64 = tpu.memref_squeeze %dma_start3A_63 : memref<1x64xi32, #tpu.memory_space<hbm>> -> memref<64xi32, #tpu.memory_space<hbm>>
      tpu.enqueue_dma source(%dma_start3A_64 : memref<64xi32, #tpu.memory_space<hbm>>) target(%arg7 : memref<64xi32, #tpu.memory_space<vmem>>) target_semaphore(%run_scoped3A_50 : memref<!tpu.dma_semaphore, #tpu.memory_space<semaphore_mem>>)
      %dma_wait3A_65 = arith.constant 0 : i32
      %dma_wait3A_66 = arith.constant 0 : i32
      %dma_wait3A_67 = tpu.memref_slice %arg4[%add3A, %dma_wait3A_65, %dma_wait3A_66] : memref<32x160x64xi32, #tpu.memory_space<hbm>> -> memref<1x160x64xi32, #tpu.memory_space<hbm>>
      %dma_wait3A_68 = tpu.memref_squeeze %dma_wait3A_67 : memref<1x160x64xi32, #tpu.memory_space<hbm>> -> memref<160x64xi32, #tpu.memory_space<hbm>>
      %dma_wait3A_69 = arith.constant 0 : i32
      %dma_wait3A_70 = tpu.memref_slice %dma_wait3A_68[%run_scoped3A, %dma_wait3A_69] : memref<160x64xi32, #tpu.memory_space<hbm>> -> memref<1x64xi32, #tpu.memory_space<hbm>>
      %dma_wait3A_71 = tpu.memref_squeeze %dma_wait3A_70 : memref<1x64xi32, #tpu.memory_space<hbm>> -> memref<64xi32, #tpu.memory_space<hbm>>
      %dma_wait3A_72 = arith.constant 0 : i32
      %dma_wait3A_73 = arith.constant 0 : i32
      %dma_wait3A_74 = tpu.memref_slice %arg4[%add3A, %dma_wait3A_72, %dma_wait3A_73] : memref<32x160x64xi32, #tpu.memory_space<hbm>> -> memref<1x160x64xi32, #tpu.memory_space<hbm>>
      %dma_wait3A_75 = tpu.memref_squeeze %dma_wait3A_74 : memref<1x160x64xi32, #tpu.memory_space<hbm>> -> memref<160x64xi32, #tpu.memory_space<hbm>>
      %dma_wait3A_76 = arith.constant 0 : i32
      %dma_wait3A_77 = tpu.memref_slice %dma_wait3A_75[%run_scoped3A, %dma_wait3A_76] : memref<160x64xi32, #tpu.memory_space<hbm>> -> memref<1x64xi32, #tpu.memory_space<hbm>>
      %dma_wait3A_78 = tpu.memref_squeeze %dma_wait3A_77 : memref<1x64xi32, #tpu.memory_space<hbm>> -> memref<64xi32, #tpu.memory_space<hbm>>
      tpu.wait_dma2 semaphore(%run_scoped3A_50 : memref<!tpu.dma_semaphore, #tpu.memory_space<semaphore_mem>>) src(%dma_wait3A_78 : memref<64xi32, #tpu.memory_space<hbm>>) dst(%arg7 : memref<64xi32, #tpu.memory_space<vmem>>)
      tpu.yield
    }) : () -> ()
    %run_scoped3A_22 = arith.constant 1 : i32
    "tpu.region"() ({
      %run_scoped3A_50 = tpu.sem_alloc : memref<!tpu.dma_semaphore, #tpu.memory_space<semaphore_mem>>
      %dma_start3A_51 = arith.constant 0 : i32
      %dma_start3A_52 = arith.constant 0 : i32
      %dma_start3A_53 = tpu.memref_slice %arg4[%add3A, %dma_start3A_51, %dma_start3A_52] : memref<32x160x64xi32, #tpu.memory_space<hbm>> -> memref<1x160x64xi32, #tpu.memory_space<hbm>>
      %dma_start3A_54 = tpu.memref_squeeze %dma_start3A_53 : memref<1x160x64xi32, #tpu.memory_space<hbm>> -> memref<160x64xi32, #tpu.memory_space<hbm>>
      %dma_start3A_55 = arith.constant 0 : i32
      %dma_start3A_56 = tpu.memref_slice %dma_start3A_54[%run_scoped3A_22, %dma_start3A_55] : memref<160x64xi32, #tpu.memory_space<hbm>> -> memref<1x64xi32, #tpu.memory_space<hbm>>
      %dma_start3A_57 = tpu.memref_squeeze %dma_start3A_56 : memref<1x64xi32, #tpu.memory_space<hbm>> -> memref<64xi32, #tpu.memory_space<hbm>>
      %dma_start3A_58 = arith.constant 0 : i32
      %dma_start3A_59 = arith.constant 0 : i32
      %dma_start3A_60 = tpu.memref_slice %arg4[%add3A, %dma_start3A_58, %dma_start3A_59] : memref<32x160x64xi32, #tpu.memory_space<hbm>> -> memref<1x160x64xi32, #tpu.memory_space<hbm>>
      %dma_start3A_61 = tpu.memref_squeeze %dma_start3A_60 : memref<1x160x64xi32, #tpu.memory_space<hbm>> -> memref<160x64xi32, #tpu.memory_space<hbm>>
      %dma_start3A_62 = arith.constant 0 : i32
      %dma_start3A_63 = tpu.memref_slice %dma_start3A_61[%run_scoped3A_22, %dma_start3A_62] : memref<160x64xi32, #tpu.memory_space<hbm>> -> memref<1x64xi32, #tpu.memory_space<hbm>>
      %dma_start3A_64 = tpu.memref_squeeze %dma_start3A_63 : memref<1x64xi32, #tpu.memory_space<hbm>> -> memref<64xi32, #tpu.memory_space<hbm>>
      tpu.enqueue_dma source(%dma_start3A_64 : memref<64xi32, #tpu.memory_space<hbm>>) target(%arg8 : memref<64xi32, #tpu.memory_space<vmem>>) target_semaphore(%run_scoped3A_50 : memref<!tpu.dma_semaphore, #tpu.memory_space<semaphore_mem>>)
      %dma_wait3A_65 = arith.constant 0 : i32
      %dma_wait3A_66 = arith.constant 0 : i32
      %dma_wait3A_67 = tpu.memref_slice %arg4[%add3A, %dma_wait3A_65, %dma_wait3A_66] : memref<32x160x64xi32, #tpu.memory_space<hbm>> -> memref<1x160x64xi32, #tpu.memory_space<hbm>>
      %dma_wait3A_68 = tpu.memref_squeeze %dma_wait3A_67 : memref<1x160x64xi32, #tpu.memory_space<hbm>> -> memref<160x64xi32, #tpu.memory_space<hbm>>
      %dma_wait3A_69 = arith.constant 0 : i32
      %dma_wait3A_70 = tpu.memref_slice %dma_wait3A_68[%run_scoped3A_22, %dma_wait3A_69] : memref<160x64xi32, #tpu.memory_space<hbm>> -> memref<1x64xi32, #tpu.memory_space<hbm>>
      %dma_wait3A_71 = tpu.memref_squeeze %dma_wait3A_70 : memref<1x64xi32, #tpu.memory_space<hbm>> -> memref<64xi32, #tpu.memory_space<hbm>>
      %dma_wait3A_72 = arith.constant 0 : i32
      %dma_wait3A_73 = arith.constant 0 : i32
      %dma_wait3A_74 = tpu.memref_slice %arg4[%add3A, %dma_wait3A_72, %dma_wait3A_73] : memref<32x160x64xi32, #tpu.memory_space<hbm>> -> memref<1x160x64xi32, #tpu.memory_space<hbm>>
      %dma_wait3A_75 = tpu.memref_squeeze %dma_wait3A_74 : memref<1x160x64xi32, #tpu.memory_space<hbm>> -> memref<160x64xi32, #tpu.memory_space<hbm>>
      %dma_wait3A_76 = arith.constant 0 : i32
      %dma_wait3A_77 = tpu.memref_slice %dma_wait3A_75[%run_scoped3A_22, %dma_wait3A_76] : memref<160x64xi32, #tpu.memory_space<hbm>> -> memref<1x64xi32, #tpu.memory_space<hbm>>
      %dma_wait3A_78 = tpu.memref_squeeze %dma_wait3A_77 : memref<1x64xi32, #tpu.memory_space<hbm>> -> memref<64xi32, #tpu.memory_space<hbm>>
      tpu.wait_dma2 semaphore(%run_scoped3A_50 : memref<!tpu.dma_semaphore, #tpu.memory_space<semaphore_mem>>) src(%dma_wait3A_78 : memref<64xi32, #tpu.memory_space<hbm>>) dst(%arg8 : memref<64xi32, #tpu.memory_space<vmem>>)
      tpu.yield
    }) : () -> ()
    %dma_start3A_23 = arith.constant 0 : i32
    %dma_start3A_24 = tpu.memref_slice %arg6[%dma_start3A_23] : memref<10240xi32, #tpu.memory_space<vmem>> -> memref<64xi32, #tpu.memory_space<vmem>>
    %dma_start3A_25 = arith.constant 0 : i32
    %dma_start3A_26 = arith.constant 0 : i32
    %dma_start3A_27 = tpu.memref_slice %arg2[%dma_start3A_25, %dma_start3A_26] : memref<10000x128xf32, #tpu.memory_space<hbm>> -> memref<10000x128xf32, #tpu.memory_space<hbm>>
    tpu.enqueue_indirect_dma source(%dma_start3A_27 : memref<10000x128xf32, #tpu.memory_space<hbm>>) target(%arg11 : memref<64x128xf32, #tpu.memory_space<vmem>>) offsets(%dma_start3A_24 : memref<64xi32, #tpu.memory_space<vmem>>) semaphore(%arg17 : memref<!tpu.dma_semaphore, #tpu.memory_space<semaphore_mem>>)
    %dma_start3A_28 = arith.constant 64 : i32
    %dma_start3A_29 = tpu.memref_slice %arg6[%dma_start3A_28] : memref<10240xi32, #tpu.memory_space<vmem>> -> memref<64xi32, #tpu.memory_space<vmem>>
    %dma_start3A_30 = arith.constant 0 : i32
    %dma_start3A_31 = arith.constant 0 : i32
    %dma_start3A_32 = tpu.memref_slice %arg2[%dma_start3A_30, %dma_start3A_31] : memref<10000x128xf32, #tpu.memory_space<hbm>> -> memref<10000x128xf32, #tpu.memory_space<hbm>>
    tpu.enqueue_indirect_dma source(%dma_start3A_32 : memref<10000x128xf32, #tpu.memory_space<hbm>>) target(%arg12 : memref<64x128xf32, #tpu.memory_space<vmem>>) offsets(%dma_start3A_29 : memref<64xi32, #tpu.memory_space<vmem>>) semaphore(%arg18 : memref<!tpu.dma_semaphore, #tpu.memory_space<semaphore_mem>>)
    %scan3A_33 = arith.constant 0 : i32
    %scan3A_34 = arith.constant 20 : i32
    %scan3A_35 = arith.addi %scan3A_33, %scan3A_34 : i32
    %scan3A_36 = arith.constant 1 : i32
    scf.for %scan3A_50 = %scan3A_33 to %scan3A_35 step %scan3A_36  : i32 {
      %mul3A_51 = arith.constant 32 : i32
      %mul3A_52 = arith.muli %scan3A_50, %mul3A_51 : i32
      %add3A_53 = arith.constant 0 : i32
      %add3A_54 = arith.addi %add3A_53, %mul3A_52 : i32
      %add3A_55 = arith.addi %mul3A_2, %add3A_54 : i32
      %dma_wait3A_56 = arith.constant 0 : i32
      %dma_wait3A_57 = tpu.memref_slice %arg16[%add3A_55, %dma_wait3A_56] : memref<10240x128xf32, #tpu.memory_space<vmem_shared>> -> memref<32x128xf32, #tpu.memory_space<vmem_shared>>
      %dma_wait3A_58 = arith.constant 0 : i32
      %dma_wait3A_59 = tpu.memref_slice %arg16[%add3A_55, %dma_wait3A_58] : memref<10240x128xf32, #tpu.memory_space<vmem_shared>> -> memref<32x128xf32, #tpu.memory_space<vmem_shared>>
      tpu.wait_dma2 semaphore(%arg26 : memref<!tpu.dma_semaphore, #tpu.memory_space<semaphore_mem>>) src(%arg15 : memref<32x128xf32, #tpu.memory_space<vmem>>) dst(%dma_wait3A_59 : memref<32x128xf32, #tpu.memory_space<vmem_shared>>)
    }
    %scan3A_37 = arith.constant 20 : i32
    %barrier3A = arith.constant 0 : index
    tpu.barrier barrier_id(%barrier3A)
    %scan3A_38 = arith.constant 0 : i32
    %scan3A_39 = arith.constant 40 : i32
    %scan3A_40 = arith.addi %scan3A_38, %scan3A_39 : i32
    %scan3A_41 = arith.constant 1 : i32
    scf.for %scan3A_50 = %scan3A_38 to %scan3A_40 step %scan3A_41  : i32 {
      %mul3A_51 = arith.constant 4 : i32
      %mul3A_52 = arith.muli %scan3A_50, %mul3A_51 : i32
      %add3A_53 = arith.constant 0 : i32
      %add3A_54 = arith.addi %add3A_53, %mul3A_52 : i32
      %add3A_55 = arith.constant 0 : i32
      %add3A_56 = arith.addi %add3A_54, %add3A_55 : i32
      %ge3A = arith.constant 2 : i32
      %ge3A_57 = arith.cmpi sge, %add3A_56, %ge3A : i32
      %convert_element_type3A = arith.extui %ge3A_57 : i1 to i32
      %cond3A = arith.constant 0 : i32
      %cond3A_58 = arith.cmpi ne, %convert_element_type3A, %cond3A : i32
      scf.if %cond3A_58 {
        %dma_wait3A_171 = arith.constant 0 : i32
        %dma_wait3A_172 = arith.constant 0 : i32
        %dma_wait3A_173 = tpu.memref_slice %arg16[%dma_wait3A_171, %dma_wait3A_172] : memref<10240x128xf32, #tpu.memory_space<vmem_shared>> -> memref<10240x128xf32, #tpu.memory_space<vmem_shared>>
        tpu.wait_indirect_dma semaphore(%arg23 : memref<!tpu.dma_semaphore, #tpu.memory_space<semaphore_mem>>) src(%arg13 : memref<64x128xf32, #tpu.memory_space<vmem>>) dst(%dma_wait3A_173 : memref<10240x128xf32, #tpu.memory_space<vmem_shared>>)
      } else {
      }
      %add3A_59 = arith.constant 2 : i32
      %add3A_60 = arith.addi %add3A_56, %add3A_59 : i32
      %lt3A = arith.constant 160 : i32
      %lt3A_61 = arith.cmpi slt, %add3A_60, %lt3A : i32
      %convert_element_type3A_62 = arith.extui %lt3A_61 : i1 to i32
      %cond3A_63 = arith.constant 0 : i32
      %cond3A_64 = arith.cmpi ne, %convert_element_type3A_62, %cond3A_63 : i32
      scf.if %cond3A_64 {
        %add3A_171 = arith.constant 2 : i32
        %add3A_172 = arith.addi %add3A_56, %add3A_171 : i32
        "tpu.region"() ({
          %run_scoped3A_173 = tpu.sem_alloc : memref<!tpu.dma_semaphore, #tpu.memory_space<semaphore_mem>>
          %dma_start3A_174 = arith.constant 0 : i32
          %dma_start3A_175 = arith.constant 0 : i32
          %dma_start3A_176 = tpu.memref_slice %arg4[%add3A, %dma_start3A_174, %dma_start3A_175] : memref<32x160x64xi32, #tpu.memory_space<hbm>> -> memref<1x160x64xi32, #tpu.memory_space<hbm>>
          %dma_start3A_177 = tpu.memref_squeeze %dma_start3A_176 : memref<1x160x64xi32, #tpu.memory_space<hbm>> -> memref<160x64xi32, #tpu.memory_space<hbm>>
          %dma_start3A_178 = arith.constant 0 : i32
          %dma_start3A_179 = tpu.memref_slice %dma_start3A_177[%add3A_172, %dma_start3A_178] : memref<160x64xi32, #tpu.memory_space<hbm>> -> memref<1x64xi32, #tpu.memory_space<hbm>>
          %dma_start3A_180 = tpu.memref_squeeze %dma_start3A_179 : memref<1x64xi32, #tpu.memory_space<hbm>> -> memref<64xi32, #tpu.memory_space<hbm>>
          %dma_start3A_181 = arith.constant 0 : i32
          %dma_start3A_182 = arith.constant 0 : i32
          %dma_start3A_183 = tpu.memref_slice %arg4[%add3A, %dma_start3A_181, %dma_start3A_182] : memref<32x160x64xi32, #tpu.memory_space<hbm>> -> memref<1x160x64xi32, #tpu.memory_space<hbm>>
          %dma_start3A_184 = tpu.memref_squeeze %dma_start3A_183 : memref<1x160x64xi32, #tpu.memory_space<hbm>> -> memref<160x64xi32, #tpu.memory_space<hbm>>
          %dma_start3A_185 = arith.constant 0 : i32
          %dma_start3A_186 = tpu.memref_slice %dma_start3A_184[%add3A_172, %dma_start3A_185] : memref<160x64xi32, #tpu.memory_space<hbm>> -> memref<1x64xi32, #tpu.memory_space<hbm>>
          %dma_start3A_187 = tpu.memref_squeeze %dma_start3A_186 : memref<1x64xi32, #tpu.memory_space<hbm>> -> memref<64xi32, #tpu.memory_space<hbm>>
          tpu.enqueue_dma source(%dma_start3A_187 : memref<64xi32, #tpu.memory_space<hbm>>) target(%arg9 : memref<64xi32, #tpu.memory_space<vmem>>) target_semaphore(%run_scoped3A_173 : memref<!tpu.dma_semaphore, #tpu.memory_space<semaphore_mem>>)
          %dma_wait3A_188 = arith.constant 0 : i32
          %dma_wait3A_189 = arith.constant 0 : i32
          %dma_wait3A_190 = tpu.memref_slice %arg4[%add3A, %dma_wait3A_188, %dma_wait3A_189] : memref<32x160x64xi32, #tpu.memory_space<hbm>> -> memref<1x160x64xi32, #tpu.memory_space<hbm>>
          %dma_wait3A_191 = tpu.memref_squeeze %dma_wait3A_190 : memref<1x160x64xi32, #tpu.memory_space<hbm>> -> memref<160x64xi32, #tpu.memory_space<hbm>>
          %dma_wait3A_192 = arith.constant 0 : i32
          %dma_wait3A_193 = tpu.memref_slice %dma_wait3A_191[%add3A_172, %dma_wait3A_192] : memref<160x64xi32, #tpu.memory_space<hbm>> -> memref<1x64xi32, #tpu.memory_space<hbm>>
          %dma_wait3A_194 = tpu.memref_squeeze %dma_wait3A_193 : memref<1x64xi32, #tpu.memory_space<hbm>> -> memref<64xi32, #tpu.memory_space<hbm>>
          %dma_wait3A_195 = arith.constant 0 : i32
          %dma_wait3A_196 = arith.constant 0 : i32
          %dma_wait3A_197 = tpu.memref_slice %arg4[%add3A, %dma_wait3A_195, %dma_wait3A_196] : memref<32x160x64xi32, #tpu.memory_space<hbm>> -> memref<1x160x64xi32, #tpu.memory_space<hbm>>
          %dma_wait3A_198 = tpu.memref_squeeze %dma_wait3A_197 : memref<1x160x64xi32, #tpu.memory_space<hbm>> -> memref<160x64xi32, #tpu.memory_space<hbm>>
          %dma_wait3A_199 = arith.constant 0 : i32
          %dma_wait3A_200 = tpu.memref_slice %dma_wait3A_198[%add3A_172, %dma_wait3A_199] : memref<160x64xi32, #tpu.memory_space<hbm>> -> memref<1x64xi32, #tpu.memory_space<hbm>>
          %dma_wait3A_201 = tpu.memref_squeeze %dma_wait3A_200 : memref<1x64xi32, #tpu.memory_space<hbm>> -> memref<64xi32, #tpu.memory_space<hbm>>
          tpu.wait_dma2 semaphore(%run_scoped3A_173 : memref<!tpu.dma_semaphore, #tpu.memory_space<semaphore_mem>>) src(%dma_wait3A_201 : memref<64xi32, #tpu.memory_space<hbm>>) dst(%arg9 : memref<64xi32, #tpu.memory_space<vmem>>)
          tpu.yield
        }) : () -> ()
      } else {
      }
      %mul3A_65 = arith.constant 64 : i32
      %mul3A_66 = arith.muli %add3A_56, %mul3A_65 : i32
      %dma_wait3A_67 = tpu.memref_slice %arg6[%mul3A_66] : memref<10240xi32, #tpu.memory_space<vmem>> -> memref<64xi32, #tpu.memory_space<vmem>>
      %dma_wait3A_68 = arith.constant 0 : i32
      %dma_wait3A_69 = arith.constant 0 : i32
      %dma_wait3A_70 = tpu.memref_slice %arg2[%dma_wait3A_68, %dma_wait3A_69] : memref<10000x128xf32, #tpu.memory_space<hbm>> -> memref<10000x128xf32, #tpu.memory_space<hbm>>
      tpu.wait_indirect_dma semaphore(%arg17 : memref<!tpu.dma_semaphore, #tpu.memory_space<semaphore_mem>>) src(%dma_wait3A_70 : memref<10000x128xf32, #tpu.memory_space<hbm>>) dst(%arg11 : memref<64x128xf32, #tpu.memory_space<vmem>>)
      %add3A_71 = arith.constant 2 : i32
      %add3A_72 = arith.addi %add3A_56, %add3A_71 : i32
      %lt3A_73 = arith.constant 160 : i32
      %lt3A_74 = arith.cmpi slt, %add3A_72, %lt3A_73 : i32
      %convert_element_type3A_75 = arith.extui %lt3A_74 : i1 to i32
      %cond3A_76 = arith.constant 0 : i32
      %cond3A_77 = arith.cmpi ne, %convert_element_type3A_75, %cond3A_76 : i32
      scf.if %cond3A_77 {
        %add3A_171 = arith.constant 2 : i32
        %add3A_172 = arith.addi %add3A_56, %add3A_171 : i32
        %mul3A_173 = arith.constant 64 : i32
        %mul3A_174 = arith.muli %add3A_172, %mul3A_173 : i32
        %dma_start3A_175 = tpu.memref_slice %arg6[%mul3A_174] : memref<10240xi32, #tpu.memory_space<vmem>> -> memref<64xi32, #tpu.memory_space<vmem>>
        %dma_start3A_176 = arith.constant 0 : i32
        %dma_start3A_177 = arith.constant 0 : i32
        %dma_start3A_178 = tpu.memref_slice %arg2[%dma_start3A_176, %dma_start3A_177] : memref<10000x128xf32, #tpu.memory_space<hbm>> -> memref<10000x128xf32, #tpu.memory_space<hbm>>
        tpu.enqueue_indirect_dma source(%dma_start3A_178 : memref<10000x128xf32, #tpu.memory_space<hbm>>) target(%arg13 : memref<64x128xf32, #tpu.memory_space<vmem>>) offsets(%dma_start3A_175 : memref<64xi32, #tpu.memory_space<vmem>>) semaphore(%arg19 : memref<!tpu.dma_semaphore, #tpu.memory_space<semaphore_mem>>)
      } else {
      }
      %dma_start3A_78 = arith.constant 0 : i32
      %dma_start3A_79 = arith.constant 0 : i32
      %dma_start3A_80 = tpu.memref_slice %arg16[%dma_start3A_78, %dma_start3A_79] : memref<10240x128xf32, #tpu.memory_space<vmem_shared>> -> memref<10240x128xf32, #tpu.memory_space<vmem_shared>>
      tpu.enqueue_indirect_dma source(%arg11 : memref<64x128xf32, #tpu.memory_space<vmem>>) target(%dma_start3A_80 : memref<10240x128xf32, #tpu.memory_space<vmem_shared>>) offsets(%arg7 : memref<64xi32, #tpu.memory_space<vmem>>) semaphore(%arg21 : memref<!tpu.dma_semaphore, #tpu.memory_space<semaphore_mem>>) {add = true}
      %add3A_81 = arith.constant 1 : i32
      %add3A_82 = arith.addi %add3A_54, %add3A_81 : i32
      %ge3A_83 = arith.constant 2 : i32
      %ge3A_84 = arith.cmpi sge, %add3A_82, %ge3A_83 : i32
      %convert_element_type3A_85 = arith.extui %ge3A_84 : i1 to i32
      %cond3A_86 = arith.constant 0 : i32
      %cond3A_87 = arith.cmpi ne, %convert_element_type3A_85, %cond3A_86 : i32
      scf.if %cond3A_87 {
        %dma_wait3A_171 = arith.constant 0 : i32
        %dma_wait3A_172 = arith.constant 0 : i32
        %dma_wait3A_173 = tpu.memref_slice %arg16[%dma_wait3A_171, %dma_wait3A_172] : memref<10240x128xf32, #tpu.memory_space<vmem_shared>> -> memref<10240x128xf32, #tpu.memory_space<vmem_shared>>
        tpu.wait_indirect_dma semaphore(%arg24 : memref<!tpu.dma_semaphore, #tpu.memory_space<semaphore_mem>>) src(%arg14 : memref<64x128xf32, #tpu.memory_space<vmem>>) dst(%dma_wait3A_173 : memref<10240x128xf32, #tpu.memory_space<vmem_shared>>)
      } else {
      }
      %add3A_88 = arith.constant 2 : i32
      %add3A_89 = arith.addi %add3A_82, %add3A_88 : i32
      %lt3A_90 = arith.constant 160 : i32
      %lt3A_91 = arith.cmpi slt, %add3A_89, %lt3A_90 : i32
      %convert_element_type3A_92 = arith.extui %lt3A_91 : i1 to i32
      %cond3A_93 = arith.constant 0 : i32
      %cond3A_94 = arith.cmpi ne, %convert_element_type3A_92, %cond3A_93 : i32
      scf.if %cond3A_94 {
        %add3A_171 = arith.constant 2 : i32
        %add3A_172 = arith.addi %add3A_82, %add3A_171 : i32
        "tpu.region"() ({
          %run_scoped3A_173 = tpu.sem_alloc : memref<!tpu.dma_semaphore, #tpu.memory_space<semaphore_mem>>
          %dma_start3A_174 = arith.constant 0 : i32
          %dma_start3A_175 = arith.constant 0 : i32
          %dma_start3A_176 = tpu.memref_slice %arg4[%add3A, %dma_start3A_174, %dma_start3A_175] : memref<32x160x64xi32, #tpu.memory_space<hbm>> -> memref<1x160x64xi32, #tpu.memory_space<hbm>>
          %dma_start3A_177 = tpu.memref_squeeze %dma_start3A_176 : memref<1x160x64xi32, #tpu.memory_space<hbm>> -> memref<160x64xi32, #tpu.memory_space<hbm>>
          %dma_start3A_178 = arith.constant 0 : i32
          %dma_start3A_179 = tpu.memref_slice %dma_start3A_177[%add3A_172, %dma_start3A_178] : memref<160x64xi32, #tpu.memory_space<hbm>> -> memref<1x64xi32, #tpu.memory_space<hbm>>
          %dma_start3A_180 = tpu.memref_squeeze %dma_start3A_179 : memref<1x64xi32, #tpu.memory_space<hbm>> -> memref<64xi32, #tpu.memory_space<hbm>>
          %dma_start3A_181 = arith.constant 0 : i32
          %dma_start3A_182 = arith.constant 0 : i32
          %dma_start3A_183 = tpu.memref_slice %arg4[%add3A, %dma_start3A_181, %dma_start3A_182] : memref<32x160x64xi32, #tpu.memory_space<hbm>> -> memref<1x160x64xi32, #tpu.memory_space<hbm>>
          %dma_start3A_184 = tpu.memref_squeeze %dma_start3A_183 : memref<1x160x64xi32, #tpu.memory_space<hbm>> -> memref<160x64xi32, #tpu.memory_space<hbm>>
          %dma_start3A_185 = arith.constant 0 : i32
          %dma_start3A_186 = tpu.memref_slice %dma_start3A_184[%add3A_172, %dma_start3A_185] : memref<160x64xi32, #tpu.memory_space<hbm>> -> memref<1x64xi32, #tpu.memory_space<hbm>>
          %dma_start3A_187 = tpu.memref_squeeze %dma_start3A_186 : memref<1x64xi32, #tpu.memory_space<hbm>> -> memref<64xi32, #tpu.memory_space<hbm>>
          tpu.enqueue_dma source(%dma_start3A_187 : memref<64xi32, #tpu.memory_space<hbm>>) target(%arg10 : memref<64xi32, #tpu.memory_space<vmem>>) target_semaphore(%run_scoped3A_173 : memref<!tpu.dma_semaphore, #tpu.memory_space<semaphore_mem>>)
          %dma_wait3A_188 = arith.constant 0 : i32
          %dma_wait3A_189 = arith.constant 0 : i32
          %dma_wait3A_190 = tpu.memref_slice %arg4[%add3A, %dma_wait3A_188, %dma_wait3A_189] : memref<32x160x64xi32, #tpu.memory_space<hbm>> -> memref<1x160x64xi32, #tpu.memory_space<hbm>>
          %dma_wait3A_191 = tpu.memref_squeeze %dma_wait3A_190 : memref<1x160x64xi32, #tpu.memory_space<hbm>> -> memref<160x64xi32, #tpu.memory_space<hbm>>
          %dma_wait3A_192 = arith.constant 0 : i32
          %dma_wait3A_193 = tpu.memref_slice %dma_wait3A_191[%add3A_172, %dma_wait3A_192] : memref<160x64xi32, #tpu.memory_space<hbm>> -> memref<1x64xi32, #tpu.memory_space<hbm>>
          %dma_wait3A_194 = tpu.memref_squeeze %dma_wait3A_193 : memref<1x64xi32, #tpu.memory_space<hbm>> -> memref<64xi32, #tpu.memory_space<hbm>>
          %dma_wait3A_195 = arith.constant 0 : i32
          %dma_wait3A_196 = arith.constant 0 : i32
          %dma_wait3A_197 = tpu.memref_slice %arg4[%add3A, %dma_wait3A_195, %dma_wait3A_196] : memref<32x160x64xi32, #tpu.memory_space<hbm>> -> memref<1x160x64xi32, #tpu.memory_space<hbm>>
          %dma_wait3A_198 = tpu.memref_squeeze %dma_wait3A_197 : memref<1x160x64xi32, #tpu.memory_space<hbm>> -> memref<160x64xi32, #tpu.memory_space<hbm>>
          %dma_wait3A_199 = arith.constant 0 : i32
          %dma_wait3A_200 = tpu.memref_slice %dma_wait3A_198[%add3A_172, %dma_wait3A_199] : memref<160x64xi32, #tpu.memory_space<hbm>> -> memref<1x64xi32, #tpu.memory_space<hbm>>
          %dma_wait3A_201 = tpu.memref_squeeze %dma_wait3A_200 : memref<1x64xi32, #tpu.memory_space<hbm>> -> memref<64xi32, #tpu.memory_space<hbm>>
          tpu.wait_dma2 semaphore(%run_scoped3A_173 : memref<!tpu.dma_semaphore, #tpu.memory_space<semaphore_mem>>) src(%dma_wait3A_201 : memref<64xi32, #tpu.memory_space<hbm>>) dst(%arg10 : memref<64xi32, #tpu.memory_space<vmem>>)
          tpu.yield
        }) : () -> ()
      } else {
      }
      %mul3A_95 = arith.constant 64 : i32
      %mul3A_96 = arith.muli %add3A_82, %mul3A_95 : i32
      %dma_wait3A_97 = tpu.memref_slice %arg6[%mul3A_96] : memref<10240xi32, #tpu.memory_space<vmem>> -> memref<64xi32, #tpu.memory_space<vmem>>
      %dma_wait3A_98 = arith.constant 0 : i32
      %dma_wait3A_99 = arith.constant 0 : i32
      %dma_wait3A_100 = tpu.memref_slice %arg2[%dma_wait3A_98, %dma_wait3A_99] : memref<10000x128xf32, #tpu.memory_space<hbm>> -> memref<10000x128xf32, #tpu.memory_space<hbm>>
      tpu.wait_indirect_dma semaphore(%arg18 : memref<!tpu.dma_semaphore, #tpu.memory_space<semaphore_mem>>) src(%dma_wait3A_100 : memref<10000x128xf32, #tpu.memory_space<hbm>>) dst(%arg12 : memref<64x128xf32, #tpu.memory_space<vmem>>)
      %add3A_101 = arith.constant 2 : i32
      %add3A_102 = arith.addi %add3A_82, %add3A_101 : i32
      %lt3A_103 = arith.constant 160 : i32
      %lt3A_104 = arith.cmpi slt, %add3A_102, %lt3A_103 : i32
      %convert_element_type3A_105 = arith.extui %lt3A_104 : i1 to i32
      %cond3A_106 = arith.constant 0 : i32
      %cond3A_107 = arith.cmpi ne, %convert_element_type3A_105, %cond3A_106 : i32
      scf.if %cond3A_107 {
        %add3A_171 = arith.constant 2 : i32
        %add3A_172 = arith.addi %add3A_82, %add3A_171 : i32
        %mul3A_173 = arith.constant 64 : i32
        %mul3A_174 = arith.muli %add3A_172, %mul3A_173 : i32
        %dma_start3A_175 = tpu.memref_slice %arg6[%mul3A_174] : memref<10240xi32, #tpu.memory_space<vmem>> -> memref<64xi32, #tpu.memory_space<vmem>>
        %dma_start3A_176 = arith.constant 0 : i32
        %dma_start3A_177 = arith.constant 0 : i32
        %dma_start3A_178 = tpu.memref_slice %arg2[%dma_start3A_176, %dma_start3A_177] : memref<10000x128xf32, #tpu.memory_space<hbm>> -> memref<10000x128xf32, #tpu.memory_space<hbm>>
        tpu.enqueue_indirect_dma source(%dma_start3A_178 : memref<10000x128xf32, #tpu.memory_space<hbm>>) target(%arg14 : memref<64x128xf32, #tpu.memory_space<vmem>>) offsets(%dma_start3A_175 : memref<64xi32, #tpu.memory_space<vmem>>) semaphore(%arg20 : memref<!tpu.dma_semaphore, #tpu.memory_space<semaphore_mem>>)
      } else {
      }
      %dma_start3A_108 = arith.constant 0 : i32
      %dma_start3A_109 = arith.constant 0 : i32
      %dma_start3A_110 = tpu.memref_slice %arg16[%dma_start3A_108, %dma_start3A_109] : memref<10240x128xf32, #tpu.memory_space<vmem_shared>> -> memref<10240x128xf32, #tpu.memory_space<vmem_shared>>
      tpu.enqueue_indirect_dma source(%arg12 : memref<64x128xf32, #tpu.memory_space<vmem>>) target(%dma_start3A_110 : memref<10240x128xf32, #tpu.memory_space<vmem_shared>>) offsets(%arg8 : memref<64xi32, #tpu.memory_space<vmem>>) semaphore(%arg22 : memref<!tpu.dma_semaphore, #tpu.memory_space<semaphore_mem>>) {add = true}
      %add3A_111 = arith.constant 2 : i32
      %add3A_112 = arith.addi %add3A_54, %add3A_111 : i32
      %ge3A_113 = arith.constant 2 : i32
      %ge3A_114 = arith.cmpi sge, %add3A_112, %ge3A_113 : i32
      %convert_element_type3A_115 = arith.extui %ge3A_114 : i1 to i32
      %cond3A_116 = arith.constant 0 : i32
      %cond3A_117 = arith.cmpi ne, %convert_element_type3A_115, %cond3A_116 : i32
      scf.if %cond3A_117 {
        %dma_wait3A_171 = arith.constant 0 : i32
        %dma_wait3A_172 = arith.constant 0 : i32
        %dma_wait3A_173 = tpu.memref_slice %arg16[%dma_wait3A_171, %dma_wait3A_172] : memref<10240x128xf32, #tpu.memory_space<vmem_shared>> -> memref<10240x128xf32, #tpu.memory_space<vmem_shared>>
        tpu.wait_indirect_dma semaphore(%arg21 : memref<!tpu.dma_semaphore, #tpu.memory_space<semaphore_mem>>) src(%arg11 : memref<64x128xf32, #tpu.memory_space<vmem>>) dst(%dma_wait3A_173 : memref<10240x128xf32, #tpu.memory_space<vmem_shared>>)
      } else {
      }
      %add3A_118 = arith.constant 2 : i32
      %add3A_119 = arith.addi %add3A_112, %add3A_118 : i32
      %lt3A_120 = arith.constant 160 : i32
      %lt3A_121 = arith.cmpi slt, %add3A_119, %lt3A_120 : i32
      %convert_element_type3A_122 = arith.extui %lt3A_121 : i1 to i32
      %cond3A_123 = arith.constant 0 : i32
      %cond3A_124 = arith.cmpi ne, %convert_element_type3A_122, %cond3A_123 : i32
      scf.if %cond3A_124 {
        %add3A_171 = arith.constant 2 : i32
        %add3A_172 = arith.addi %add3A_112, %add3A_171 : i32
        "tpu.region"() ({
          %run_scoped3A_173 = tpu.sem_alloc : memref<!tpu.dma_semaphore, #tpu.memory_space<semaphore_mem>>
          %dma_start3A_174 = arith.constant 0 : i32
          %dma_start3A_175 = arith.constant 0 : i32
          %dma_start3A_176 = tpu.memref_slice %arg4[%add3A, %dma_start3A_174, %dma_start3A_175] : memref<32x160x64xi32, #tpu.memory_space<hbm>> -> memref<1x160x64xi32, #tpu.memory_space<hbm>>
          %dma_start3A_177 = tpu.memref_squeeze %dma_start3A_176 : memref<1x160x64xi32, #tpu.memory_space<hbm>> -> memref<160x64xi32, #tpu.memory_space<hbm>>
          %dma_start3A_178 = arith.constant 0 : i32
          %dma_start3A_179 = tpu.memref_slice %dma_start3A_177[%add3A_172, %dma_start3A_178] : memref<160x64xi32, #tpu.memory_space<hbm>> -> memref<1x64xi32, #tpu.memory_space<hbm>>
          %dma_start3A_180 = tpu.memref_squeeze %dma_start3A_179 : memref<1x64xi32, #tpu.memory_space<hbm>> -> memref<64xi32, #tpu.memory_space<hbm>>
          %dma_start3A_181 = arith.constant 0 : i32
          %dma_start3A_182 = arith.constant 0 : i32
          %dma_start3A_183 = tpu.memref_slice %arg4[%add3A, %dma_start3A_181, %dma_start3A_182] : memref<32x160x64xi32, #tpu.memory_space<hbm>> -> memref<1x160x64xi32, #tpu.memory_space<hbm>>
          %dma_start3A_184 = tpu.memref_squeeze %dma_start3A_183 : memref<1x160x64xi32, #tpu.memory_space<hbm>> -> memref<160x64xi32, #tpu.memory_space<hbm>>
          %dma_start3A_185 = arith.constant 0 : i32
          %dma_start3A_186 = tpu.memref_slice %dma_start3A_184[%add3A_172, %dma_start3A_185] : memref<160x64xi32, #tpu.memory_space<hbm>> -> memref<1x64xi32, #tpu.memory_space<hbm>>
          %dma_start3A_187 = tpu.memref_squeeze %dma_start3A_186 : memref<1x64xi32, #tpu.memory_space<hbm>> -> memref<64xi32, #tpu.memory_space<hbm>>
          tpu.enqueue_dma source(%dma_start3A_187 : memref<64xi32, #tpu.memory_space<hbm>>) target(%arg7 : memref<64xi32, #tpu.memory_space<vmem>>) target_semaphore(%run_scoped3A_173 : memref<!tpu.dma_semaphore, #tpu.memory_space<semaphore_mem>>)
          %dma_wait3A_188 = arith.constant 0 : i32
          %dma_wait3A_189 = arith.constant 0 : i32
          %dma_wait3A_190 = tpu.memref_slice %arg4[%add3A, %dma_wait3A_188, %dma_wait3A_189] : memref<32x160x64xi32, #tpu.memory_space<hbm>> -> memref<1x160x64xi32, #tpu.memory_space<hbm>>
          %dma_wait3A_191 = tpu.memref_squeeze %dma_wait3A_190 : memref<1x160x64xi32, #tpu.memory_space<hbm>> -> memref<160x64xi32, #tpu.memory_space<hbm>>
          %dma_wait3A_192 = arith.constant 0 : i32
          %dma_wait3A_193 = tpu.memref_slice %dma_wait3A_191[%add3A_172, %dma_wait3A_192] : memref<160x64xi32, #tpu.memory_space<hbm>> -> memref<1x64xi32, #tpu.memory_space<hbm>>
          %dma_wait3A_194 = tpu.memref_squeeze %dma_wait3A_193 : memref<1x64xi32, #tpu.memory_space<hbm>> -> memref<64xi32, #tpu.memory_space<hbm>>
          %dma_wait3A_195 = arith.constant 0 : i32
          %dma_wait3A_196 = arith.constant 0 : i32
          %dma_wait3A_197 = tpu.memref_slice %arg4[%add3A, %dma_wait3A_195, %dma_wait3A_196] : memref<32x160x64xi32, #tpu.memory_space<hbm>> -> memref<1x160x64xi32, #tpu.memory_space<hbm>>
          %dma_wait3A_198 = tpu.memref_squeeze %dma_wait3A_197 : memref<1x160x64xi32, #tpu.memory_space<hbm>> -> memref<160x64xi32, #tpu.memory_space<hbm>>
          %dma_wait3A_199 = arith.constant 0 : i32
          %dma_wait3A_200 = tpu.memref_slice %dma_wait3A_198[%add3A_172, %dma_wait3A_199] : memref<160x64xi32, #tpu.memory_space<hbm>> -> memref<1x64xi32, #tpu.memory_space<hbm>>
          %dma_wait3A_201 = tpu.memref_squeeze %dma_wait3A_200 : memref<1x64xi32, #tpu.memory_space<hbm>> -> memref<64xi32, #tpu.memory_space<hbm>>
          tpu.wait_dma2 semaphore(%run_scoped3A_173 : memref<!tpu.dma_semaphore, #tpu.memory_space<semaphore_mem>>) src(%dma_wait3A_201 : memref<64xi32, #tpu.memory_space<hbm>>) dst(%arg7 : memref<64xi32, #tpu.memory_space<vmem>>)
          tpu.yield
        }) : () -> ()
      } else {
      }
      %mul3A_125 = arith.constant 64 : i32
      %mul3A_126 = arith.muli %add3A_112, %mul3A_125 : i32
      %dma_wait3A_127 = tpu.memref_slice %arg6[%mul3A_126] : memref<10240xi32, #tpu.memory_space<vmem>> -> memref<64xi32, #tpu.memory_space<vmem>>
      %dma_wait3A_128 = arith.constant 0 : i32
      %dma_wait3A_129 = arith.constant 0 : i32
      %dma_wait3A_130 = tpu.memref_slice %arg2[%dma_wait3A_128, %dma_wait3A_129] : memref<10000x128xf32, #tpu.memory_space<hbm>> -> memref<10000x128xf32, #tpu.memory_space<hbm>>
      tpu.wait_indirect_dma semaphore(%arg19 : memref<!tpu.dma_semaphore, #tpu.memory_space<semaphore_mem>>) src(%dma_wait3A_130 : memref<10000x128xf32, #tpu.memory_space<hbm>>) dst(%arg13 : memref<64x128xf32, #tpu.memory_space<vmem>>)
      %add3A_131 = arith.constant 2 : i32
      %add3A_132 = arith.addi %add3A_112, %add3A_131 : i32
      %lt3A_133 = arith.constant 160 : i32
      %lt3A_134 = arith.cmpi slt, %add3A_132, %lt3A_133 : i32
      %convert_element_type3A_135 = arith.extui %lt3A_134 : i1 to i32
      %cond3A_136 = arith.constant 0 : i32
      %cond3A_137 = arith.cmpi ne, %convert_element_type3A_135, %cond3A_136 : i32
      scf.if %cond3A_137 {
        %add3A_171 = arith.constant 2 : i32
        %add3A_172 = arith.addi %add3A_112, %add3A_171 : i32
        %mul3A_173 = arith.constant 64 : i32
        %mul3A_174 = arith.muli %add3A_172, %mul3A_173 : i32
        %dma_start3A_175 = tpu.memref_slice %arg6[%mul3A_174] : memref<10240xi32, #tpu.memory_space<vmem>> -> memref<64xi32, #tpu.memory_space<vmem>>
        %dma_start3A_176 = arith.constant 0 : i32
        %dma_start3A_177 = arith.constant 0 : i32
        %dma_start3A_178 = tpu.memref_slice %arg2[%dma_start3A_176, %dma_start3A_177] : memref<10000x128xf32, #tpu.memory_space<hbm>> -> memref<10000x128xf32, #tpu.memory_space<hbm>>
        tpu.enqueue_indirect_dma source(%dma_start3A_178 : memref<10000x128xf32, #tpu.memory_space<hbm>>) target(%arg11 : memref<64x128xf32, #tpu.memory_space<vmem>>) offsets(%dma_start3A_175 : memref<64xi32, #tpu.memory_space<vmem>>) semaphore(%arg17 : memref<!tpu.dma_semaphore, #tpu.memory_space<semaphore_mem>>)
      } else {
      }
      %dma_start3A_138 = arith.constant 0 : i32
      %dma_start3A_139 = arith.constant 0 : i32
      %dma_start3A_140 = tpu.memref_slice %arg16[%dma_start3A_138, %dma_start3A_139] : memref<10240x128xf32, #tpu.memory_space<vmem_shared>> -> memref<10240x128xf32, #tpu.memory_space<vmem_shared>>
      tpu.enqueue_indirect_dma source(%arg13 : memref<64x128xf32, #tpu.memory_space<vmem>>) target(%dma_start3A_140 : memref<10240x128xf32, #tpu.memory_space<vmem_shared>>) offsets(%arg9 : memref<64xi32, #tpu.memory_space<vmem>>) semaphore(%arg23 : memref<!tpu.dma_semaphore, #tpu.memory_space<semaphore_mem>>) {add = true}
      %add3A_141 = arith.constant 3 : i32
      %add3A_142 = arith.addi %add3A_54, %add3A_141 : i32
      %ge3A_143 = arith.constant 2 : i32
      %ge3A_144 = arith.cmpi sge, %add3A_142, %ge3A_143 : i32
      %convert_element_type3A_145 = arith.extui %ge3A_144 : i1 to i32
      %cond3A_146 = arith.constant 0 : i32
      %cond3A_147 = arith.cmpi ne, %convert_element_type3A_145, %cond3A_146 : i32
      scf.if %cond3A_147 {
        %dma_wait3A_171 = arith.constant 0 : i32
        %dma_wait3A_172 = arith.constant 0 : i32
        %dma_wait3A_173 = tpu.memref_slice %arg16[%dma_wait3A_171, %dma_wait3A_172] : memref<10240x128xf32, #tpu.memory_space<vmem_shared>> -> memref<10240x128xf32, #tpu.memory_space<vmem_shared>>
        tpu.wait_indirect_dma semaphore(%arg22 : memref<!tpu.dma_semaphore, #tpu.memory_space<semaphore_mem>>) src(%arg12 : memref<64x128xf32, #tpu.memory_space<vmem>>) dst(%dma_wait3A_173 : memref<10240x128xf32, #tpu.memory_space<vmem_shared>>)
      } else {
      }
      %add3A_148 = arith.constant 2 : i32
      %add3A_149 = arith.addi %add3A_142, %add3A_148 : i32
      %lt3A_150 = arith.constant 160 : i32
      %lt3A_151 = arith.cmpi slt, %add3A_149, %lt3A_150 : i32
      %convert_element_type3A_152 = arith.extui %lt3A_151 : i1 to i32
      %cond3A_153 = arith.constant 0 : i32
      %cond3A_154 = arith.cmpi ne, %convert_element_type3A_152, %cond3A_153 : i32
      scf.if %cond3A_154 {
        %add3A_171 = arith.constant 2 : i32
        %add3A_172 = arith.addi %add3A_142, %add3A_171 : i32
        "tpu.region"() ({
          %run_scoped3A_173 = tpu.sem_alloc : memref<!tpu.dma_semaphore, #tpu.memory_space<semaphore_mem>>
          %dma_start3A_174 = arith.constant 0 : i32
          %dma_start3A_175 = arith.constant 0 : i32
          %dma_start3A_176 = tpu.memref_slice %arg4[%add3A, %dma_start3A_174, %dma_start3A_175] : memref<32x160x64xi32, #tpu.memory_space<hbm>> -> memref<1x160x64xi32, #tpu.memory_space<hbm>>
          %dma_start3A_177 = tpu.memref_squeeze %dma_start3A_176 : memref<1x160x64xi32, #tpu.memory_space<hbm>> -> memref<160x64xi32, #tpu.memory_space<hbm>>
          %dma_start3A_178 = arith.constant 0 : i32
          %dma_start3A_179 = tpu.memref_slice %dma_start3A_177[%add3A_172, %dma_start3A_178] : memref<160x64xi32, #tpu.memory_space<hbm>> -> memref<1x64xi32, #tpu.memory_space<hbm>>
          %dma_start3A_180 = tpu.memref_squeeze %dma_start3A_179 : memref<1x64xi32, #tpu.memory_space<hbm>> -> memref<64xi32, #tpu.memory_space<hbm>>
          %dma_start3A_181 = arith.constant 0 : i32
          %dma_start3A_182 = arith.constant 0 : i32
          %dma_start3A_183 = tpu.memref_slice %arg4[%add3A, %dma_start3A_181, %dma_start3A_182] : memref<32x160x64xi32, #tpu.memory_space<hbm>> -> memref<1x160x64xi32, #tpu.memory_space<hbm>>
          %dma_start3A_184 = tpu.memref_squeeze %dma_start3A_183 : memref<1x160x64xi32, #tpu.memory_space<hbm>> -> memref<160x64xi32, #tpu.memory_space<hbm>>
          %dma_start3A_185 = arith.constant 0 : i32
          %dma_start3A_186 = tpu.memref_slice %dma_start3A_184[%add3A_172, %dma_start3A_185] : memref<160x64xi32, #tpu.memory_space<hbm>> -> memref<1x64xi32, #tpu.memory_space<hbm>>
          %dma_start3A_187 = tpu.memref_squeeze %dma_start3A_186 : memref<1x64xi32, #tpu.memory_space<hbm>> -> memref<64xi32, #tpu.memory_space<hbm>>
          tpu.enqueue_dma source(%dma_start3A_187 : memref<64xi32, #tpu.memory_space<hbm>>) target(%arg8 : memref<64xi32, #tpu.memory_space<vmem>>) target_semaphore(%run_scoped3A_173 : memref<!tpu.dma_semaphore, #tpu.memory_space<semaphore_mem>>)
          %dma_wait3A_188 = arith.constant 0 : i32
          %dma_wait3A_189 = arith.constant 0 : i32
          %dma_wait3A_190 = tpu.memref_slice %arg4[%add3A, %dma_wait3A_188, %dma_wait3A_189] : memref<32x160x64xi32, #tpu.memory_space<hbm>> -> memref<1x160x64xi32, #tpu.memory_space<hbm>>
          %dma_wait3A_191 = tpu.memref_squeeze %dma_wait3A_190 : memref<1x160x64xi32, #tpu.memory_space<hbm>> -> memref<160x64xi32, #tpu.memory_space<hbm>>
          %dma_wait3A_192 = arith.constant 0 : i32
          %dma_wait3A_193 = tpu.memref_slice %dma_wait3A_191[%add3A_172, %dma_wait3A_192] : memref<160x64xi32, #tpu.memory_space<hbm>> -> memref<1x64xi32, #tpu.memory_space<hbm>>
          %dma_wait3A_194 = tpu.memref_squeeze %dma_wait3A_193 : memref<1x64xi32, #tpu.memory_space<hbm>> -> memref<64xi32, #tpu.memory_space<hbm>>
          %dma_wait3A_195 = arith.constant 0 : i32
          %dma_wait3A_196 = arith.constant 0 : i32
          %dma_wait3A_197 = tpu.memref_slice %arg4[%add3A, %dma_wait3A_195, %dma_wait3A_196] : memref<32x160x64xi32, #tpu.memory_space<hbm>> -> memref<1x160x64xi32, #tpu.memory_space<hbm>>
          %dma_wait3A_198 = tpu.memref_squeeze %dma_wait3A_197 : memref<1x160x64xi32, #tpu.memory_space<hbm>> -> memref<160x64xi32, #tpu.memory_space<hbm>>
          %dma_wait3A_199 = arith.constant 0 : i32
          %dma_wait3A_200 = tpu.memref_slice %dma_wait3A_198[%add3A_172, %dma_wait3A_199] : memref<160x64xi32, #tpu.memory_space<hbm>> -> memref<1x64xi32, #tpu.memory_space<hbm>>
          %dma_wait3A_201 = tpu.memref_squeeze %dma_wait3A_200 : memref<1x64xi32, #tpu.memory_space<hbm>> -> memref<64xi32, #tpu.memory_space<hbm>>
          tpu.wait_dma2 semaphore(%run_scoped3A_173 : memref<!tpu.dma_semaphore, #tpu.memory_space<semaphore_mem>>) src(%dma_wait3A_201 : memref<64xi32, #tpu.memory_space<hbm>>) dst(%arg8 : memref<64xi32, #tpu.memory_space<vmem>>)
          tpu.yield
        }) : () -> ()
      } else {
      }
      %mul3A_155 = arith.constant 64 : i32
      %mul3A_156 = arith.muli %add3A_142, %mul3A_155 : i32
      %dma_wait3A_157 = tpu.memref_slice %arg6[%mul3A_156] : memref<10240xi32, #tpu.memory_space<vmem>> -> memref<64xi32, #tpu.memory_space<vmem>>
      %dma_wait3A_158 = arith.constant 0 : i32
      %dma_wait3A_159 = arith.constant 0 : i32
      %dma_wait3A_160 = tpu.memref_slice %arg2[%dma_wait3A_158, %dma_wait3A_159] : memref<10000x128xf32, #tpu.memory_space<hbm>> -> memref<10000x128xf32, #tpu.memory_space<hbm>>
      tpu.wait_indirect_dma semaphore(%arg20 : memref<!tpu.dma_semaphore, #tpu.memory_space<semaphore_mem>>) src(%dma_wait3A_160 : memref<10000x128xf32, #tpu.memory_space<hbm>>) dst(%arg14 : memref<64x128xf32, #tpu.memory_space<vmem>>)
      %add3A_161 = arith.constant 2 : i32
      %add3A_162 = arith.addi %add3A_142, %add3A_161 : i32
      %lt3A_163 = arith.constant 160 : i32
      %lt3A_164 = arith.cmpi slt, %add3A_162, %lt3A_163 : i32
      %convert_element_type3A_165 = arith.extui %lt3A_164 : i1 to i32
      %cond3A_166 = arith.constant 0 : i32
      %cond3A_167 = arith.cmpi ne, %convert_element_type3A_165, %cond3A_166 : i32
      scf.if %cond3A_167 {
        %add3A_171 = arith.constant 2 : i32
        %add3A_172 = arith.addi %add3A_142, %add3A_171 : i32
        %mul3A_173 = arith.constant 64 : i32
        %mul3A_174 = arith.muli %add3A_172, %mul3A_173 : i32
        %dma_start3A_175 = tpu.memref_slice %arg6[%mul3A_174] : memref<10240xi32, #tpu.memory_space<vmem>> -> memref<64xi32, #tpu.memory_space<vmem>>
        %dma_start3A_176 = arith.constant 0 : i32
        %dma_start3A_177 = arith.constant 0 : i32
        %dma_start3A_178 = tpu.memref_slice %arg2[%dma_start3A_176, %dma_start3A_177] : memref<10000x128xf32, #tpu.memory_space<hbm>> -> memref<10000x128xf32, #tpu.memory_space<hbm>>
        tpu.enqueue_indirect_dma source(%dma_start3A_178 : memref<10000x128xf32, #tpu.memory_space<hbm>>) target(%arg12 : memref<64x128xf32, #tpu.memory_space<vmem>>) offsets(%dma_start3A_175 : memref<64xi32, #tpu.memory_space<vmem>>) semaphore(%arg18 : memref<!tpu.dma_semaphore, #tpu.memory_space<semaphore_mem>>)
      } else {
      }
      %dma_start3A_168 = arith.constant 0 : i32
      %dma_start3A_169 = arith.constant 0 : i32
      %dma_start3A_170 = tpu.memref_slice %arg16[%dma_start3A_168, %dma_start3A_169] : memref<10240x128xf32, #tpu.memory_space<vmem_shared>> -> memref<10240x128xf32, #tpu.memory_space<vmem_shared>>
      tpu.enqueue_indirect_dma source(%arg14 : memref<64x128xf32, #tpu.memory_space<vmem>>) target(%dma_start3A_170 : memref<10240x128xf32, #tpu.memory_space<vmem_shared>>) offsets(%arg10 : memref<64xi32, #tpu.memory_space<vmem>>) semaphore(%arg24 : memref<!tpu.dma_semaphore, #tpu.memory_space<semaphore_mem>>) {add = true}
    }
    %scan3A_42 = arith.constant 40 : i32
    %dma_wait3A_43 = arith.constant 0 : i32
    %dma_wait3A_44 = arith.constant 0 : i32
    %dma_wait3A_45 = tpu.memref_slice %arg16[%dma_wait3A_43, %dma_wait3A_44] : memref<10240x128xf32, #tpu.memory_space<vmem_shared>> -> memref<10240x128xf32, #tpu.memory_space<vmem_shared>>
    tpu.wait_indirect_dma semaphore(%arg23 : memref<!tpu.dma_semaphore, #tpu.memory_space<semaphore_mem>>) src(%arg13 : memref<64x128xf32, #tpu.memory_space<vmem>>) dst(%dma_wait3A_45 : memref<10240x128xf32, #tpu.memory_space<vmem_shared>>)
    %dma_wait3A_46 = arith.constant 0 : i32
    %dma_wait3A_47 = arith.constant 0 : i32
    %dma_wait3A_48 = tpu.memref_slice %arg16[%dma_wait3A_46, %dma_wait3A_47] : memref<10240x128xf32, #tpu.memory_space<vmem_shared>> -> memref<10240x128xf32, #tpu.memory_space<vmem_shared>>
    tpu.wait_indirect_dma semaphore(%arg24 : memref<!tpu.dma_semaphore, #tpu.memory_space<semaphore_mem>>) src(%arg14 : memref<64x128xf32, #tpu.memory_space<vmem>>) dst(%dma_wait3A_48 : memref<10240x128xf32, #tpu.memory_space<vmem_shared>>)
    %barrier3A_49 = arith.constant 0 : index
    tpu.barrier barrier_id(%barrier3A_49)
    "tpu.region"() ({
      %run_scoped3A_50 = tpu.sem_alloc : memref<!tpu.dma_semaphore, #tpu.memory_space<semaphore_mem>>
      %dma_start3A_51 = arith.constant 0 : i32
      %dma_start3A_52 = arith.constant 0 : i32
      %dma_start3A_53 = tpu.memref_slice %arg5[%arg0, %dma_start3A_51, %dma_start3A_52] : memref<2x10240x128xf32, #tpu.memory_space<hbm>> -> memref<1x10240x128xf32, #tpu.memory_space<hbm>>
      %dma_start3A_54 = tpu.memref_squeeze %dma_start3A_53 : memref<1x10240x128xf32, #tpu.memory_space<hbm>> -> memref<10240x128xf32, #tpu.memory_space<hbm>>
      %dma_start3A_55 = arith.constant 0 : i32
      %dma_start3A_56 = tpu.memref_slice %dma_start3A_54[%mul3A_2, %dma_start3A_55] : memref<10240x128xf32, #tpu.memory_space<hbm>> -> memref<640x128xf32, #tpu.memory_space<hbm>>
      %dma_start3A_57 = arith.constant 0 : i32
      %dma_start3A_58 = tpu.memref_slice %arg16[%mul3A_2, %dma_start3A_57] : memref<10240x128xf32, #tpu.memory_space<vmem_shared>> -> memref<640x128xf32, #tpu.memory_space<vmem_shared>>
      tpu.enqueue_dma source(%dma_start3A_58 : memref<640x128xf32, #tpu.memory_space<vmem_shared>>) target(%dma_start3A_56 : memref<640x128xf32, #tpu.memory_space<hbm>>) target_semaphore(%run_scoped3A_50 : memref<!tpu.dma_semaphore, #tpu.memory_space<semaphore_mem>>)
      %dma_wait3A_59 = arith.constant 0 : i32
      %dma_wait3A_60 = arith.constant 0 : i32
      %dma_wait3A_61 = tpu.memref_slice %arg5[%arg0, %dma_wait3A_59, %dma_wait3A_60] : memref<2x10240x128xf32, #tpu.memory_space<hbm>> -> memref<1x10240x128xf32, #tpu.memory_space<hbm>>
      %dma_wait3A_62 = tpu.memref_squeeze %dma_wait3A_61 : memref<1x10240x128xf32, #tpu.memory_space<hbm>> -> memref<10240x128xf32, #tpu.memory_space<hbm>>
      %dma_wait3A_63 = arith.constant 0 : i32
      %dma_wait3A_64 = tpu.memref_slice %dma_wait3A_62[%mul3A_2, %dma_wait3A_63] : memref<10240x128xf32, #tpu.memory_space<hbm>> -> memref<640x128xf32, #tpu.memory_space<hbm>>
      %dma_wait3A_65 = arith.constant 0 : i32
      %dma_wait3A_66 = tpu.memref_slice %arg16[%mul3A_2, %dma_wait3A_65] : memref<10240x128xf32, #tpu.memory_space<vmem_shared>> -> memref<640x128xf32, #tpu.memory_space<vmem_shared>>
      tpu.wait_dma2 semaphore(%run_scoped3A_50 : memref<!tpu.dma_semaphore, #tpu.memory_space<semaphore_mem>>) src(%dma_wait3A_66 : memref<640x128xf32, #tpu.memory_space<vmem_shared>>) dst(%dma_wait3A_64 : memref<640x128xf32, #tpu.memory_space<hbm>>)
      tpu.yield
    }) : () -> ()
    return
  }
}

module attributes {stable_mosaic.version = 14 : i64} {
  func.func @body(%arg0: memref<10000x128xf32, #tpu.memory_space<vmem>>, %arg1: memref<128x128xf32, #tpu.memory_space<vmem>>, %arg2: memref<10000x64xf32, #tpu.memory_space<vmem>>, %arg3: memref<10000x128xf32, #tpu.memory_space<vmem>>) attributes {dimension_semantics = [], scalar_prefetch = 0 : i64, scratch_operands = 0 : i64, tpu.core_type = #tpu.core_type<tc>} {
    %get3A = arith.constant 0 : index
    %get3A_0 = arith.constant 0 : index
    %get3A_1 = vector.load %arg2[%get3A, %get3A_0] : memref<10000x64xf32, #tpu.memory_space<vmem>>, vector<10000x32xf32>
    %reduce_sum3A = arith.constant dense<0.000000e+00> : vector<10000xf32>
    %reduce_sum3A_2 = vector.multi_reduction <add>, %get3A_1, %reduce_sum3A [1] : vector<10000x32xf32> to vector<10000xf32>
    %broadcast_in_dim3A = vector.shape_cast %reduce_sum3A_2 : vector<10000xf32> to vector<10000x1xf32>
    %max3A = arith.constant 1.000000e+00 : f32
    %max3A_3 = vector.broadcast %max3A : f32 to vector<10000x1xf32>
    %max3A_4 = arith.maximumf %broadcast_in_dim3A, %max3A_3 : vector<10000x1xf32>
    %rsqrt3A = math.rsqrt %max3A_4 : vector<10000x1xf32>
    %get3A_5 = arith.constant 0 : index
    %get3A_6 = arith.constant 0 : index
    %get3A_7 = vector.load %arg0[%get3A_5, %get3A_6] : memref<10000x128xf32, #tpu.memory_space<vmem>>, vector<10000x128xf32>
    %get3A_8 = arith.constant 0 : index
    %get3A_9 = arith.constant 0 : index
    %get3A_10 = vector.load %arg1[%get3A_8, %get3A_9] : memref<128x128xf32, #tpu.memory_space<vmem>>, vector<128x128xf32>
    %dot_general3A = arith.constant dense<0.000000e+00> : vector<10000x128xf32>
    %dot_general3A_11 = tpu.matmul %get3A_7, %get3A_10, %dot_general3A {dimension_numbers = #tpu.dot_dimension_numbers<[1], [0], [0], [1], [0, 0, 1, 1], [], []>, transpose_lhs_hint = false} : vector<10000x128xf32>, vector<128x128xf32>, vector<10000x128xf32> -> vector<10000x128xf32>
    %mul3A = vector.broadcast %rsqrt3A : vector<10000x1xf32> to vector<10000x128xf32>
    %mul3A_12 = arith.mulf %dot_general3A_11, %mul3A : vector<10000x128xf32>
    %swap3A = arith.constant 0 : index
    %swap3A_13 = arith.constant 0 : index
    %swap3A_14 = vector.load %arg3[%swap3A, %swap3A_13] : memref<10000x128xf32, #tpu.memory_space<vmem>>, vector<10000x128xf32>
    tpu.vector_store %arg3[%swap3A, %swap3A_13], %mul3A_12 {strides = array<i32>} : memref<10000x128xf32, #tpu.memory_space<vmem>>, vector<10000x128xf32>,
    return
  }
}

module attributes {stable_mosaic.version = 14 : i64} {
  func.func @body(%arg0: memref<2x10240x128xf32, #tpu.memory_space<vmem>>, %arg1: memref<10000x64xf32, #tpu.memory_space<vmem>>, %arg2: memref<1x128xf32, #tpu.memory_space<vmem>>, %arg3: memref<128x128xf32, #tpu.memory_space<vmem>>, %arg4: memref<10000x128xf32, #tpu.memory_space<vmem>>) attributes {dimension_semantics = [], scalar_prefetch = 0 : i64, scratch_operands = 0 : i64, tpu.core_type = #tpu.core_type<tc>} {
    %get3A = arith.constant 0 : index
    %get3A_0 = arith.constant 0 : index
    %get3A_1 = vector.load %arg1[%get3A, %get3A_0] : memref<10000x64xf32, #tpu.memory_space<vmem>>, vector<10000x32xf32>
    %reduce_sum3A = arith.constant dense<0.000000e+00> : vector<10000xf32>
    %reduce_sum3A_2 = vector.multi_reduction <add>, %get3A_1, %reduce_sum3A [1] : vector<10000x32xf32> to vector<10000xf32>
    %broadcast_in_dim3A = vector.shape_cast %reduce_sum3A_2 : vector<10000xf32> to vector<10000x1xf32>
    %get3A_3 = arith.constant 0 : index
    %get3A_4 = arith.constant 32 : index
    %get3A_5 = vector.load %arg1[%get3A_3, %get3A_4] : memref<10000x64xf32, #tpu.memory_space<vmem>>, vector<10000x32xf32>
    %reduce_sum3A_6 = arith.constant dense<0.000000e+00> : vector<10000xf32>
    %reduce_sum3A_7 = vector.multi_reduction <add>, %get3A_5, %reduce_sum3A_6 [1] : vector<10000x32xf32> to vector<10000xf32>
    %broadcast_in_dim3A_8 = vector.shape_cast %reduce_sum3A_7 : vector<10000xf32> to vector<10000x1xf32>
    %max3A = arith.constant 1.000000e+00 : f32
    %max3A_9 = vector.broadcast %max3A : f32 to vector<10000x1xf32>
    %max3A_10 = arith.maximumf %broadcast_in_dim3A, %max3A_9 : vector<10000x1xf32>
    %rsqrt3A = math.rsqrt %max3A_10 : vector<10000x1xf32>
    %max3A_11 = arith.constant 1.000000e+00 : f32
    %max3A_12 = vector.broadcast %max3A_11 : f32 to vector<10000x1xf32>
    %max3A_13 = arith.maximumf %broadcast_in_dim3A_8, %max3A_12 : vector<10000x1xf32>
    %rsqrt3A_14 = math.rsqrt %max3A_13 : vector<10000x1xf32>
    %get3A_15 = arith.constant 0 : index
    %get3A_16 = arith.constant 0 : index
    %get3A_17 = arith.constant 0 : index
    %get3A_18 = vector.load %arg0[%get3A_15, %get3A_16, %get3A_17] : memref<2x10240x128xf32, #tpu.memory_space<vmem>>, vector<1x10000x128xf32>
    %get3A_19 = vector.shape_cast %get3A_18 : vector<1x10000x128xf32> to vector<10000x128xf32>
    %get3A_20 = arith.constant 1 : index
    %get3A_21 = arith.constant 0 : index
    %get3A_22 = arith.constant 0 : index
    %get3A_23 = vector.load %arg0[%get3A_20, %get3A_21, %get3A_22] : memref<2x10240x128xf32, #tpu.memory_space<vmem>>, vector<1x10000x128xf32>
    %get3A_24 = vector.shape_cast %get3A_23 : vector<1x10000x128xf32> to vector<10000x128xf32>
    %add3A = arith.addf %get3A_19, %get3A_24 : vector<10000x128xf32>
    %mul3A = vector.broadcast %rsqrt3A_14 : vector<10000x1xf32> to vector<10000x128xf32>
    %mul3A_25 = arith.mulf %add3A, %mul3A : vector<10000x128xf32>
    %get3A_26 = arith.constant 0 : index
    %get3A_27 = arith.constant 0 : index
    %get3A_28 = vector.load %arg2[%get3A_26, %get3A_27] : memref<1x128xf32, #tpu.memory_space<vmem>>, vector<1x128xf32>
    %add3A_29 = vector.broadcast %get3A_28 : vector<1x128xf32> to vector<10000x128xf32>
    %add3A_30 = arith.addf %mul3A_25, %add3A_29 : vector<10000x128xf32>
    %max3A_31 = arith.constant 0.000000e+00 : f32
    %max3A_32 = vector.broadcast %max3A_31 : f32 to vector<10000x128xf32>
    %max3A_33 = arith.maximumf %add3A_30, %max3A_32 : vector<10000x128xf32>
    %get3A_34 = arith.constant 0 : index
    %get3A_35 = arith.constant 0 : index
    %get3A_36 = vector.load %arg3[%get3A_34, %get3A_35] : memref<128x128xf32, #tpu.memory_space<vmem>>, vector<128x128xf32>
    %dot_general3A = arith.constant dense<0.000000e+00> : vector<10000x128xf32>
    %dot_general3A_37 = tpu.matmul %max3A_33, %get3A_36, %dot_general3A {dimension_numbers = #tpu.dot_dimension_numbers<[1], [0], [0], [1], [0, 0, 1, 1], [], []>, transpose_lhs_hint = false} : vector<10000x128xf32>, vector<128x128xf32>, vector<10000x128xf32> -> vector<10000x128xf32>
    %mul3A_38 = vector.broadcast %rsqrt3A : vector<10000x1xf32> to vector<10000x128xf32>
    %mul3A_39 = arith.mulf %dot_general3A_37, %mul3A_38 : vector<10000x128xf32>
    %swap3A = arith.constant 0 : index
    %swap3A_40 = arith.constant 0 : index
    %swap3A_41 = vector.load %arg4[%swap3A, %swap3A_40] : memref<10000x128xf32, #tpu.memory_space<vmem>>, vector<10000x128xf32>
    tpu.vector_store %arg4[%swap3A, %swap3A_40], %mul3A_39 {strides = array<i32>} : memref<10000x128xf32, #tpu.memory_space<vmem>>, vector<10000x128xf32>,
    return
  }
}

module attributes {stable_mosaic.version = 14 : i64} {
  func.func @body(%arg0: memref<2x10240x128xf32, #tpu.memory_space<vmem>>, %arg1: memref<10000x64xf32, #tpu.memory_space<vmem>>, %arg2: memref<1x128xf32, #tpu.memory_space<vmem>>, %arg3: memref<10000x128xf32, #tpu.memory_space<vmem>>) attributes {dimension_semantics = [], scalar_prefetch = 0 : i64, scratch_operands = 0 : i64, tpu.core_type = #tpu.core_type<tc>} {
    %get3A = arith.constant 0 : index
    %get3A_0 = arith.constant 32 : index
    %get3A_1 = vector.load %arg1[%get3A, %get3A_0] : memref<10000x64xf32, #tpu.memory_space<vmem>>, vector<10000x32xf32>
    %reduce_sum3A = arith.constant dense<0.000000e+00> : vector<10000xf32>
    %reduce_sum3A_2 = vector.multi_reduction <add>, %get3A_1, %reduce_sum3A [1] : vector<10000x32xf32> to vector<10000xf32>
    %broadcast_in_dim3A = vector.shape_cast %reduce_sum3A_2 : vector<10000xf32> to vector<10000x1xf32>
    %max3A = arith.constant 1.000000e+00 : f32
    %max3A_3 = vector.broadcast %max3A : f32 to vector<10000x1xf32>
    %max3A_4 = arith.maximumf %broadcast_in_dim3A, %max3A_3 : vector<10000x1xf32>
    %rsqrt3A = math.rsqrt %max3A_4 : vector<10000x1xf32>
    %get3A_5 = arith.constant 0 : index
    %get3A_6 = arith.constant 0 : index
    %get3A_7 = arith.constant 0 : index
    %get3A_8 = vector.load %arg0[%get3A_5, %get3A_6, %get3A_7] : memref<2x10240x128xf32, #tpu.memory_space<vmem>>, vector<1x10000x128xf32>
    %get3A_9 = vector.shape_cast %get3A_8 : vector<1x10000x128xf32> to vector<10000x128xf32>
    %get3A_10 = arith.constant 1 : index
    %get3A_11 = arith.constant 0 : index
    %get3A_12 = arith.constant 0 : index
    %get3A_13 = vector.load %arg0[%get3A_10, %get3A_11, %get3A_12] : memref<2x10240x128xf32, #tpu.memory_space<vmem>>, vector<1x10000x128xf32>
    %get3A_14 = vector.shape_cast %get3A_13 : vector<1x10000x128xf32> to vector<10000x128xf32>
    %add3A = arith.addf %get3A_9, %get3A_14 : vector<10000x128xf32>
    %mul3A = vector.broadcast %rsqrt3A : vector<10000x1xf32> to vector<10000x128xf32>
    %mul3A_15 = arith.mulf %add3A, %mul3A : vector<10000x128xf32>
    %get3A_16 = arith.constant 0 : index
    %get3A_17 = arith.constant 0 : index
    %get3A_18 = vector.load %arg2[%get3A_16, %get3A_17] : memref<1x128xf32, #tpu.memory_space<vmem>>, vector<1x128xf32>
    %add3A_19 = vector.broadcast %get3A_18 : vector<1x128xf32> to vector<10000x128xf32>
    %add3A_20 = arith.addf %mul3A_15, %add3A_19 : vector<10000x128xf32>
    %swap3A = arith.constant 0 : index
    %swap3A_21 = arith.constant 0 : index
    %swap3A_22 = vector.load %arg3[%swap3A, %swap3A_21] : memref<10000x128xf32, #tpu.memory_space<vmem>>, vector<10000x128xf32>
    tpu.vector_store %arg3[%swap3A, %swap3A_21], %add3A_20 {strides = array<i32>} : memref<10000x128xf32, #tpu.memory_space<vmem>>, vector<10000x128xf32>,
    return
  }
}

</mosaic_0001>

<sc_bundles>
// kernel: kernel.11.cloned.1.call-start
scs
__scs_entry_jumppad:
0x0: {  	(pc) =	sbr.rel $0x88, $3  }
0x1: {  	(tag) =	ssettag $0x0;
	lr =	simm.s32 $0x1  }
0x2: {  	[smem:$0x3F9B] =	sst lr;
	_ =	strace $0xD0000000  }
0x3: {  	_ = 	snop  }
0x4: {  	_ = 	snop  }
0x5: {  	_ = 	snop  }
0x6: {  	_ = 	snop  }
0x7: {  	_ = 	snop  }
__scs_overlays_trampoline_lowered:
0x8: {  	[smem:$0x3FAA] =	sst s0  }
0x9: {  	[smem:$0x3FAB] =	sst s1  }
0xa: {  	[smem:$0x3FAC] =	sst s2  }
0xb: {  	[smem:$0x3FAD] =	sst s3  }
0xc: {  	[smem:$0x3FAE] =	sst s4  }
0xd: {  	[smem:$0x3FAF] =	sst s5  }
0xe: {  	[smem:$0x3FB0] =	sst s6  }
0xf: {  	[smem:$0x3FB1] =	sst s7  }
0x10: {  	[smem:$0x3FB2] =	sst s8  }
0x11: {  	[smem:$0x3FB3] =	sst s9;
	s0 =	simm.s32 @!p0 $0x0  }
0x12: {  	s1 =	sld [smem:$0x3F99];
	s0 =	simm.s32 @p0 $0x1  }
0x13: {  	[smem:$0x3FB4] =	sst s0;
	s0 =	simm.s32 @!p1 $0x0  }
0x14: {  	s2 =	sld [smem:$0x3F98];
	s0 =	simm.s32 @p1 $0x1  }
0x15: {  	[smem:$0x3FB5] =	sst s0;
	s0 =	simm.s32 @!p2 $0x0  }
0x16: {  	s3 =	sld [smem:$0x3FDB];
	s0 =	simm.s32 @p2 $0x1  }
0x17: {  	s4 =	simm.s32 $0x1BF5;
	[smem:$0x3FB7] =	sst s0  }
0x18: {  	s0 =	sld [smem:$0x3F9A];
	_ =	swait.ge [sflag:s4], $0x0  }
0x19: {  	s7 =	sld [smem:$0x3F9B]  }
0x1a: {  	s8 =	sadd.s32 $0xFFFFE003, lr  }
0x1b: {  	s9 =	sadd.s32 $0xFFFFFEF7, lr;
	s5 =	simm.s32 $0xFFFFFFFF;
	p2 =	slt.u32 s8, $0xFFFFF086  }
0x1c: {  	p1 =	slt.u32 s9, $0xF7A;
	s5 =	simm.s32 @!p2 $0x0  }
0x1d: {  	s5 =	simm.s32 @p1 $0x1;
	p0 =	seq.s32 s7, s2  }
0x1e: {  	s7 =	smul.u32 @!p0 $0xF7A, s2;
	p2 =	seq.s32 @!p0 s5, $0x0  }
0x1f: {  	s9 =	smul.u32 $0xF7A, s1;
	s8 =	simm.s32 @!p0 $0x1BF5;
	p2 =	por !p2, p0  }
0x20: {  	[sflag:s8] =	ssyncset.s32 @!p0 $0xFFFFF086;
	s6 =	sadd.s32 @!p0 s3, s7;
	s7 =	simm.s32 @!p0 $0x108  }
0x21: {  	s3 =	sadd.s32 s3, s9;
	s6 =	sadd.s32 @!p0 $0x88, s6;
	s7 =	simm.s32 @p2 $0x1082  }
0x22: {  	[simem:s7], [sflag:s8] =	dma.local @!p0 [hbm:s6], $0xF7A  }
0x23: {  	s9 =	sor.u32 $0xD0000000, s2;
	s6 =	simm.s32 $0x108;
	_ =	swait.ge @!p0 [sflag:s8], $0x0  }
0x24: {  	s3 =	sadd.s32 $0x88, s3;
	s6 =	simm.s32 @!p1 $0x1082;
	[sflag:s4] =	ssyncset.s32 $0xFFFFF086  }
0x25: {  	[simem:s6], [sflag:s4] =	dma.local [hbm:s3], $0xF7A  }
0x26: {  	[smem:$0x3F9B] =	sst s1;
	(tag) =	ssettag s2;
	_ =	strace s9  }
0x27: {  	s1 =	sld [smem:$0x3FAB]  }
0x28: {  	s2 =	sld [smem:$0x3FAC]  }
0x29: {  	s4 =	sld [smem:$0x3FAE]  }
0x2a: {  	p0 =	seq.s32 s5, $0x0;
	s5 =	sld [smem:$0x3FAF]  }
0x2b: {  	s6 =	sld [smem:$0x3FB0]  }
0x2c: {  	s7 =	sld [smem:$0x3FB1]  }
0x2d: {  	s3 =	simm.s32 $0x108;
	s8 =	sld [smem:$0x3FB2]  }
0x2e: {  	s3 =	simm.s32 @!p0 $0x1082;
	s9 =	sld [smem:$0x3FB3]  }
0x2f: {  	lr =	sadd.s32 s0, s3;
	s0 =	sld [smem:$0x3FAA]  }
0x30: {  	s3 =	sld [smem:$0x3FAD]  }
0x31: {  	[smem:$0x3FB6] =	sst s10  }
0x32: {  	s10 =	sld [smem:$0x3FB4];
	_ =	sdelay $0x3  }
0x33: {  	p0 =	seq.s32 s10, $0x1;
	s10 =	sld [smem:$0x3FB6];
	_ =	sdelay $0x3  }
0x34: {  	[smem:$0x3FB6] =	sst s10  }
0x35: {  	s10 =	sld [smem:$0x3FB5];
	_ =	sdelay $0x3  }
0x36: {  	p1 =	seq.s32 s10, $0x1;
	s10 =	sld [smem:$0x3FB6];
	_ =	sdelay $0x3  }
0x37: {  	[smem:$0x3FB6] =	sst s10  }
0x38: {  	s10 =	sld [smem:$0x3FB7]  }
0x39: {  	_ = 	snop;
	(pc) =	sbr.ind lr, $3  }
0x3a: {  	_ = 	snop  }
0x3b: {  	_ = 	snop  }
0x3c: {  	p2 =	seq.s32 s10, $0x1;
	s10 =	sld [smem:$0x3FB6]  }
0x3d: {  	_ =	shalt  }
0x3e: {  	_ =	shalt  }
0x3f: {  	_ =	shalt  }
0x40: {  	_ =	shalt  }
0x41: {  	_ =	shalt  }
0x42: {  	_ =	shalt  }
0x43: {  	_ =	shalt  }
0x44: {  	_ =	shalt  }
0x45: {  	_ =	shalt  }
0x46: {  	_ =	shalt  }
0x47: {  	_ =	shalt  }
0x48: {  	_ =	shalt  }
0x49: {  	_ =	shalt  }
0x4a: {  	_ =	shalt  }
0x4b: {  	_ =	shalt  }
0x4c: {  	_ =	shalt  }
0x4d: {  	_ =	shalt  }
0x4e: {  	_ =	shalt  }
0x4f: {  	_ =	shalt  }
0x50: {  	_ =	shalt  }
0x51: {  	_ =	shalt  }
0x52: {  	_ =	shalt  }
0x53: {  	_ =	shalt  }
0x54: {  	_ =	shalt  }
0x55: {  	_ =	shalt  }
0x56: {  	_ =	shalt  }
0x57: {  	_ =	shalt  }
0x58: {  	_ =	shalt  }
0x59: {  	_ =	shalt  }
0x5a: {  	_ =	shalt  }
0x5b: {  	_ =	shalt  }
0x5c: {  	_ =	shalt  }
0x5d: {  	_ =	shalt  }
0x5e: {  	_ =	shalt  }
0x5f: {  	_ =	shalt  }
0x60: {  	_ =	shalt  }
0x61: {  	_ =	shalt  }
0x62: {  	_ =	shalt  }
0x63: {  	_ =	shalt  }
0x64: {  	_ =	shalt  }
0x65: {  	_ =	shalt  }
0x66: {  	_ =	shalt  }
0x67: {  	_ =	shalt  }
0x68: {  	_ =	shalt  }
0x69: {  	_ =	shalt  }
0x6a: {  	_ =	shalt  }
0x6b: {  	_ =	shalt  }
0x6c: {  	_ =	shalt  }
0x6d: {  	_ =	shalt  }
0x6e: {  	_ =	shalt  }
0x6f: {  	_ =	shalt  }
0x70: {  	_ =	shalt  }
0x71: {  	_ =	shalt  }
0x72: {  	_ =	shalt  }
0x73: {  	_ =	shalt  }
0x74: {  	_ =	shalt  }
0x75: {  	_ =	shalt  }
0x76: {  	_ =	shalt  }
0x77: {  	_ =	shalt  }
0x78: {  	_ =	shalt  }
0x79: {  	_ =	shalt  }
0x7a: {  	_ =	shalt  }
0x7b: {  	_ =	shalt  }
0x7c: {  	_ =	shalt  }
0x7d: {  	_ =	shalt  }
0x7e: {  	_ =	shalt  }
0x7f: {  	_ =	shalt  }
0x80: {  	_ =	shalt  }
0x81: {  	_ =	shalt  }
0x82: {  	_ =	shalt  }
0x83: {  	_ =	shalt  }
0x84: {  	_ =	shalt  }
0x85: {  	_ =	shalt  }
0x86: {  	_ =	shalt  }
0x87: {  	_ =	shalt  }
.Lfunc_end0:
.L_simem_size_0:
called_computation.1_lowered:
.L_overlay_start_0:
0x88: {  	s2 =	sld [smem:$0x3FD9]  }
0x89: {  	s3 =	sld [smem:$0x3FFE];
	_ =	sdelay $0x1  }
0x8a: {  	s1 =	srdreg.scid  }
0x8b: {  	s0 =	sand.u32 $0x1, s1  }
0x8c: {  	s17 =	sshll.u32 s0, $0xA;
	s2 =	sadd.s32 s3, s2  }
0x8d: {  	s2 =	sadd.s32 s2, s17  }
0x8e: {  	[smem:$0x3FC2] =	sst s2  }
0x8f: {  	_ = 	snop  }
0x90: {  	s2 =	sld [smem:$0x3FD0];
	(tm) =	ssettm $0x1  }
0x91: {  	s18 =	sld [smem:$0x3FFB];
	_ =	sdelay $0x3  }
0x92: {  	_ =	strace s18  }
0x93: {  	s3 =	sld [smem:$0x3FFC];
	_ =	sdelay $0x3  }
0x94: {  	_ =	strace s3  }
0x95: {  	s3 =	sld [smem:$0x3FFD];
	_ =	sdelay $0x3  }
0x96: {  	_ =	strace s3  }
0x97: {  	_ =	strace $0x8FFFFFFF  }
0x98: {  	s19 =	sld [smem:$0x3FDB];
	_ =	sdelay $0x1  }
0x99: {  	s4 =	simm.s32 $_scs_section_size  }
0x9a: {  	s5 =	simm.s32 $_size__tile_overlayer_lowered;
	s6 =	simm.s32 $_tile_overlayer_lowered  }
0x9b: {  	s22 =	simm.s32 $0x1BFF;
	s21 =	sshll.u32 s6, $0x1;
	s3 =	sadd.s32 s4, s19  }
0x9c: {  	s7 =	simm.s32 $0x0;
	s20 =	sshll.u32 s5, $0x1;
	s5 =	sadd.s32 s21, s3  }
0x9d: {  	[timem:s7], [sflag:s22] =	dma.local [hbm:s5], s20  }
0x9e: {  	_ =	swait.ge [sflag:s22], s20  }
0x9f: {  	s4 =	ssub.s32 $0x0, s20;
	[sflag:s22] =	ssyncset.done $0x0  }
0xa0: {  	[sflag:s22] =	ssyncadd.s32 s4;
	_ =	sdelay $0x1  }
0xa1: {  	s23 =	simm.s32 $0x1B8B  }
0xa2: {  	_ =	swait.ge [sflag:s23], $0x1  }
0xa3: {  	[sflag:s23] =	ssyncset.done $0x0  }
0xa4: {  	s25 =	simm.s32 $0x1B8E;
	s24 =	sld [smem:$0x3FFE];
	[sflag:s23] =	ssyncadd.s32 $0xFFFFFFFF  }
0xa5: {  	s26 =	simm.s32 $execute0_lowered;
	[smem:$0x3FD2] =	sst s25  }
0xa6: {  	s5 =	sshll.u32 s26, $0x1;
	_ =	strace $0x80000049;
	[dreg:$0x1] =	wrdreg $0xFFFFFFFF  }
0xa7: {  	s28 =	simm.s32 $_size_execute0_lowered;
	s3 =	sadd.s32 s3, s5;
	[dreg:$0x0] =	wrdreg $0x0  }
0xa8: {  	s5 =	sshll.u32 s28, $0x1;
	[dreg:$0x2] =	wrdreg s3  }
0xa9: {  	[dreg:$0x3] =	wrdreg s5  }
0xaa: {  	[dreg:$0x4] =	wrdreg $0xC0  }
0xab: {  	_ =	task [dreg:s7], $0x5FFFF  }
0xac: {  	[dreg:$0x1] =	wrdreg $0xFFFFFFFF  }
0xad: {  	[dreg:$0x0] =	wrdreg $0x60  }
0xae: {  	[dreg:$0x2] =	wrdreg s2  }
0xaf: {  	[dreg:$0x3] =	wrdreg s24  }
0xb0: {  	[dreg:$0x4] =	wrdreg $0xBA000  }
0xb1: {  	[dreg:$0x5] =	wrdreg $0x9  }
0xb2: {  	_ =	task.clear_ibuf [dreg:s7], $0x6FFFF;
	_ =	strace $0x90000049  }
0xb3: {  	s29 =	simm.s32 $0x9;
	_ =	strace $0x8000004B  }
0xb4: {  	_ =	swait.ge [sflag:s29], $0x1  }
0xb5: {  	[sflag:s29] =	ssyncadd.s32 $0xFFFFFFFF  }
0xb6: {  	_ =	strace $0x9000004B  }
0xb7: {  	_ =	sfence  }
0xb8: {  	s30 =	sld [smem:$0x0];
	_ =	sdelay $0x2  }
0xb9: {  	s31 =	sshll.u32 s1, $0xD;
	s1 =	sshrl.u32 s1, $0x2  }
0xba: {  	s3 =	sand.u32 $0x4000, s31;
	s1 =	sadd.s32 s1, s30  }
0xbb: {  	s0 =	sor.u32 s3, s0;
	s1 =	sshll.u32 s1, $0x11  }
0xbc: {  	s0 =	sor.u32 s1, s0  }
0xbd: {  	s0 =	sadd.s32 $0x8F2B, s0  }
0xbe: {  	[sflag:s0] =	ssyncadd.remote.s32 $0x1  }
0xbf: {  	_ =	sfence.sel $0xFFFF  }
0xc0: {  	[dreg:$0x0] =	wrdreg $0xFFFFFFFF;
	(pc) =	sbr.abs _section_cstart, $3  }
0xc1: {  	[dreg:$0x1] =	wrdreg $0xFFFFFFFF  }
0xc2: {  	_ =	task.clear_ibuf [dreg:s7], $0x2FFFF;
	_ =	strace $0x9FFFFFFF  }
0xc3: {  	(tm) =	ssettm $0x7FFFFFFF  }
tec
execute0_lowered:
.L_overlay_start_1:
0x0: {  	(tag) =	ssettag $0x1  }
0x1: {  	s0 =	srdreg.scid;
	s1 =	rddreg [dreg:$0x0]  }
0x2: {  	s9 =	stileid.u32;
	s5 =	rddreg [dreg:$0x1];
	s0 =	sand.u32 $0x1, s0  }
0x3: {  	s2 =	sshll.u32 s9, $0x1;
	s4 =	sshrl.u32 s9, $0x2;
	s8 =	smul.u32 $0x50000, s9  }
0x4: {  	s3 =	rddreg [dreg:$0x2];
	s2 =	sor.u32 s0, s2;
	s6 =	smul.u32 $0x14000, s4  }
0x5: {  	s4 =	simm.s32 $0x0;
	s26 =	smul.u32 $0x28000, s0;
	s0 =	ssub.s32 $0x2, s0  }
0x6: {  	s7 =	sshll.u32 s2, $0x7;
	[smem:$0x7FF] =	sst s4;
	s2 =	smul.u32 $0xA00, s2  }
0x7: {  	s28 =	sshrl.u32 s0, $0x1;
	s29 =	sshrl.u32 s8, $0x2;
	s7 =	sand.u32 $0x380, s7  }
0x8: {  	s8 =	smul.u32 $0x2800, s9;
	_ =	strace $0x8000004A;
	s6 =	sor.u32 s6, s7  }
0x9: {  	s0 =	ssub.s32 s0, s28;
	s2 =	sadd.s32 s2, s5;
	s6 =	sshrl.u32 s6, $0x3  }
0xa: {  	s0 =	smax.u32 s0, $0x1;
	s6 =	sadd.s32 s6, s5;
	s5 =	sadd.s32 s26, s5  }
0xb: {  	[dreg:$0x5] =	wrdreg s0;
	s6 =	sadd.s32 $0x29C00, s6;
	s5 =	sadd.s32 $0x33C00, s5  }
0xc: {  	[dreg:$0x4] =	wrdreg s6;
	s6 =	sadd.s32 s29, s3;
	s24 =	sadd.s32 s8, s5  }
0xd: {  	s9 =	sadd.s32 $0x1000, s6;
	[dreg:$0x15] =	wrdreg s24  }
0xe: {  	s10 =	sadd.s32 $0x2000, s6;
	[dreg:$0x6] =	wrdreg s9  }
0xf: {  	s11 =	sadd.s32 $0x3000, s6;
	[dreg:$0x7] =	wrdreg s10  }
0x10: {  	s12 =	sadd.s32 $0x4000, s6;
	[dreg:$0x8] =	wrdreg s11  }
0x11: {  	s13 =	sadd.s32 $0x5000, s6;
	[dreg:$0x9] =	wrdreg s12  }
0x12: {  	s14 =	sadd.s32 $0x6000, s6;
	[dreg:$0xa] =	wrdreg s13  }
0x13: {  	s15 =	sadd.s32 $0x7000, s6;
	[dreg:$0xb] =	wrdreg s14  }
0x14: {  	s16 =	sadd.s32 $0x8000, s6;
	[dreg:$0xc] =	wrdreg s15  }
0x15: {  	s17 =	sadd.s32 $0x9000, s6;
	[dreg:$0xd] =	wrdreg s16  }
0x16: {  	s18 =	sadd.s32 $0xA000, s6;
	[dreg:$0xe] =	wrdreg s17  }
0x17: {  	s19 =	sadd.s32 $0xB000, s6;
	[dreg:$0xf] =	wrdreg s18  }
0x18: {  	s20 =	sadd.s32 $0xC000, s6;
	[dreg:$0x10] =	wrdreg s19  }
0x19: {  	s21 =	sadd.s32 $0xD000, s6;
	[dreg:$0x11] =	wrdreg s20  }
0x1a: {  	s30 =	simm.s32 $0x2800;
	s22 =	sadd.s32 $0xE000, s6;
	[dreg:$0x12] =	wrdreg s21  }
0x1b: {  	s31 =	simm.s32 $0xB;
	s23 =	sadd.s32 $0xF000, s6;
	[dreg:$0x13] =	wrdreg s22  }
0x1c: {  	s7 =	sadd.s32 $0x15C00, s2;
	s25 =	sadd.s32 $0x10000, s6;
	[dreg:$0x14] =	wrdreg s23  }
0x1d: {  	s2 =	simm.s32 $0xAA00;
	s26 =	sadd.s32 $0x11000, s6;
	[dreg:$0x16] =	wrdreg s25  }
0x1e: {  	s0 =	simm.s32 $0x9;
	s28 =	sadd.s32 $0x12000, s6;
	[dreg:$0x17] =	wrdreg s26  }
0x1f: {  	s5 =	simm.s32 $0x2880;
	s29 =	sadd.s32 $0x13000, s6;
	[dreg:$0x18] =	wrdreg s28  }
0x20: {  	s8 =	simm.s32 $0x40;
	[dreg:$0x19] =	wrdreg s29;
	s9 =	simm.s32 $0x2A00  }
.Ltmp0:
0x21: {  	s10 =	simm.s32 $0x4A00;
	s11 =	simm.s32 $0xA;
	(pc) =	sbr.rel .LBB2_1-.Ltmp0, $4  }
0x22: {  	s12 =	simm.s32 $0x2900;
	s13 =	simm.s32 $0x1;
	s14 =	simm.s32 $0x6A00  }
0x23: {  	s15 =	simm.s32 $0x2980;
	s16 =	simm.s32 $0x2;
	s17 =	simm.s32 $0x8A00  }
0x24: {  	s18 =	simm.s32 $0x5;
	s19 =	simm.s32 $0x6;
	s20 =	simm.s32 $0x4  }
0x25: {  	v0 =	vimm.f32 $0.0e+00;
	s21 =	simm.s32 $0x7;
	s22 =	simm.s32 $0x8;
	s23 =	simm.s32 $0x0  }
.LBB2_6:
0x26: {  	_ =	swait.ge [sflag:s20], $0x2000  }
0x27: {  	[sflag:s20] =	ssyncset.done $0x0  }
0x28: {  	[sflag:s20] =	ssyncadd.s32 $0xFFFFE000  }
0x29: {  	[spmem:s3] =	stream.indirect.scatter.add.f32 [tilespmem:s17], [sflag:$0x8], $0x80, s15, s8, $0xb8;
	[tilespmem:$0x1FA00] =	vst v63  }
0x2a: {  	_ =	swait.ge [sflag:s21], $0x2000  }
0x2b: {  	[sflag:s21] =	ssyncset.done $0x0  }
0x2c: {  	[sflag:s21] =	ssyncadd.s32 $0xFFFFE000  }
0x2d: {  	_ =	swait.ge [sflag:s22], $0x2000  }
0x2e: {  	[sflag:s22] =	ssyncset.done $0x0  }
0x2f: {  	s24 =	stileid.u32;
	[sflag:s22] =	ssyncadd.s32 $0xFFFFE000  }
0x30: {  	s24 =	sshll.u32 s24, $0x6;
	[bflag:$0x0] =	sbarrier.arrive $0xFFFF  }
0x31: {  	s25 =	sshrl.u32 s6, $0x3;
	s24 =	sor.u32 $0x1C0B, s24;
	s26 =	rddreg [dreg:$0x15]  }
0x32: {  	[hbm:s26], [sflag:s24] =	dma.local [spmem:s25], $0x2800  }
0x33: {  	_ =	swait.ge [sflag:s31], $0x2800  }
0x34: {  	s23 =	sadd.s32 $0x1, s23;
	s29 =	rddreg [dreg:$0x5]  }
0x35: {  	p0 =	sne.s32 s23, s29  }
.Ltmp1:
0x36: {  	_ = 	snop;
	(pc) =	sbr.rel @!p0 .LBB2_7-.Ltmp1, $3  }
0x37: {  	_ =	sdelay $0x1  }
0x38: {  	[sflag:s31] =	ssyncset.done $0x0  }
0x39: {  	[sflag:s31] =	ssyncadd.s32 $0xFFFFD800  }
.LBB2_1:
0x3a: {  	s24 =	rddreg [dreg:$0x4];
	s25 =	simm.s32 $0x80;
	s26 =	simm.s32 $0x400  }
0x3b: {  	[tilespmem:s4], [sflag:$0x9] =	stream.strided.gather [hbm4b:s24+s25], $0x2800, s26, s25, $0x38;
	[tilespmem:$0x1FA00] =	vst v63  }
0x3c: {  	s24 =	simm.s32 $0x0;
	s25 =	simm.s32 $0x200  }
.LBB2_2:
0x3d: {  	p0 =	sne.s32 s25, $0x3E00;
	[tilespmem:s24+$0xAA70] =	vst v0  }
0x3e: {  	[tilespmem:s24+$0xAA00] =	vst v0  }
0x3f: {  	[tilespmem:s24+$0xAA10] =	vst v0  }
.Ltmp2:
0x40: {  	[tilespmem:s24+$0xAA20] =	vst v0;
	(pc) =	sbr.rel @p0 .LBB2_2-.Ltmp2, $4  }
0x41: {  	[tilespmem:s24+$0xAA30] =	vst v0  }
0x42: {  	[tilespmem:s24+$0xAA40] =	vst v0  }
0x43: {  	[tilespmem:s24+$0xAA50] =	vst v0  }
0x44: {  	[tilespmem:s24+$0xAA60] =	vst v0;
	s24 =	sshra.s32 s25, $0x2;
	s25 =	sadd.s32 $0x200, s25  }
0x45: {  	[tilespmem:s24+$0xAA70] =	vst v0  }
0x46: {  	[tilespmem:s24+$0xAA00] =	vst v0  }
0x47: {  	[tilespmem:s24+$0xAA10] =	vst v0  }
0x48: {  	[tilespmem:s24+$0xAA20] =	vst v0  }
0x49: {  	[tilespmem:s24+$0xAA30] =	vst v0  }
0x4a: {  	[tilespmem:s24+$0xAA40] =	vst v0  }
0x4b: {  	[tilespmem:s24+$0xAA50] =	vst v0  }
0x4c: {  	[tilespmem:s24+$0xAA60] =	vst v0  }
0x4d: {  	[spmem:s6] =	stream.linear.scatter [tilespmem:s2], [sflag:$0xA], $0x1000, $0x38;
	[tilespmem:$0x1FA00] =	vst v63  }
0x4e: {  	s26 =	rddreg [dreg:$0x6]  }
0x4f: {  	[spmem:s26] =	stream.linear.scatter [tilespmem:s2], [sflag:$0xA], $0x1000, $0x38;
	[tilespmem:$0x1FA00] =	vst v63  }
0x50: {  	s28 =	rddreg [dreg:$0x7]  }
0x51: {  	[spmem:s28] =	stream.linear.scatter [tilespmem:s2], [sflag:$0xA], $0x1000, $0x38;
	[tilespmem:$0x1FA00] =	vst v63  }
0x52: {  	s29 =	rddreg [dreg:$0x8]  }
0x53: {  	[spmem:s29] =	stream.linear.scatter [tilespmem:s2], [sflag:$0xA], $0x1000, $0x38;
	[tilespmem:$0x1FA00] =	vst v63  }
0x54: {  	s25 =	rddreg [dreg:$0x9]  }
0x55: {  	[spmem:s25] =	stream.linear.scatter [tilespmem:s2], [sflag:$0xA], $0x1000, $0x38;
	[tilespmem:$0x1FA00] =	vst v63  }
0x56: {  	s26 =	rddreg [dreg:$0xa]  }
0x57: {  	[spmem:s26] =	stream.linear.scatter [tilespmem:s2], [sflag:$0xA], $0x1000, $0x38;
	[tilespmem:$0x1FA00] =	vst v63  }
0x58: {  	s28 =	rddreg [dreg:$0xb]  }
0x59: {  	[spmem:s28] =	stream.linear.scatter [tilespmem:s2], [sflag:$0xA], $0x1000, $0x38;
	[tilespmem:$0x1FA00] =	vst v63  }
0x5a: {  	s29 =	rddreg [dreg:$0xc]  }
0x5b: {  	[spmem:s29] =	stream.linear.scatter [tilespmem:s2], [sflag:$0xA], $0x1000, $0x38;
	[tilespmem:$0x1FA00] =	vst v63  }
0x5c: {  	s25 =	rddreg [dreg:$0xd]  }
0x5d: {  	[spmem:s25] =	stream.linear.scatter [tilespmem:s2], [sflag:$0xA], $0x1000, $0x38;
	[tilespmem:$0x1FA00] =	vst v63  }
0x5e: {  	s26 =	rddreg [dreg:$0xe]  }
0x5f: {  	[spmem:s26] =	stream.linear.scatter [tilespmem:s2], [sflag:$0xA], $0x1000, $0x38;
	[tilespmem:$0x1FA00] =	vst v63  }
0x60: {  	s28 =	rddreg [dreg:$0xf]  }
0x61: {  	[spmem:s28] =	stream.linear.scatter [tilespmem:s2], [sflag:$0xA], $0x1000, $0x38;
	[tilespmem:$0x1FA00] =	vst v63  }
0x62: {  	s29 =	rddreg [dreg:$0x10]  }
0x63: {  	[spmem:s29] =	stream.linear.scatter [tilespmem:s2], [sflag:$0xA], $0x1000, $0x38;
	[tilespmem:$0x1FA00] =	vst v63  }
0x64: {  	s25 =	rddreg [dreg:$0x11]  }
0x65: {  	[spmem:s25] =	stream.linear.scatter [tilespmem:s2], [sflag:$0xA], $0x1000, $0x38;
	[tilespmem:$0x1FA00] =	vst v63  }
0x66: {  	s26 =	rddreg [dreg:$0x12]  }
0x67: {  	[spmem:s26] =	stream.linear.scatter [tilespmem:s2], [sflag:$0xA], $0x1000, $0x38;
	[tilespmem:$0x1FA00] =	vst v63  }
0x68: {  	s28 =	rddreg [dreg:$0x13]  }
0x69: {  	[spmem:s28] =	stream.linear.scatter [tilespmem:s2], [sflag:$0xA], $0x1000, $0x38;
	[tilespmem:$0x1FA00] =	vst v63  }
0x6a: {  	s29 =	rddreg [dreg:$0x14]  }
0x6b: {  	[spmem:s29] =	stream.linear.scatter [tilespmem:s2], [sflag:$0xA], $0x1000, $0x38;
	[tilespmem:$0x1FA00] =	vst v63  }
0x6c: {  	s25 =	rddreg [dreg:$0x16]  }
0x6d: {  	[spmem:s25] =	stream.linear.scatter [tilespmem:s2], [sflag:$0xA], $0x1000, $0x38;
	[tilespmem:$0x1FA00] =	vst v63  }
0x6e: {  	s26 =	rddreg [dreg:$0x17]  }
0x6f: {  	[spmem:s26] =	stream.linear.scatter [tilespmem:s2], [sflag:$0xA], $0x1000, $0x38;
	[tilespmem:$0x1FA00] =	vst v63  }
0x70: {  	s28 =	rddreg [dreg:$0x18]  }
0x71: {  	[spmem:s28] =	stream.linear.scatter [tilespmem:s2], [sflag:$0xA], $0x1000, $0x38;
	[tilespmem:$0x1FA00] =	vst v63  }
0x72: {  	s29 =	rddreg [dreg:$0x19]  }
0x73: {  	[spmem:s29] =	stream.linear.scatter [tilespmem:s2], [sflag:$0xA], $0x1000, $0x38;
	[tilespmem:$0x1FA00] =	vst v63  }
0x74: {  	_ =	swait.ge [sflag:s0], $0x2800  }
0x75: {  	[sflag:s0] =	ssyncset.done $0x0  }
0x76: {  	s24 =	simm.s32 $0x0;
	[sflag:s0] =	ssyncadd.s32 $0xFFFFD800  }
0x77: {  	[tilespmem:s30], [sflag:$0xB] =	stream.linear.gather [hbm4b:s7+s24], $0x80, $0x38;
	[tilespmem:$0x1FA00] =	vst v63  }
0x78: {  	_ =	swait.ge [sflag:s31], $0x80  }
0x79: {  	[sflag:s31] =	ssyncset.done $0x0  }
0x7a: {  	s25 =	sadd.s32 $0x10, s7;
	[sflag:s31] =	ssyncadd.s32 $0xFFFFFF80  }
0x7b: {  	[tilespmem:s5], [sflag:$0xB] =	stream.linear.gather [hbm4b:s25+s24], $0x80, $0x38;
	[tilespmem:$0x1FA00] =	vst v63  }
0x7c: {  	_ =	swait.ge [sflag:s31], $0x80  }
0x7d: {  	[sflag:s31] =	ssyncset.done $0x0  }
0x7e: {  	[sflag:s31] =	ssyncadd.s32 $0xFFFFFF80  }
0x7f: {  	[tilespmem:s9], [sflag:$0x1] =	stream.indirect.gather [hbm4b:s1+s8], $0x80, s24, s8, $0xb8;
	[tilespmem:$0x1FA00] =	vst v63  }
0x80: {  	_ = 	snop  }
0x81: {  	[tilespmem:s10], [sflag:$0x2] =	stream.indirect.gather [hbm4b:s1+s8], $0x80, s8, s8, $0xb8;
	[tilespmem:$0x1FA00] =	vst v63  }
0x82: {  	_ =	swait.ge [sflag:s11], $0x1000  }
0x83: {  	[sflag:s11] =	ssyncset.done $0x0  }
0x84: {  	[sflag:s11] =	ssyncadd.s32 $0xFFFFF000  }
0x85: {  	_ =	swait.ge [sflag:s11], $0x1000  }
0x86: {  	[sflag:s11] =	ssyncset.done $0x0  }
0x87: {  	[sflag:s11] =	ssyncadd.s32 $0xFFFFF000  }
0x88: {  	_ =	swait.ge [sflag:s11], $0x1000  }
0x89: {  	[sflag:s11] =	ssyncset.done $0x0  }
0x8a: {  	[sflag:s11] =	ssyncadd.s32 $0xFFFFF000  }
0x8b: {  	_ =	swait.ge [sflag:s11], $0x1000  }
0x8c: {  	[sflag:s11] =	ssyncset.done $0x0  }
0x8d: {  	[sflag:s11] =	ssyncadd.s32 $0xFFFFF000  }
0x8e: {  	_ =	swait.ge [sflag:s11], $0x1000  }
0x8f: {  	[sflag:s11] =	ssyncset.done $0x0  }
0x90: {  	[sflag:s11] =	ssyncadd.s32 $0xFFFFF000  }
0x91: {  	_ =	swait.ge [sflag:s11], $0x1000  }
0x92: {  	[sflag:s11] =	ssyncset.done $0x0  }
0x93: {  	[sflag:s11] =	ssyncadd.s32 $0xFFFFF000  }
0x94: {  	_ =	swait.ge [sflag:s11], $0x1000  }
0x95: {  	[sflag:s11] =	ssyncset.done $0x0  }
0x96: {  	[sflag:s11] =	ssyncadd.s32 $0xFFFFF000  }
0x97: {  	_ =	swait.ge [sflag:s11], $0x1000  }
0x98: {  	[sflag:s11] =	ssyncset.done $0x0  }
0x99: {  	[sflag:s11] =	ssyncadd.s32 $0xFFFFF000  }
0x9a: {  	_ =	swait.ge [sflag:s11], $0x1000  }
0x9b: {  	[sflag:s11] =	ssyncset.done $0x0  }
0x9c: {  	[sflag:s11] =	ssyncadd.s32 $0xFFFFF000  }
0x9d: {  	_ =	swait.ge [sflag:s11], $0x1000  }
0x9e: {  	[sflag:s11] =	ssyncset.done $0x0  }
0x9f: {  	[sflag:s11] =	ssyncadd.s32 $0xFFFFF000  }
0xa0: {  	_ =	swait.ge [sflag:s11], $0x1000  }
0xa1: {  	[sflag:s11] =	ssyncset.done $0x0  }
0xa2: {  	[sflag:s11] =	ssyncadd.s32 $0xFFFFF000  }
0xa3: {  	_ =	swait.ge [sflag:s11], $0x1000  }
0xa4: {  	[sflag:s11] =	ssyncset.done $0x0  }
0xa5: {  	[sflag:s11] =	ssyncadd.s32 $0xFFFFF000  }
0xa6: {  	_ =	swait.ge [sflag:s11], $0x1000  }
0xa7: {  	[sflag:s11] =	ssyncset.done $0x0  }
0xa8: {  	[sflag:s11] =	ssyncadd.s32 $0xFFFFF000  }
0xa9: {  	_ =	swait.ge [sflag:s11], $0x1000  }
0xaa: {  	[sflag:s11] =	ssyncset.done $0x0  }
0xab: {  	[sflag:s11] =	ssyncadd.s32 $0xFFFFF000  }
0xac: {  	_ =	swait.ge [sflag:s11], $0x1000  }
0xad: {  	[sflag:s11] =	ssyncset.done $0x0  }
0xae: {  	[sflag:s11] =	ssyncadd.s32 $0xFFFFF000  }
0xaf: {  	_ =	swait.ge [sflag:s11], $0x1000  }
0xb0: {  	[sflag:s11] =	ssyncset.done $0x0  }
0xb1: {  	[sflag:s11] =	ssyncadd.s32 $0xFFFFF000  }
0xb2: {  	_ =	swait.ge [sflag:s11], $0x1000  }
0xb3: {  	[sflag:s11] =	ssyncset.done $0x0  }
0xb4: {  	[sflag:s11] =	ssyncadd.s32 $0xFFFFF000  }
0xb5: {  	_ =	swait.ge [sflag:s11], $0x1000  }
0xb6: {  	[sflag:s11] =	ssyncset.done $0x0  }
0xb7: {  	[sflag:s11] =	ssyncadd.s32 $0xFFFFF000  }
0xb8: {  	_ =	swait.ge [sflag:s11], $0x1000  }
0xb9: {  	[sflag:s11] =	ssyncset.done $0x0  }
0xba: {  	[sflag:s11] =	ssyncadd.s32 $0xFFFFF000  }
0xbb: {  	_ =	swait.ge [sflag:s11], $0x1000  }
0xbc: {  	[sflag:s11] =	ssyncset.done $0x0  }
0xbd: {  	[sflag:s11] =	ssyncadd.s32 $0xFFFFF000  }
0xbe: {  	s25 =	simm.s32 $0xC0;
	[bflag:$0x0] =	sbarrier.arrive $0xFFFF  }
.LBB2_4:
0xbf: {  	p0 =	seq.s32 s24, $0x0  }
0xc0: {  	s26 =	simm.s32 @!p0 $0x7  }
0xc1: {  	s28 =	sand.u32 $0xF80, s24;
	s29 =	sadd.s32 $0x20, s24;
	_ =	swait.ge @!p0 [sflag:s26], $0x2000  }
0xc2: {  	s29 =	sand.u32 $0x60, s29;
	s28 =	sadd.s32 s7, s28;
	[sflag:s26] =	ssyncset.done @!p0 $0x0  }
0xc3: {  	s29 =	sadd.s32 s29, s28;
	[sflag:s26] =	ssyncadd.s32 @!p0 $0xFFFFE000  }
0xc4: {  	[tilespmem:s12], [sflag:$0xB] =	stream.linear.gather [hbm4b:s29+s4], $0x80, $0x38;
	[tilespmem:$0x1FA00] =	vst v63  }
0xc5: {  	_ =	swait.ge [sflag:s31], $0x80  }
0xc6: {  	[sflag:s31] =	ssyncset.done $0x0  }
0xc7: {  	[sflag:s31] =	ssyncadd.s32 $0xFFFFFF80  }
0xc8: {  	_ =	swait.ge [sflag:s13], $0x2000  }
0xc9: {  	[sflag:s13] =	ssyncset.done $0x0  }
0xca: {  	s29 =	sadd.s32 $0xFFFFFFC0, s25;
	[sflag:s13] =	ssyncadd.s32 $0xFFFFE000  }
0xcb: {  	[tilespmem:s14], [sflag:$0x3] =	stream.indirect.gather [hbm4b:s1+s8], $0x80, s29, s8, $0xb8;
	[tilespmem:$0x1FA00] =	vst v63  }
0xcc: {  	s26 =	simm.s32 @!p0 $0x8  }
0xcd: {  	[spmem:s3] =	stream.indirect.scatter.add.f32 [tilespmem:s9], [sflag:$0x5], $0x80, s30, s8, $0xb8;
	[tilespmem:$0x1FA00] =	vst v63  }
0xce: {  	s29 =	sadd.s32 $0x30, s24;
	_ =	swait.ge @!p0 [sflag:s26], $0x2000  }
0xcf: {  	s29 =	sand.u32 $0x70, s29;
	[sflag:s26] =	ssyncset.done @!p0 $0x0  }
0xd0: {  	s29 =	sadd.s32 s29, s28;
	[sflag:s26] =	ssyncadd.s32 @!p0 $0xFFFFE000  }
0xd1: {  	[tilespmem:s15], [sflag:$0xB] =	stream.linear.gather [hbm4b:s29+s4], $0x80, $0x38;
	[tilespmem:$0x1FA00] =	vst v63  }
0xd2: {  	_ =	swait.ge [sflag:s31], $0x80  }
0xd3: {  	[sflag:s31] =	ssyncset.done $0x0  }
0xd4: {  	[sflag:s31] =	ssyncadd.s32 $0xFFFFFF80  }
0xd5: {  	_ =	swait.ge [sflag:s16], $0x2000  }
0xd6: {  	[sflag:s16] =	ssyncset.done $0x0  }
0xd7: {  	[sflag:s16] =	ssyncadd.s32 $0xFFFFE000  }
0xd8: {  	[tilespmem:s17], [sflag:$0x4] =	stream.indirect.gather [hbm4b:s1+s8], $0x80, s25, s8, $0xb8;
	[tilespmem:$0x1FA00] =	vst v63  }
0xd9: {  	_ = 	snop  }
0xda: {  	[spmem:s3] =	stream.indirect.scatter.add.f32 [tilespmem:s10], [sflag:$0x6], $0x80, s5, s8, $0xb8;
	[tilespmem:$0x1FA00] =	vst v63  }
0xdb: {  	_ =	swait.ge [sflag:s18], $0x2000  }
0xdc: {  	p0 =	seq.s32 s24, $0x9C0;
	[sflag:s18] =	ssyncset.done $0x0  }
0xdd: {  	s26 =	simm.s32 @p0 $0x3;
	[sflag:s18] =	ssyncadd.s32 $0xFFFFE000  }
0xde: {  	_ =	swait.ge @p0 [sflag:s26], $0x2000  }
0xdf: {  	[sflag:s26] =	ssyncset.done @p0 $0x0  }
0xe0: {  	[sflag:s26] =	ssyncadd.s32 @p0 $0xFFFFE000;
	s26 =	sadd.s32 @!p0 s24, s7  }
0xe1: {  	s28 =	simm.s32 @!p0 $0x0;
	s29 =	simm.s32 @!p0 $0x2800;
	s26 =	sadd.s32 @!p0 $0x40, s26  }
0xe2: {  	[tilespmem:s29], [sflag:$0xB] =	stream.linear.gather @!p0 [hbm4b:s26+s28], $0x80, $0x38;
	[tilespmem:$0x1FA00] =	vst v63  }
0xe3: {  	s26 =	simm.s32 @!p0 $0xB  }
0xe4: {  	_ =	swait.ge @!p0 [sflag:s26], $0x80  }
0xe5: {  	[sflag:s26] =	ssyncset.done @!p0 $0x0  }
0xe6: {  	[sflag:s26] =	ssyncadd.s32 @!p0 $0xFFFFFF80;
	s26 =	simm.s32 @!p0 $0x3  }
0xe7: {  	_ =	swait.ge @!p0 [sflag:s26], $0x2000  }
0xe8: {  	s28 =	simm.s32 @!p0 $0x40;
	[sflag:s26] =	ssyncset.done @!p0 $0x0  }
0xe9: {  	s29 =	simm.s32 @!p0 $0x2A00;
	[sflag:s26] =	ssyncadd.s32 @!p0 $0xFFFFE000;
	s26 =	sadd.s32 @!p0 $0x40, s25  }
0xea: {  	[tilespmem:s29], [sflag:$0x1] =	stream.indirect.gather @!p0 [hbm4b:s1+s28], $0x80, s26, s28, $0xb8;
	[tilespmem:$0x1FA00] =	vst v63  }
.Ltmp3:
0xeb: {  	_ = 	snop;
	(pc) =	sbr.rel @p0 .LBB2_6-.Ltmp3, $4  }
0xec: {  	[spmem:s3] =	stream.indirect.scatter.add.f32 [tilespmem:s14], [sflag:$0x7], $0x80, s12, s8, $0xb8;
	[tilespmem:$0x1FA00] =	vst v63  }
0xed: {  	_ =	swait.ge [sflag:s19], $0x2000  }
0xee: {  	[sflag:s19] =	ssyncset.done $0x0  }
0xef: {  	[sflag:s19] =	ssyncadd.s32 $0xFFFFE000  }
0xf0: {  	s26 =	sadd.s32 s24, s7  }
0xf1: {  	s26 =	sadd.s32 $0x50, s26  }
0xf2: {  	[tilespmem:s5], [sflag:$0xB] =	stream.linear.gather [hbm4b:s26+s4], $0x80, $0x38;
	[tilespmem:$0x1FA00] =	vst v63  }
0xf3: {  	_ =	swait.ge [sflag:s31], $0x80  }
0xf4: {  	[sflag:s31] =	ssyncset.done $0x0  }
0xf5: {  	[sflag:s31] =	ssyncadd.s32 $0xFFFFFF80  }
0xf6: {  	_ =	swait.ge [sflag:s20], $0x2000  }
.Ltmp4:
0xf7: {  	[sflag:s20] =	ssyncset.done $0x0;
	(pc) =	sbr.rel .LBB2_4-.Ltmp4, $4  }
0xf8: {  	s29 =	sadd.s32 $0x80, s25;
	[sflag:s20] =	ssyncadd.s32 $0xFFFFE000  }
0xf9: {  	[tilespmem:s10], [sflag:$0x2] =	stream.indirect.gather [hbm4b:s1+s8], $0x80, s29, s8, $0xb8;
	[tilespmem:$0x1FA00] =	vst v63  }
0xfa: {  	s24 =	sadd.s32 $0x40, s24;
	s25 =	sadd.s32 $0x100, s25  }
0xfb: {  	[spmem:s3] =	stream.indirect.scatter.add.f32 [tilespmem:s17], [sflag:$0x8], $0x80, s15, s8, $0xb8;
	[tilespmem:$0x1FA00] =	vst v63  }
.LBB2_7:
0xfc: {  	_ =	sfence.sel $0x180000  }
0xfd: {  	[bflag:$0x0] =	sbarrier.arrive $0xFFFF  }
0xfe: {  	_ =	strace $0x9000004A  }
0xff: {  	s0 =	stileid.u32;
	[bflag:$0x2] =	sbarrier.arrive $0xFFFF  }
0x100: {  	p0 =	sne.s32 s0, $0x0;
	s0 =	rddreg [dreg:$0x3]  }
0x101: {  	s0 =	sadd.s32 @!p0 $0x100000, s0  }
0x102: {  	[sflag:s0] =	ssyncadd.tile.s32 @!p0 $0x1;
	_ =	shalt  }
.Lfunc_end2:
_tile_overlayer_lowered:
.L_overlay_start_2:
0x103: {  	(tag) =	ssettag $0x2  }
0x104: {  	s0 =	rddreg [dreg:$0x0];
	s2 =	stileid.u32  }
0x105: {  	s1 =	rddreg [dreg:$0x1];
	p0 =	sne.s32 s2, $0x0  }
0x106: {  	s3 =	rddreg [dreg:$0x2];
	[bflag:$0x3] =	sbarrier.arrive $0xFFFF;
	s2 =	simm.s32 @!p0 $0x1C0B  }
0x107: {  	[timem:s3], [sflag:s2] =	dma.local @!p0 [hbm:s0], s1  }
0x108: {  	s0 =	simm.s32 @!p0 $0xB  }
0x109: {  	_ =	swait.ge @!p0 [sflag:s0], s1  }
0x10a: {  	s1 =	ssub.s32 @!p0 $0x0, s1;
	[sflag:s0] =	ssyncset.done @!p0 $0x0  }
0x10b: {  	[sflag:s0] =	ssyncadd.s32 @!p0 s1  }
0x10c: {  	[bflag:$0x3] =	sbarrier.arrive $0xFFFF  }
0x10d: {  	_ =	shalt  }

// kernel: kernel.14.cloned.1.call-start
scs
__scs_entry_jumppad:
0x0: {  	(pc) =	sbr.rel $0x88, $3  }
0x1: {  	(tag) =	ssettag $0x0;
	lr =	simm.s32 $0x1  }
0x2: {  	[smem:$0x3F9B] =	sst lr;
	_ =	strace $0xD0000000  }
0x3: {  	_ = 	snop  }
0x4: {  	_ = 	snop  }
0x5: {  	_ = 	snop  }
0x6: {  	_ = 	snop  }
0x7: {  	_ = 	snop  }
__scs_overlays_trampoline_lowered:
0x8: {  	[smem:$0x3FAA] =	sst s0  }
0x9: {  	[smem:$0x3FAB] =	sst s1  }
0xa: {  	[smem:$0x3FAC] =	sst s2  }
0xb: {  	[smem:$0x3FAD] =	sst s3  }
0xc: {  	[smem:$0x3FAE] =	sst s4  }
0xd: {  	[smem:$0x3FAF] =	sst s5  }
0xe: {  	[smem:$0x3FB0] =	sst s6  }
0xf: {  	[smem:$0x3FB1] =	sst s7  }
0x10: {  	[smem:$0x3FB2] =	sst s8  }
0x11: {  	[smem:$0x3FB3] =	sst s9;
	s0 =	simm.s32 @!p0 $0x0  }
0x12: {  	s1 =	sld [smem:$0x3F99];
	s0 =	simm.s32 @p0 $0x1  }
0x13: {  	[smem:$0x3FB4] =	sst s0;
	s0 =	simm.s32 @!p1 $0x0  }
0x14: {  	s2 =	sld [smem:$0x3F98];
	s0 =	simm.s32 @p1 $0x1  }
0x15: {  	[smem:$0x3FB5] =	sst s0;
	s0 =	simm.s32 @!p2 $0x0  }
0x16: {  	s3 =	sld [smem:$0x3FDB];
	s0 =	simm.s32 @p2 $0x1  }
0x17: {  	s4 =	simm.s32 $0x1BF5;
	[smem:$0x3FB7] =	sst s0  }
0x18: {  	s0 =	sld [smem:$0x3F9A];
	_ =	swait.ge [sflag:s4], $0x0  }
0x19: {  	s7 =	sld [smem:$0x3F9B]  }
0x1a: {  	s8 =	sadd.s32 $0xFFFFE003, lr  }
0x1b: {  	s9 =	sadd.s32 $0xFFFFFEF7, lr;
	s5 =	simm.s32 $0xFFFFFFFF;
	p2 =	slt.u32 s8, $0xFFFFF086  }
0x1c: {  	p1 =	slt.u32 s9, $0xF7A;
	s5 =	simm.s32 @!p2 $0x0  }
0x1d: {  	s5 =	simm.s32 @p1 $0x1;
	p0 =	seq.s32 s7, s2  }
0x1e: {  	s7 =	smul.u32 @!p0 $0xF7A, s2;
	p2 =	seq.s32 @!p0 s5, $0x0  }
0x1f: {  	s9 =	smul.u32 $0xF7A, s1;
	s8 =	simm.s32 @!p0 $0x1BF5;
	p2 =	por !p2, p0  }
0x20: {  	[sflag:s8] =	ssyncset.s32 @!p0 $0xFFFFF086;
	s6 =	sadd.s32 @!p0 s3, s7;
	s7 =	simm.s32 @!p0 $0x108  }
0x21: {  	s3 =	sadd.s32 s3, s9;
	s6 =	sadd.s32 @!p0 $0x88, s6;
	s7 =	simm.s32 @p2 $0x1082  }
0x22: {  	[simem:s7], [sflag:s8] =	dma.local @!p0 [hbm:s6], $0xF7A  }
0x23: {  	s9 =	sor.u32 $0xD0000000, s2;
	s6 =	simm.s32 $0x108;
	_ =	swait.ge @!p0 [sflag:s8], $0x0  }
0x24: {  	s3 =	sadd.s32 $0x88, s3;
	s6 =	simm.s32 @!p1 $0x1082;
	[sflag:s4] =	ssyncset.s32 $0xFFFFF086  }
0x25: {  	[simem:s6], [sflag:s4] =	dma.local [hbm:s3], $0xF7A  }
0x26: {  	[smem:$0x3F9B] =	sst s1;
	(tag) =	ssettag s2;
	_ =	strace s9  }
0x27: {  	s1 =	sld [smem:$0x3FAB]  }
0x28: {  	s2 =	sld [smem:$0x3FAC]  }
0x29: {  	s4 =	sld [smem:$0x3FAE]  }
0x2a: {  	p0 =	seq.s32 s5, $0x0;
	s5 =	sld [smem:$0x3FAF]  }
0x2b: {  	s6 =	sld [smem:$0x3FB0]  }
0x2c: {  	s7 =	sld [smem:$0x3FB1]  }
0x2d: {  	s3 =	simm.s32 $0x108;
	s8 =	sld [smem:$0x3FB2]  }
0x2e: {  	s3 =	simm.s32 @!p0 $0x1082;
	s9 =	sld [smem:$0x3FB3]  }
0x2f: {  	lr =	sadd.s32 s0, s3;
	s0 =	sld [smem:$0x3FAA]  }
0x30: {  	s3 =	sld [smem:$0x3FAD]  }
0x31: {  	[smem:$0x3FB6] =	sst s10  }
0x32: {  	s10 =	sld [smem:$0x3FB4];
	_ =	sdelay $0x3  }
0x33: {  	p0 =	seq.s32 s10, $0x1;
	s10 =	sld [smem:$0x3FB6];
	_ =	sdelay $0x3  }
0x34: {  	[smem:$0x3FB6] =	sst s10  }
0x35: {  	s10 =	sld [smem:$0x3FB5];
	_ =	sdelay $0x3  }
0x36: {  	p1 =	seq.s32 s10, $0x1;
	s10 =	sld [smem:$0x3FB6];
	_ =	sdelay $0x3  }
0x37: {  	[smem:$0x3FB6] =	sst s10  }
0x38: {  	s10 =	sld [smem:$0x3FB7]  }
0x39: {  	_ = 	snop;
	(pc) =	sbr.ind lr, $3  }
0x3a: {  	_ = 	snop  }
0x3b: {  	_ = 	snop  }
0x3c: {  	p2 =	seq.s32 s10, $0x1;
	s10 =	sld [smem:$0x3FB6]  }
0x3d: {  	_ =	shalt  }
0x3e: {  	_ =	shalt  }
0x3f: {  	_ =	shalt  }
0x40: {  	_ =	shalt  }
0x41: {  	_ =	shalt  }
0x42: {  	_ =	shalt  }
0x43: {  	_ =	shalt  }
0x44: {  	_ =	shalt  }
0x45: {  	_ =	shalt  }
0x46: {  	_ =	shalt  }
0x47: {  	_ =	shalt  }
0x48: {  	_ =	shalt  }
0x49: {  	_ =	shalt  }
0x4a: {  	_ =	shalt  }
0x4b: {  	_ =	shalt  }
0x4c: {  	_ =	shalt  }
0x4d: {  	_ =	shalt  }
0x4e: {  	_ =	shalt  }
0x4f: {  	_ =	shalt  }
0x50: {  	_ =	shalt  }
0x51: {  	_ =	shalt  }
0x52: {  	_ =	shalt  }
0x53: {  	_ =	shalt  }
0x54: {  	_ =	shalt  }
0x55: {  	_ =	shalt  }
0x56: {  	_ =	shalt  }
0x57: {  	_ =	shalt  }
0x58: {  	_ =	shalt  }
0x59: {  	_ =	shalt  }
0x5a: {  	_ =	shalt  }
0x5b: {  	_ =	shalt  }
0x5c: {  	_ =	shalt  }
0x5d: {  	_ =	shalt  }
0x5e: {  	_ =	shalt  }
0x5f: {  	_ =	shalt  }
0x60: {  	_ =	shalt  }
0x61: {  	_ =	shalt  }
0x62: {  	_ =	shalt  }
0x63: {  	_ =	shalt  }
0x64: {  	_ =	shalt  }
0x65: {  	_ =	shalt  }
0x66: {  	_ =	shalt  }
0x67: {  	_ =	shalt  }
0x68: {  	_ =	shalt  }
0x69: {  	_ =	shalt  }
0x6a: {  	_ =	shalt  }
0x6b: {  	_ =	shalt  }
0x6c: {  	_ =	shalt  }
0x6d: {  	_ =	shalt  }
0x6e: {  	_ =	shalt  }
0x6f: {  	_ =	shalt  }
0x70: {  	_ =	shalt  }
0x71: {  	_ =	shalt  }
0x72: {  	_ =	shalt  }
0x73: {  	_ =	shalt  }
0x74: {  	_ =	shalt  }
0x75: {  	_ =	shalt  }
0x76: {  	_ =	shalt  }
0x77: {  	_ =	shalt  }
0x78: {  	_ =	shalt  }
0x79: {  	_ =	shalt  }
0x7a: {  	_ =	shalt  }
0x7b: {  	_ =	shalt  }
0x7c: {  	_ =	shalt  }
0x7d: {  	_ =	shalt  }
0x7e: {  	_ =	shalt  }
0x7f: {  	_ =	shalt  }
0x80: {  	_ =	shalt  }
0x81: {  	_ =	shalt  }
0x82: {  	_ =	shalt  }
0x83: {  	_ =	shalt  }
0x84: {  	_ =	shalt  }
0x85: {  	_ =	shalt  }
0x86: {  	_ =	shalt  }
0x87: {  	_ =	shalt  }
.Lfunc_end0:
.L_simem_size_0:
called_computation.2_lowered:
.L_overlay_start_0:
0x88: {  	s2 =	sld [smem:$0x3FD9]  }
0x89: {  	s3 =	sld [smem:$0x3FFE];
	_ =	sdelay $0x1  }
0x8a: {  	s1 =	srdreg.scid  }
0x8b: {  	s0 =	sand.u32 $0x1, s1  }
0x8c: {  	s17 =	sshll.u32 s0, $0xA;
	s2 =	sadd.s32 s3, s2  }
0x8d: {  	s2 =	sadd.s32 s2, s17  }
0x8e: {  	[smem:$0x3FC2] =	sst s2  }
0x8f: {  	_ = 	snop  }
0x90: {  	s2 =	sld [smem:$0x3FD0];
	(tm) =	ssettm $0x1  }
0x91: {  	s18 =	sld [smem:$0x3FFB];
	_ =	sdelay $0x3  }
0x92: {  	_ =	strace s18  }
0x93: {  	s3 =	sld [smem:$0x3FFC];
	_ =	sdelay $0x3  }
0x94: {  	_ =	strace s3  }
0x95: {  	s3 =	sld [smem:$0x3FFD];
	_ =	sdelay $0x3  }
0x96: {  	_ =	strace s3  }
0x97: {  	_ =	strace $0x8FFFFFFF  }
0x98: {  	s19 =	sld [smem:$0x3FDB];
	_ =	sdelay $0x1  }
0x99: {  	s4 =	simm.s32 $_scs_section_size  }
0x9a: {  	s5 =	simm.s32 $_size__tile_overlayer_lowered;
	s6 =	simm.s32 $_tile_overlayer_lowered  }
0x9b: {  	s22 =	simm.s32 $0x1BFF;
	s21 =	sshll.u32 s6, $0x1;
	s3 =	sadd.s32 s4, s19  }
0x9c: {  	s7 =	simm.s32 $0x0;
	s20 =	sshll.u32 s5, $0x1;
	s5 =	sadd.s32 s21, s3  }
0x9d: {  	[timem:s7], [sflag:s22] =	dma.local [hbm:s5], s20  }
0x9e: {  	_ =	swait.ge [sflag:s22], s20  }
0x9f: {  	s4 =	ssub.s32 $0x0, s20;
	[sflag:s22] =	ssyncset.done $0x0  }
0xa0: {  	[sflag:s22] =	ssyncadd.s32 s4;
	_ =	sdelay $0x1  }
0xa1: {  	s23 =	simm.s32 $0x1B8B  }
0xa2: {  	_ =	swait.ge [sflag:s23], $0x1  }
0xa3: {  	[sflag:s23] =	ssyncset.done $0x0  }
0xa4: {  	s25 =	simm.s32 $0x1B8E;
	s24 =	sld [smem:$0x3FFE];
	[sflag:s23] =	ssyncadd.s32 $0xFFFFFFFF  }
0xa5: {  	s26 =	simm.s32 $execute0_lowered;
	[smem:$0x3FD2] =	sst s25  }
0xa6: {  	s5 =	sshll.u32 s26, $0x1;
	_ =	strace $0x8000004C;
	[dreg:$0x1] =	wrdreg $0xFFFFFFFF  }
0xa7: {  	s28 =	simm.s32 $_size_execute0_lowered;
	s3 =	sadd.s32 s3, s5;
	[dreg:$0x0] =	wrdreg $0x0  }
0xa8: {  	s5 =	sshll.u32 s28, $0x1;
	[dreg:$0x2] =	wrdreg s3  }
0xa9: {  	[dreg:$0x3] =	wrdreg s5  }
0xaa: {  	[dreg:$0x4] =	wrdreg $0xC0  }
0xab: {  	_ =	task [dreg:s7], $0x5FFFF  }
0xac: {  	[dreg:$0x1] =	wrdreg $0xFFFFFFFF  }
0xad: {  	[dreg:$0x0] =	wrdreg $0x60  }
0xae: {  	[dreg:$0x2] =	wrdreg s2  }
0xaf: {  	[dreg:$0x3] =	wrdreg s24  }
0xb0: {  	[dreg:$0x4] =	wrdreg $0xBA000  }
0xb1: {  	[dreg:$0x5] =	wrdreg $0x9  }
0xb2: {  	_ =	task.clear_ibuf [dreg:s7], $0x6FFFF;
	_ =	strace $0x9000004C  }
0xb3: {  	s29 =	simm.s32 $0x9;
	_ =	strace $0x8000004E  }
0xb4: {  	_ =	swait.ge [sflag:s29], $0x1  }
0xb5: {  	[sflag:s29] =	ssyncadd.s32 $0xFFFFFFFF  }
0xb6: {  	_ =	strace $0x9000004E  }
0xb7: {  	_ =	sfence  }
0xb8: {  	s30 =	sld [smem:$0x0];
	_ =	sdelay $0x2  }
0xb9: {  	s31 =	sshll.u32 s1, $0xD;
	s1 =	sshrl.u32 s1, $0x2  }
0xba: {  	s3 =	sand.u32 $0x4000, s31;
	s1 =	sadd.s32 s1, s30  }
0xbb: {  	s0 =	sor.u32 s3, s0;
	s1 =	sshll.u32 s1, $0x11  }
0xbc: {  	s0 =	sor.u32 s1, s0  }
0xbd: {  	s0 =	sadd.s32 $0x8F2B, s0  }
0xbe: {  	[sflag:s0] =	ssyncadd.remote.s32 $0x1  }
0xbf: {  	_ =	sfence.sel $0xFFFF  }
0xc0: {  	[dreg:$0x0] =	wrdreg $0xFFFFFFFF;
	(pc) =	sbr.abs _section_cstart, $3  }
0xc1: {  	[dreg:$0x1] =	wrdreg $0xFFFFFFFF  }
0xc2: {  	_ =	task.clear_ibuf [dreg:s7], $0x2FFFF;
	_ =	strace $0x9FFFFFFF  }
0xc3: {  	(tm) =	ssettm $0x7FFFFFFF  }
tec
execute0_lowered:
.L_overlay_start_1:
0x0: {  	(tag) =	ssettag $0x1  }
0x1: {  	s0 =	srdreg.scid;
	s1 =	rddreg [dreg:$0x0]  }
0x2: {  	s9 =	stileid.u32;
	s5 =	rddreg [dreg:$0x1];
	s0 =	sand.u32 $0x1, s0  }
0x3: {  	s2 =	sshll.u32 s9, $0x1;
	s4 =	sshrl.u32 s9, $0x2;
	s8 =	smul.u32 $0x50000, s9  }
0x4: {  	s3 =	rddreg [dreg:$0x2];
	s2 =	sor.u32 s0, s2;
	s6 =	smul.u32 $0x14000, s4  }
0x5: {  	s4 =	simm.s32 $0x0;
	s26 =	smul.u32 $0x28000, s0;
	s0 =	ssub.s32 $0x2, s0  }
0x6: {  	s7 =	sshll.u32 s2, $0x7;
	[smem:$0x7FF] =	sst s4;
	s2 =	smul.u32 $0xA00, s2  }
0x7: {  	s28 =	sshrl.u32 s0, $0x1;
	s29 =	sshrl.u32 s8, $0x2;
	s7 =	sand.u32 $0x380, s7  }
0x8: {  	s8 =	smul.u32 $0x2800, s9;
	_ =	strace $0x8000004D;
	s6 =	sor.u32 s6, s7  }
0x9: {  	s0 =	ssub.s32 s0, s28;
	s2 =	sadd.s32 s2, s5;
	s6 =	sshrl.u32 s6, $0x3  }
0xa: {  	s0 =	smax.u32 s0, $0x1;
	s6 =	sadd.s32 s6, s5;
	s5 =	sadd.s32 s26, s5  }
0xb: {  	[dreg:$0x5] =	wrdreg s0;
	s6 =	sadd.s32 $0x29C00, s6;
	s5 =	sadd.s32 $0x33C00, s5  }
0xc: {  	[dreg:$0x4] =	wrdreg s6;
	s6 =	sadd.s32 s29, s3;
	s24 =	sadd.s32 s8, s5  }
0xd: {  	s9 =	sadd.s32 $0x1000, s6;
	[dreg:$0x15] =	wrdreg s24  }
0xe: {  	s10 =	sadd.s32 $0x2000, s6;
	[dreg:$0x6] =	wrdreg s9  }
0xf: {  	s11 =	sadd.s32 $0x3000, s6;
	[dreg:$0x7] =	wrdreg s10  }
0x10: {  	s12 =	sadd.s32 $0x4000, s6;
	[dreg:$0x8] =	wrdreg s11  }
0x11: {  	s13 =	sadd.s32 $0x5000, s6;
	[dreg:$0x9] =	wrdreg s12  }
0x12: {  	s14 =	sadd.s32 $0x6000, s6;
	[dreg:$0xa] =	wrdreg s13  }
0x13: {  	s15 =	sadd.s32 $0x7000, s6;
	[dreg:$0xb] =	wrdreg s14  }
0x14: {  	s16 =	sadd.s32 $0x8000, s6;
	[dreg:$0xc] =	wrdreg s15  }
0x15: {  	s17 =	sadd.s32 $0x9000, s6;
	[dreg:$0xd] =	wrdreg s16  }
0x16: {  	s18 =	sadd.s32 $0xA000, s6;
	[dreg:$0xe] =	wrdreg s17  }
0x17: {  	s19 =	sadd.s32 $0xB000, s6;
	[dreg:$0xf] =	wrdreg s18  }
0x18: {  	s20 =	sadd.s32 $0xC000, s6;
	[dreg:$0x10] =	wrdreg s19  }
0x19: {  	s21 =	sadd.s32 $0xD000, s6;
	[dreg:$0x11] =	wrdreg s20  }
0x1a: {  	s30 =	simm.s32 $0x2800;
	s22 =	sadd.s32 $0xE000, s6;
	[dreg:$0x12] =	wrdreg s21  }
0x1b: {  	s31 =	simm.s32 $0xB;
	s23 =	sadd.s32 $0xF000, s6;
	[dreg:$0x13] =	wrdreg s22  }
0x1c: {  	s7 =	sadd.s32 $0x15C00, s2;
	s25 =	sadd.s32 $0x10000, s6;
	[dreg:$0x14] =	wrdreg s23  }
0x1d: {  	s2 =	simm.s32 $0xAA00;
	s26 =	sadd.s32 $0x11000, s6;
	[dreg:$0x16] =	wrdreg s25  }
0x1e: {  	s0 =	simm.s32 $0x9;
	s28 =	sadd.s32 $0x12000, s6;
	[dreg:$0x17] =	wrdreg s26  }
0x1f: {  	s5 =	simm.s32 $0x2880;
	s29 =	sadd.s32 $0x13000, s6;
	[dreg:$0x18] =	wrdreg s28  }
0x20: {  	s8 =	simm.s32 $0x40;
	[dreg:$0x19] =	wrdreg s29;
	s9 =	simm.s32 $0x2A00  }
.Ltmp0:
0x21: {  	s10 =	simm.s32 $0x4A00;
	s11 =	simm.s32 $0xA;
	(pc) =	sbr.rel .LBB2_1-.Ltmp0, $4  }
0x22: {  	s12 =	simm.s32 $0x2900;
	s13 =	simm.s32 $0x1;
	s14 =	simm.s32 $0x6A00  }
0x23: {  	s15 =	simm.s32 $0x2980;
	s16 =	simm.s32 $0x2;
	s17 =	simm.s32 $0x8A00  }
0x24: {  	s18 =	simm.s32 $0x5;
	s19 =	simm.s32 $0x6;
	s20 =	simm.s32 $0x4  }
0x25: {  	v0 =	vimm.f32 $0.0e+00;
	s21 =	simm.s32 $0x7;
	s22 =	simm.s32 $0x8;
	s23 =	simm.s32 $0x0  }
.LBB2_6:
0x26: {  	_ =	swait.ge [sflag:s20], $0x2000  }
0x27: {  	[sflag:s20] =	ssyncset.done $0x0  }
0x28: {  	[sflag:s20] =	ssyncadd.s32 $0xFFFFE000  }
0x29: {  	[spmem:s3] =	stream.indirect.scatter.add.f32 [tilespmem:s17], [sflag:$0x8], $0x80, s15, s8, $0xb8;
	[tilespmem:$0x1FA00] =	vst v63  }
0x2a: {  	_ =	swait.ge [sflag:s21], $0x2000  }
0x2b: {  	[sflag:s21] =	ssyncset.done $0x0  }
0x2c: {  	[sflag:s21] =	ssyncadd.s32 $0xFFFFE000  }
0x2d: {  	_ =	swait.ge [sflag:s22], $0x2000  }
0x2e: {  	[sflag:s22] =	ssyncset.done $0x0  }
0x2f: {  	s24 =	stileid.u32;
	[sflag:s22] =	ssyncadd.s32 $0xFFFFE000  }
0x30: {  	s24 =	sshll.u32 s24, $0x6;
	[bflag:$0x0] =	sbarrier.arrive $0xFFFF  }
0x31: {  	s25 =	sshrl.u32 s6, $0x3;
	s24 =	sor.u32 $0x1C0B, s24;
	s26 =	rddreg [dreg:$0x15]  }
0x32: {  	[hbm:s26], [sflag:s24] =	dma.local [spmem:s25], $0x2800  }
0x33: {  	_ =	swait.ge [sflag:s31], $0x2800  }
0x34: {  	s23 =	sadd.s32 $0x1, s23;
	s29 =	rddreg [dreg:$0x5]  }
0x35: {  	p0 =	sne.s32 s23, s29  }
.Ltmp1:
0x36: {  	_ = 	snop;
	(pc) =	sbr.rel @!p0 .LBB2_7-.Ltmp1, $3  }
0x37: {  	_ =	sdelay $0x1  }
0x38: {  	[sflag:s31] =	ssyncset.done $0x0  }
0x39: {  	[sflag:s31] =	ssyncadd.s32 $0xFFFFD800  }
.LBB2_1:
0x3a: {  	s24 =	rddreg [dreg:$0x4];
	s25 =	simm.s32 $0x80;
	s26 =	simm.s32 $0x400  }
0x3b: {  	[tilespmem:s4], [sflag:$0x9] =	stream.strided.gather [hbm4b:s24+s25], $0x2800, s26, s25, $0x38;
	[tilespmem:$0x1FA00] =	vst v63  }
0x3c: {  	s24 =	simm.s32 $0x0;
	s25 =	simm.s32 $0x200  }
.LBB2_2:
0x3d: {  	p0 =	sne.s32 s25, $0x3E00;
	[tilespmem:s24+$0xAA70] =	vst v0  }
0x3e: {  	[tilespmem:s24+$0xAA00] =	vst v0  }
0x3f: {  	[tilespmem:s24+$0xAA10] =	vst v0  }
.Ltmp2:
0x40: {  	[tilespmem:s24+$0xAA20] =	vst v0;
	(pc) =	sbr.rel @p0 .LBB2_2-.Ltmp2, $4  }
0x41: {  	[tilespmem:s24+$0xAA30] =	vst v0  }
0x42: {  	[tilespmem:s24+$0xAA40] =	vst v0  }
0x43: {  	[tilespmem:s24+$0xAA50] =	vst v0  }
0x44: {  	[tilespmem:s24+$0xAA60] =	vst v0;
	s24 =	sshra.s32 s25, $0x2;
	s25 =	sadd.s32 $0x200, s25  }
0x45: {  	[tilespmem:s24+$0xAA70] =	vst v0  }
0x46: {  	[tilespmem:s24+$0xAA00] =	vst v0  }
0x47: {  	[tilespmem:s24+$0xAA10] =	vst v0  }
0x48: {  	[tilespmem:s24+$0xAA20] =	vst v0  }
0x49: {  	[tilespmem:s24+$0xAA30] =	vst v0  }
0x4a: {  	[tilespmem:s24+$0xAA40] =	vst v0  }
0x4b: {  	[tilespmem:s24+$0xAA50] =	vst v0  }
0x4c: {  	[tilespmem:s24+$0xAA60] =	vst v0  }
0x4d: {  	[spmem:s6] =	stream.linear.scatter [tilespmem:s2], [sflag:$0xA], $0x1000, $0x38;
	[tilespmem:$0x1FA00] =	vst v63  }
0x4e: {  	s26 =	rddreg [dreg:$0x6]  }
0x4f: {  	[spmem:s26] =	stream.linear.scatter [tilespmem:s2], [sflag:$0xA], $0x1000, $0x38;
	[tilespmem:$0x1FA00] =	vst v63  }
0x50: {  	s28 =	rddreg [dreg:$0x7]  }
0x51: {  	[spmem:s28] =	stream.linear.scatter [tilespmem:s2], [sflag:$0xA], $0x1000, $0x38;
	[tilespmem:$0x1FA00] =	vst v63  }
0x52: {  	s29 =	rddreg [dreg:$0x8]  }
0x53: {  	[spmem:s29] =	stream.linear.scatter [tilespmem:s2], [sflag:$0xA], $0x1000, $0x38;
	[tilespmem:$0x1FA00] =	vst v63  }
0x54: {  	s25 =	rddreg [dreg:$0x9]  }
0x55: {  	[spmem:s25] =	stream.linear.scatter [tilespmem:s2], [sflag:$0xA], $0x1000, $0x38;
	[tilespmem:$0x1FA00] =	vst v63  }
0x56: {  	s26 =	rddreg [dreg:$0xa]  }
0x57: {  	[spmem:s26] =	stream.linear.scatter [tilespmem:s2], [sflag:$0xA], $0x1000, $0x38;
	[tilespmem:$0x1FA00] =	vst v63  }
0x58: {  	s28 =	rddreg [dreg:$0xb]  }
0x59: {  	[spmem:s28] =	stream.linear.scatter [tilespmem:s2], [sflag:$0xA], $0x1000, $0x38;
	[tilespmem:$0x1FA00] =	vst v63  }
0x5a: {  	s29 =	rddreg [dreg:$0xc]  }
0x5b: {  	[spmem:s29] =	stream.linear.scatter [tilespmem:s2], [sflag:$0xA], $0x1000, $0x38;
	[tilespmem:$0x1FA00] =	vst v63  }
0x5c: {  	s25 =	rddreg [dreg:$0xd]  }
0x5d: {  	[spmem:s25] =	stream.linear.scatter [tilespmem:s2], [sflag:$0xA], $0x1000, $0x38;
	[tilespmem:$0x1FA00] =	vst v63  }
0x5e: {  	s26 =	rddreg [dreg:$0xe]  }
0x5f: {  	[spmem:s26] =	stream.linear.scatter [tilespmem:s2], [sflag:$0xA], $0x1000, $0x38;
	[tilespmem:$0x1FA00] =	vst v63  }
0x60: {  	s28 =	rddreg [dreg:$0xf]  }
0x61: {  	[spmem:s28] =	stream.linear.scatter [tilespmem:s2], [sflag:$0xA], $0x1000, $0x38;
	[tilespmem:$0x1FA00] =	vst v63  }
0x62: {  	s29 =	rddreg [dreg:$0x10]  }
0x63: {  	[spmem:s29] =	stream.linear.scatter [tilespmem:s2], [sflag:$0xA], $0x1000, $0x38;
	[tilespmem:$0x1FA00] =	vst v63  }
0x64: {  	s25 =	rddreg [dreg:$0x11]  }
0x65: {  	[spmem:s25] =	stream.linear.scatter [tilespmem:s2], [sflag:$0xA], $0x1000, $0x38;
	[tilespmem:$0x1FA00] =	vst v63  }
0x66: {  	s26 =	rddreg [dreg:$0x12]  }
0x67: {  	[spmem:s26] =	stream.linear.scatter [tilespmem:s2], [sflag:$0xA], $0x1000, $0x38;
	[tilespmem:$0x1FA00] =	vst v63  }
0x68: {  	s28 =	rddreg [dreg:$0x13]  }
0x69: {  	[spmem:s28] =	stream.linear.scatter [tilespmem:s2], [sflag:$0xA], $0x1000, $0x38;
	[tilespmem:$0x1FA00] =	vst v63  }
0x6a: {  	s29 =	rddreg [dreg:$0x14]  }
0x6b: {  	[spmem:s29] =	stream.linear.scatter [tilespmem:s2], [sflag:$0xA], $0x1000, $0x38;
	[tilespmem:$0x1FA00] =	vst v63  }
0x6c: {  	s25 =	rddreg [dreg:$0x16]  }
0x6d: {  	[spmem:s25] =	stream.linear.scatter [tilespmem:s2], [sflag:$0xA], $0x1000, $0x38;
	[tilespmem:$0x1FA00] =	vst v63  }
0x6e: {  	s26 =	rddreg [dreg:$0x17]  }
0x6f: {  	[spmem:s26] =	stream.linear.scatter [tilespmem:s2], [sflag:$0xA], $0x1000, $0x38;
	[tilespmem:$0x1FA00] =	vst v63  }
0x70: {  	s28 =	rddreg [dreg:$0x18]  }
0x71: {  	[spmem:s28] =	stream.linear.scatter [tilespmem:s2], [sflag:$0xA], $0x1000, $0x38;
	[tilespmem:$0x1FA00] =	vst v63  }
0x72: {  	s29 =	rddreg [dreg:$0x19]  }
0x73: {  	[spmem:s29] =	stream.linear.scatter [tilespmem:s2], [sflag:$0xA], $0x1000, $0x38;
	[tilespmem:$0x1FA00] =	vst v63  }
0x74: {  	_ =	swait.ge [sflag:s0], $0x2800  }
0x75: {  	[sflag:s0] =	ssyncset.done $0x0  }
0x76: {  	s24 =	simm.s32 $0x0;
	[sflag:s0] =	ssyncadd.s32 $0xFFFFD800  }
0x77: {  	[tilespmem:s30], [sflag:$0xB] =	stream.linear.gather [hbm4b:s7+s24], $0x80, $0x38;
	[tilespmem:$0x1FA00] =	vst v63  }
0x78: {  	_ =	swait.ge [sflag:s31], $0x80  }
0x79: {  	[sflag:s31] =	ssyncset.done $0x0  }
0x7a: {  	s25 =	sadd.s32 $0x10, s7;
	[sflag:s31] =	ssyncadd.s32 $0xFFFFFF80  }
0x7b: {  	[tilespmem:s5], [sflag:$0xB] =	stream.linear.gather [hbm4b:s25+s24], $0x80, $0x38;
	[tilespmem:$0x1FA00] =	vst v63  }
0x7c: {  	_ =	swait.ge [sflag:s31], $0x80  }
0x7d: {  	[sflag:s31] =	ssyncset.done $0x0  }
0x7e: {  	[sflag:s31] =	ssyncadd.s32 $0xFFFFFF80  }
0x7f: {  	[tilespmem:s9], [sflag:$0x1] =	stream.indirect.gather [hbm4b:s1+s8], $0x80, s24, s8, $0xb8;
	[tilespmem:$0x1FA00] =	vst v63  }
0x80: {  	_ = 	snop  }
0x81: {  	[tilespmem:s10], [sflag:$0x2] =	stream.indirect.gather [hbm4b:s1+s8], $0x80, s8, s8, $0xb8;
	[tilespmem:$0x1FA00] =	vst v63  }
0x82: {  	_ =	swait.ge [sflag:s11], $0x1000  }
0x83: {  	[sflag:s11] =	ssyncset.done $0x0  }
0x84: {  	[sflag:s11] =	ssyncadd.s32 $0xFFFFF000  }
0x85: {  	_ =	swait.ge [sflag:s11], $0x1000  }
0x86: {  	[sflag:s11] =	ssyncset.done $0x0  }
0x87: {  	[sflag:s11] =	ssyncadd.s32 $0xFFFFF000  }
0x88: {  	_ =	swait.ge [sflag:s11], $0x1000  }
0x89: {  	[sflag:s11] =	ssyncset.done $0x0  }
0x8a: {  	[sflag:s11] =	ssyncadd.s32 $0xFFFFF000  }
0x8b: {  	_ =	swait.ge [sflag:s11], $0x1000  }
0x8c: {  	[sflag:s11] =	ssyncset.done $0x0  }
0x8d: {  	[sflag:s11] =	ssyncadd.s32 $0xFFFFF000  }
0x8e: {  	_ =	swait.ge [sflag:s11], $0x1000  }
0x8f: {  	[sflag:s11] =	ssyncset.done $0x0  }
0x90: {  	[sflag:s11] =	ssyncadd.s32 $0xFFFFF000  }
0x91: {  	_ =	swait.ge [sflag:s11], $0x1000  }
0x92: {  	[sflag:s11] =	ssyncset.done $0x0  }
0x93: {  	[sflag:s11] =	ssyncadd.s32 $0xFFFFF000  }
0x94: {  	_ =	swait.ge [sflag:s11], $0x1000  }
0x95: {  	[sflag:s11] =	ssyncset.done $0x0  }
0x96: {  	[sflag:s11] =	ssyncadd.s32 $0xFFFFF000  }
0x97: {  	_ =	swait.ge [sflag:s11], $0x1000  }
0x98: {  	[sflag:s11] =	ssyncset.done $0x0  }
0x99: {  	[sflag:s11] =	ssyncadd.s32 $0xFFFFF000  }
0x9a: {  	_ =	swait.ge [sflag:s11], $0x1000  }
0x9b: {  	[sflag:s11] =	ssyncset.done $0x0  }
0x9c: {  	[sflag:s11] =	ssyncadd.s32 $0xFFFFF000  }
0x9d: {  	_ =	swait.ge [sflag:s11], $0x1000  }
0x9e: {  	[sflag:s11] =	ssyncset.done $0x0  }
0x9f: {  	[sflag:s11] =	ssyncadd.s32 $0xFFFFF000  }
0xa0: {  	_ =	swait.ge [sflag:s11], $0x1000  }
0xa1: {  	[sflag:s11] =	ssyncset.done $0x0  }
0xa2: {  	[sflag:s11] =	ssyncadd.s32 $0xFFFFF000  }
0xa3: {  	_ =	swait.ge [sflag:s11], $0x1000  }
0xa4: {  	[sflag:s11] =	ssyncset.done $0x0  }
0xa5: {  	[sflag:s11] =	ssyncadd.s32 $0xFFFFF000  }
0xa6: {  	_ =	swait.ge [sflag:s11], $0x1000  }
0xa7: {  	[sflag:s11] =	ssyncset.done $0x0  }
0xa8: {  	[sflag:s11] =	ssyncadd.s32 $0xFFFFF000  }
0xa9: {  	_ =	swait.ge [sflag:s11], $0x1000  }
0xaa: {  	[sflag:s11] =	ssyncset.done $0x0  }
0xab: {  	[sflag:s11] =	ssyncadd.s32 $0xFFFFF000  }
0xac: {  	_ =	swait.ge [sflag:s11], $0x1000  }
0xad: {  	[sflag:s11] =	ssyncset.done $0x0  }
0xae: {  	[sflag:s11] =	ssyncadd.s32 $0xFFFFF000  }
0xaf: {  	_ =	swait.ge [sflag:s11], $0x1000  }
0xb0: {  	[sflag:s11] =	ssyncset.done $0x0  }
0xb1: {  	[sflag:s11] =	ssyncadd.s32 $0xFFFFF000  }
0xb2: {  	_ =	swait.ge [sflag:s11], $0x1000  }
0xb3: {  	[sflag:s11] =	ssyncset.done $0x0  }
0xb4: {  	[sflag:s11] =	ssyncadd.s32 $0xFFFFF000  }
0xb5: {  	_ =	swait.ge [sflag:s11], $0x1000  }
0xb6: {  	[sflag:s11] =	ssyncset.done $0x0  }
0xb7: {  	[sflag:s11] =	ssyncadd.s32 $0xFFFFF000  }
0xb8: {  	_ =	swait.ge [sflag:s11], $0x1000  }
0xb9: {  	[sflag:s11] =	ssyncset.done $0x0  }
0xba: {  	[sflag:s11] =	ssyncadd.s32 $0xFFFFF000  }
0xbb: {  	_ =	swait.ge [sflag:s11], $0x1000  }
0xbc: {  	[sflag:s11] =	ssyncset.done $0x0  }
0xbd: {  	[sflag:s11] =	ssyncadd.s32 $0xFFFFF000  }
0xbe: {  	s25 =	simm.s32 $0xC0;
	[bflag:$0x0] =	sbarrier.arrive $0xFFFF  }
.LBB2_4:
0xbf: {  	p0 =	seq.s32 s24, $0x0  }
0xc0: {  	s26 =	simm.s32 @!p0 $0x7  }
0xc1: {  	s28 =	sand.u32 $0xF80, s24;
	s29 =	sadd.s32 $0x20, s24;
	_ =	swait.ge @!p0 [sflag:s26], $0x2000  }
0xc2: {  	s29 =	sand.u32 $0x60, s29;
	s28 =	sadd.s32 s7, s28;
	[sflag:s26] =	ssyncset.done @!p0 $0x0  }
0xc3: {  	s29 =	sadd.s32 s29, s28;
	[sflag:s26] =	ssyncadd.s32 @!p0 $0xFFFFE000  }
0xc4: {  	[tilespmem:s12], [sflag:$0xB] =	stream.linear.gather [hbm4b:s29+s4], $0x80, $0x38;
	[tilespmem:$0x1FA00] =	vst v63  }
0xc5: {  	_ =	swait.ge [sflag:s31], $0x80  }
0xc6: {  	[sflag:s31] =	ssyncset.done $0x0  }
0xc7: {  	[sflag:s31] =	ssyncadd.s32 $0xFFFFFF80  }
0xc8: {  	_ =	swait.ge [sflag:s13], $0x2000  }
0xc9: {  	[sflag:s13] =	ssyncset.done $0x0  }
0xca: {  	s29 =	sadd.s32 $0xFFFFFFC0, s25;
	[sflag:s13] =	ssyncadd.s32 $0xFFFFE000  }
0xcb: {  	[tilespmem:s14], [sflag:$0x3] =	stream.indirect.gather [hbm4b:s1+s8], $0x80, s29, s8, $0xb8;
	[tilespmem:$0x1FA00] =	vst v63  }
0xcc: {  	s26 =	simm.s32 @!p0 $0x8  }
0xcd: {  	[spmem:s3] =	stream.indirect.scatter.add.f32 [tilespmem:s9], [sflag:$0x5], $0x80, s30, s8, $0xb8;
	[tilespmem:$0x1FA00] =	vst v63  }
0xce: {  	s29 =	sadd.s32 $0x30, s24;
	_ =	swait.ge @!p0 [sflag:s26], $0x2000  }
0xcf: {  	s29 =	sand.u32 $0x70, s29;
	[sflag:s26] =	ssyncset.done @!p0 $0x0  }
0xd0: {  	s29 =	sadd.s32 s29, s28;
	[sflag:s26] =	ssyncadd.s32 @!p0 $0xFFFFE000  }
0xd1: {  	[tilespmem:s15], [sflag:$0xB] =	stream.linear.gather [hbm4b:s29+s4], $0x80, $0x38;
	[tilespmem:$0x1FA00] =	vst v63  }
0xd2: {  	_ =	swait.ge [sflag:s31], $0x80  }
0xd3: {  	[sflag:s31] =	ssyncset.done $0x0  }
0xd4: {  	[sflag:s31] =	ssyncadd.s32 $0xFFFFFF80  }
0xd5: {  	_ =	swait.ge [sflag:s16], $0x2000  }
0xd6: {  	[sflag:s16] =	ssyncset.done $0x0  }
0xd7: {  	[sflag:s16] =	ssyncadd.s32 $0xFFFFE000  }
0xd8: {  	[tilespmem:s17], [sflag:$0x4] =	stream.indirect.gather [hbm4b:s1+s8], $0x80, s25, s8, $0xb8;
	[tilespmem:$0x1FA00] =	vst v63  }
0xd9: {  	_ = 	snop  }
0xda: {  	[spmem:s3] =	stream.indirect.scatter.add.f32 [tilespmem:s10], [sflag:$0x6], $0x80, s5, s8, $0xb8;
	[tilespmem:$0x1FA00] =	vst v63  }
0xdb: {  	_ =	swait.ge [sflag:s18], $0x2000  }
0xdc: {  	p0 =	seq.s32 s24, $0x9C0;
	[sflag:s18] =	ssyncset.done $0x0  }
0xdd: {  	s26 =	simm.s32 @p0 $0x3;
	[sflag:s18] =	ssyncadd.s32 $0xFFFFE000  }
0xde: {  	_ =	swait.ge @p0 [sflag:s26], $0x2000  }
0xdf: {  	[sflag:s26] =	ssyncset.done @p0 $0x0  }
0xe0: {  	[sflag:s26] =	ssyncadd.s32 @p0 $0xFFFFE000;
	s26 =	sadd.s32 @!p0 s24, s7  }
0xe1: {  	s28 =	simm.s32 @!p0 $0x0;
	s29 =	simm.s32 @!p0 $0x2800;
	s26 =	sadd.s32 @!p0 $0x40, s26  }
0xe2: {  	[tilespmem:s29], [sflag:$0xB] =	stream.linear.gather @!p0 [hbm4b:s26+s28], $0x80, $0x38;
	[tilespmem:$0x1FA00] =	vst v63  }
0xe3: {  	s26 =	simm.s32 @!p0 $0xB  }
0xe4: {  	_ =	swait.ge @!p0 [sflag:s26], $0x80  }
0xe5: {  	[sflag:s26] =	ssyncset.done @!p0 $0x0  }
0xe6: {  	[sflag:s26] =	ssyncadd.s32 @!p0 $0xFFFFFF80;
	s26 =	simm.s32 @!p0 $0x3  }
0xe7: {  	_ =	swait.ge @!p0 [sflag:s26], $0x2000  }
0xe8: {  	s28 =	simm.s32 @!p0 $0x40;
	[sflag:s26] =	ssyncset.done @!p0 $0x0  }
0xe9: {  	s29 =	simm.s32 @!p0 $0x2A00;
	[sflag:s26] =	ssyncadd.s32 @!p0 $0xFFFFE000;
	s26 =	sadd.s32 @!p0 $0x40, s25  }
0xea: {  	[tilespmem:s29], [sflag:$0x1] =	stream.indirect.gather @!p0 [hbm4b:s1+s28], $0x80, s26, s28, $0xb8;
	[tilespmem:$0x1FA00] =	vst v63  }
.Ltmp3:
0xeb: {  	_ = 	snop;
	(pc) =	sbr.rel @p0 .LBB2_6-.Ltmp3, $4  }
0xec: {  	[spmem:s3] =	stream.indirect.scatter.add.f32 [tilespmem:s14], [sflag:$0x7], $0x80, s12, s8, $0xb8;
	[tilespmem:$0x1FA00] =	vst v63  }
0xed: {  	_ =	swait.ge [sflag:s19], $0x2000  }
0xee: {  	[sflag:s19] =	ssyncset.done $0x0  }
0xef: {  	[sflag:s19] =	ssyncadd.s32 $0xFFFFE000  }
0xf0: {  	s26 =	sadd.s32 s24, s7  }
0xf1: {  	s26 =	sadd.s32 $0x50, s26  }
0xf2: {  	[tilespmem:s5], [sflag:$0xB] =	stream.linear.gather [hbm4b:s26+s4], $0x80, $0x38;
	[tilespmem:$0x1FA00] =	vst v63  }
0xf3: {  	_ =	swait.ge [sflag:s31], $0x80  }
0xf4: {  	[sflag:s31] =	ssyncset.done $0x0  }
0xf5: {  	[sflag:s31] =	ssyncadd.s32 $0xFFFFFF80  }
0xf6: {  	_ =	swait.ge [sflag:s20], $0x2000  }
.Ltmp4:
0xf7: {  	[sflag:s20] =	ssyncset.done $0x0;
	(pc) =	sbr.rel .LBB2_4-.Ltmp4, $4  }
0xf8: {  	s29 =	sadd.s32 $0x80, s25;
	[sflag:s20] =	ssyncadd.s32 $0xFFFFE000  }
0xf9: {  	[tilespmem:s10], [sflag:$0x2] =	stream.indirect.gather [hbm4b:s1+s8], $0x80, s29, s8, $0xb8;
	[tilespmem:$0x1FA00] =	vst v63  }
0xfa: {  	s24 =	sadd.s32 $0x40, s24;
	s25 =	sadd.s32 $0x100, s25  }
0xfb: {  	[spmem:s3] =	stream.indirect.scatter.add.f32 [tilespmem:s17], [sflag:$0x8], $0x80, s15, s8, $0xb8;
	[tilespmem:$0x1FA00] =	vst v63  }
.LBB2_7:
0xfc: {  	_ =	sfence.sel $0x180000  }
0xfd: {  	[bflag:$0x0] =	sbarrier.arrive $0xFFFF  }
0xfe: {  	_ =	strace $0x9000004D  }
0xff: {  	s0 =	stileid.u32;
	[bflag:$0x2] =	sbarrier.arrive $0xFFFF  }
0x100: {  	p0 =	sne.s32 s0, $0x0;
	s0 =	rddreg [dreg:$0x3]  }
0x101: {  	s0 =	sadd.s32 @!p0 $0x100000, s0  }
0x102: {  	[sflag:s0] =	ssyncadd.tile.s32 @!p0 $0x1;
	_ =	shalt  }
.Lfunc_end2:
_tile_overlayer_lowered:
.L_overlay_start_2:
0x103: {  	(tag) =	ssettag $0x2  }
0x104: {  	s0 =	rddreg [dreg:$0x0];
	s2 =	stileid.u32  }
0x105: {  	s1 =	rddreg [dreg:$0x1];
	p0 =	sne.s32 s2, $0x0  }
0x106: {  	s3 =	rddreg [dreg:$0x2];
	[bflag:$0x3] =	sbarrier.arrive $0xFFFF;
	s2 =	simm.s32 @!p0 $0x1C0B  }
0x107: {  	[timem:s3], [sflag:s2] =	dma.local @!p0 [hbm:s0], s1  }
0x108: {  	s0 =	simm.s32 @!p0 $0xB  }
0x109: {  	_ =	swait.ge @!p0 [sflag:s0], s1  }
0x10a: {  	s1 =	ssub.s32 @!p0 $0x0, s1;
	[sflag:s0] =	ssyncset.done @!p0 $0x0  }
0x10b: {  	[sflag:s0] =	ssyncadd.s32 @!p0 s1  }
0x10c: {  	[bflag:$0x3] =	sbarrier.arrive $0xFFFF  }
0x10d: {  	_ =	shalt  }

// kernel: kernel.8.cloned.1.call-start
scs
__scs_entry_jumppad:
0x0: {  	(pc) =	sbr.rel $0x88, $3  }
0x1: {  	(tag) =	ssettag $0x0;
	lr =	simm.s32 $0x1  }
0x2: {  	[smem:$0x3F9B] =	sst lr;
	_ =	strace $0xD0000000  }
0x3: {  	_ = 	snop  }
0x4: {  	_ = 	snop  }
0x5: {  	_ = 	snop  }
0x6: {  	_ = 	snop  }
0x7: {  	_ = 	snop  }
__scs_overlays_trampoline_lowered:
0x8: {  	[smem:$0x3FAA] =	sst s0  }
0x9: {  	[smem:$0x3FAB] =	sst s1  }
0xa: {  	[smem:$0x3FAC] =	sst s2  }
0xb: {  	[smem:$0x3FAD] =	sst s3  }
0xc: {  	[smem:$0x3FAE] =	sst s4  }
0xd: {  	[smem:$0x3FAF] =	sst s5  }
0xe: {  	[smem:$0x3FB0] =	sst s6  }
0xf: {  	[smem:$0x3FB1] =	sst s7  }
0x10: {  	[smem:$0x3FB2] =	sst s8  }
0x11: {  	[smem:$0x3FB3] =	sst s9;
	s0 =	simm.s32 @!p0 $0x0  }
0x12: {  	s1 =	sld [smem:$0x3F99];
	s0 =	simm.s32 @p0 $0x1  }
0x13: {  	[smem:$0x3FB4] =	sst s0;
	s0 =	simm.s32 @!p1 $0x0  }
0x14: {  	s2 =	sld [smem:$0x3F98];
	s0 =	simm.s32 @p1 $0x1  }
0x15: {  	[smem:$0x3FB5] =	sst s0;
	s0 =	simm.s32 @!p2 $0x0  }
0x16: {  	s3 =	sld [smem:$0x3FDB];
	s0 =	simm.s32 @p2 $0x1  }
0x17: {  	s4 =	simm.s32 $0x1BF5;
	[smem:$0x3FB7] =	sst s0  }
0x18: {  	s0 =	sld [smem:$0x3F9A];
	_ =	swait.ge [sflag:s4], $0x0  }
0x19: {  	s7 =	sld [smem:$0x3F9B]  }
0x1a: {  	s8 =	sadd.s32 $0xFFFFE003, lr  }
0x1b: {  	s9 =	sadd.s32 $0xFFFFFEF7, lr;
	s5 =	simm.s32 $0xFFFFFFFF;
	p2 =	slt.u32 s8, $0xFFFFF086  }
0x1c: {  	p1 =	slt.u32 s9, $0xF7A;
	s5 =	simm.s32 @!p2 $0x0  }
0x1d: {  	s5 =	simm.s32 @p1 $0x1;
	p0 =	seq.s32 s7, s2  }
0x1e: {  	s7 =	smul.u32 @!p0 $0xF7A, s2;
	p2 =	seq.s32 @!p0 s5, $0x0  }
0x1f: {  	s9 =	smul.u32 $0xF7A, s1;
	s8 =	simm.s32 @!p0 $0x1BF5;
	p2 =	por !p2, p0  }
0x20: {  	[sflag:s8] =	ssyncset.s32 @!p0 $0xFFFFF086;
	s6 =	sadd.s32 @!p0 s3, s7;
	s7 =	simm.s32 @!p0 $0x108  }
0x21: {  	s3 =	sadd.s32 s3, s9;
	s6 =	sadd.s32 @!p0 $0x88, s6;
	s7 =	simm.s32 @p2 $0x1082  }
0x22: {  	[simem:s7], [sflag:s8] =	dma.local @!p0 [hbm:s6], $0xF7A  }
0x23: {  	s9 =	sor.u32 $0xD0000000, s2;
	s6 =	simm.s32 $0x108;
	_ =	swait.ge @!p0 [sflag:s8], $0x0  }
0x24: {  	s3 =	sadd.s32 $0x88, s3;
	s6 =	simm.s32 @!p1 $0x1082;
	[sflag:s4] =	ssyncset.s32 $0xFFFFF086  }
0x25: {  	[simem:s6], [sflag:s4] =	dma.local [hbm:s3], $0xF7A  }
0x26: {  	[smem:$0x3F9B] =	sst s1;
	(tag) =	ssettag s2;
	_ =	strace s9  }
0x27: {  	s1 =	sld [smem:$0x3FAB]  }
0x28: {  	s2 =	sld [smem:$0x3FAC]  }
0x29: {  	s4 =	sld [smem:$0x3FAE]  }
0x2a: {  	p0 =	seq.s32 s5, $0x0;
	s5 =	sld [smem:$0x3FAF]  }
0x2b: {  	s6 =	sld [smem:$0x3FB0]  }
0x2c: {  	s7 =	sld [smem:$0x3FB1]  }
0x2d: {  	s3 =	simm.s32 $0x108;
	s8 =	sld [smem:$0x3FB2]  }
0x2e: {  	s3 =	simm.s32 @!p0 $0x1082;
	s9 =	sld [smem:$0x3FB3]  }
0x2f: {  	lr =	sadd.s32 s0, s3;
	s0 =	sld [smem:$0x3FAA]  }
0x30: {  	s3 =	sld [smem:$0x3FAD]  }
0x31: {  	[smem:$0x3FB6] =	sst s10  }
0x32: {  	s10 =	sld [smem:$0x3FB4];
	_ =	sdelay $0x3  }
0x33: {  	p0 =	seq.s32 s10, $0x1;
	s10 =	sld [smem:$0x3FB6];
	_ =	sdelay $0x3  }
0x34: {  	[smem:$0x3FB6] =	sst s10  }
0x35: {  	s10 =	sld [smem:$0x3FB5];
	_ =	sdelay $0x3  }
0x36: {  	p1 =	seq.s32 s10, $0x1;
	s10 =	sld [smem:$0x3FB6];
	_ =	sdelay $0x3  }
0x37: {  	[smem:$0x3FB6] =	sst s10  }
0x38: {  	s10 =	sld [smem:$0x3FB7]  }
0x39: {  	_ = 	snop;
	(pc) =	sbr.ind lr, $3  }
0x3a: {  	_ = 	snop  }
0x3b: {  	_ = 	snop  }
0x3c: {  	p2 =	seq.s32 s10, $0x1;
	s10 =	sld [smem:$0x3FB6]  }
0x3d: {  	_ =	shalt  }
0x3e: {  	_ =	shalt  }
0x3f: {  	_ =	shalt  }
0x40: {  	_ =	shalt  }
0x41: {  	_ =	shalt  }
0x42: {  	_ =	shalt  }
0x43: {  	_ =	shalt  }
0x44: {  	_ =	shalt  }
0x45: {  	_ =	shalt  }
0x46: {  	_ =	shalt  }
0x47: {  	_ =	shalt  }
0x48: {  	_ =	shalt  }
0x49: {  	_ =	shalt  }
0x4a: {  	_ =	shalt  }
0x4b: {  	_ =	shalt  }
0x4c: {  	_ =	shalt  }
0x4d: {  	_ =	shalt  }
0x4e: {  	_ =	shalt  }
0x4f: {  	_ =	shalt  }
0x50: {  	_ =	shalt  }
0x51: {  	_ =	shalt  }
0x52: {  	_ =	shalt  }
0x53: {  	_ =	shalt  }
0x54: {  	_ =	shalt  }
0x55: {  	_ =	shalt  }
0x56: {  	_ =	shalt  }
0x57: {  	_ =	shalt  }
0x58: {  	_ =	shalt  }
0x59: {  	_ =	shalt  }
0x5a: {  	_ =	shalt  }
0x5b: {  	_ =	shalt  }
0x5c: {  	_ =	shalt  }
0x5d: {  	_ =	shalt  }
0x5e: {  	_ =	shalt  }
0x5f: {  	_ =	shalt  }
0x60: {  	_ =	shalt  }
0x61: {  	_ =	shalt  }
0x62: {  	_ =	shalt  }
0x63: {  	_ =	shalt  }
0x64: {  	_ =	shalt  }
0x65: {  	_ =	shalt  }
0x66: {  	_ =	shalt  }
0x67: {  	_ =	shalt  }
0x68: {  	_ =	shalt  }
0x69: {  	_ =	shalt  }
0x6a: {  	_ =	shalt  }
0x6b: {  	_ =	shalt  }
0x6c: {  	_ =	shalt  }
0x6d: {  	_ =	shalt  }
0x6e: {  	_ =	shalt  }
0x6f: {  	_ =	shalt  }
0x70: {  	_ =	shalt  }
0x71: {  	_ =	shalt  }
0x72: {  	_ =	shalt  }
0x73: {  	_ =	shalt  }
0x74: {  	_ =	shalt  }
0x75: {  	_ =	shalt  }
0x76: {  	_ =	shalt  }
0x77: {  	_ =	shalt  }
0x78: {  	_ =	shalt  }
0x79: {  	_ =	shalt  }
0x7a: {  	_ =	shalt  }
0x7b: {  	_ =	shalt  }
0x7c: {  	_ =	shalt  }
0x7d: {  	_ =	shalt  }
0x7e: {  	_ =	shalt  }
0x7f: {  	_ =	shalt  }
0x80: {  	_ =	shalt  }
0x81: {  	_ =	shalt  }
0x82: {  	_ =	shalt  }
0x83: {  	_ =	shalt  }
0x84: {  	_ =	shalt  }
0x85: {  	_ =	shalt  }
0x86: {  	_ =	shalt  }
0x87: {  	_ =	shalt  }
.Lfunc_end0:
.L_simem_size_0:
called_computation_lowered:
.L_overlay_start_0:
0x88: {  	s2 =	sld [smem:$0x3FD9]  }
0x89: {  	s3 =	sld [smem:$0x3FFE];
	_ =	sdelay $0x1  }
0x8a: {  	s1 =	srdreg.scid  }
0x8b: {  	s0 =	sand.u32 $0x1, s1  }
0x8c: {  	s17 =	sshll.u32 s0, $0xA;
	s2 =	sadd.s32 s3, s2  }
0x8d: {  	s2 =	sadd.s32 s2, s17  }
0x8e: {  	[smem:$0x3FC2] =	sst s2  }
0x8f: {  	_ = 	snop  }
0x90: {  	s2 =	sld [smem:$0x3FD0];
	(tm) =	ssettm $0x1  }
0x91: {  	s18 =	sld [smem:$0x3FFB];
	_ =	sdelay $0x3  }
0x92: {  	_ =	strace s18  }
0x93: {  	s3 =	sld [smem:$0x3FFC];
	_ =	sdelay $0x3  }
0x94: {  	_ =	strace s3  }
0x95: {  	s3 =	sld [smem:$0x3FFD];
	_ =	sdelay $0x3  }
0x96: {  	_ =	strace s3  }
0x97: {  	_ =	strace $0x8FFFFFFF  }
0x98: {  	s19 =	sld [smem:$0x3FDB];
	_ =	sdelay $0x1  }
0x99: {  	s4 =	simm.s32 $_scs_section_size  }
0x9a: {  	s5 =	simm.s32 $_size__tile_overlayer_lowered;
	s6 =	simm.s32 $_tile_overlayer_lowered  }
0x9b: {  	s22 =	simm.s32 $0x1BFF;
	s21 =	sshll.u32 s6, $0x1;
	s3 =	sadd.s32 s4, s19  }
0x9c: {  	s7 =	simm.s32 $0x0;
	s20 =	sshll.u32 s5, $0x1;
	s5 =	sadd.s32 s21, s3  }
0x9d: {  	[timem:s7], [sflag:s22] =	dma.local [hbm:s5], s20  }
0x9e: {  	_ =	swait.ge [sflag:s22], s20  }
0x9f: {  	s4 =	ssub.s32 $0x0, s20;
	[sflag:s22] =	ssyncset.done $0x0  }
0xa0: {  	[sflag:s22] =	ssyncadd.s32 s4;
	_ =	sdelay $0x1  }
0xa1: {  	s23 =	simm.s32 $0x1B8B  }
0xa2: {  	_ =	swait.ge [sflag:s23], $0x1  }
0xa3: {  	[sflag:s23] =	ssyncset.done $0x0  }
0xa4: {  	s25 =	simm.s32 $0x1B8E;
	s24 =	sld [smem:$0x3FFE];
	[sflag:s23] =	ssyncadd.s32 $0xFFFFFFFF  }
0xa5: {  	s26 =	simm.s32 $execute0_lowered;
	[smem:$0x3FD2] =	sst s25  }
0xa6: {  	s5 =	sshll.u32 s26, $0x1;
	_ =	strace $0x80000046;
	[dreg:$0x1] =	wrdreg $0xFFFFFFFF  }
0xa7: {  	s28 =	simm.s32 $_size_execute0_lowered;
	s3 =	sadd.s32 s3, s5;
	[dreg:$0x0] =	wrdreg $0x0  }
0xa8: {  	s5 =	sshll.u32 s28, $0x1;
	[dreg:$0x2] =	wrdreg s3  }
0xa9: {  	[dreg:$0x3] =	wrdreg s5  }
0xaa: {  	[dreg:$0x4] =	wrdreg $0xC0  }
0xab: {  	_ =	task [dreg:s7], $0x5FFFF  }
0xac: {  	[dreg:$0x1] =	wrdreg $0xFFFFFFFF  }
0xad: {  	[dreg:$0x0] =	wrdreg $0x60  }
0xae: {  	[dreg:$0x2] =	wrdreg s24  }
0xaf: {  	[dreg:$0x3] =	wrdreg s2  }
0xb0: {  	[dreg:$0x4] =	wrdreg $0x9  }
0xb1: {  	_ =	task.clear_ibuf [dreg:s7], $0x5FFFF;
	_ =	strace $0x90000046  }
0xb2: {  	s29 =	simm.s32 $0x9;
	_ =	strace $0x80000048  }
0xb3: {  	_ =	swait.ge [sflag:s29], $0x1  }
0xb4: {  	[sflag:s29] =	ssyncadd.s32 $0xFFFFFFFF  }
0xb5: {  	_ =	strace $0x90000048  }
0xb6: {  	_ =	sfence  }
0xb7: {  	s30 =	sld [smem:$0x0];
	_ =	sdelay $0x2  }
0xb8: {  	s31 =	sshll.u32 s1, $0xD;
	s1 =	sshrl.u32 s1, $0x2  }
0xb9: {  	s3 =	sand.u32 $0x4000, s31;
	s1 =	sadd.s32 s1, s30  }
0xba: {  	s0 =	sor.u32 s3, s0;
	s1 =	sshll.u32 s1, $0x11  }
0xbb: {  	s0 =	sor.u32 s1, s0  }
0xbc: {  	s0 =	sadd.s32 $0x8F2B, s0  }
0xbd: {  	[sflag:s0] =	ssyncadd.remote.s32 $0x1  }
0xbe: {  	_ =	sfence.sel $0xFFFF  }
0xbf: {  	[dreg:$0x0] =	wrdreg $0xFFFFFFFF;
	(pc) =	sbr.abs _section_cstart, $3  }
0xc0: {  	[dreg:$0x1] =	wrdreg $0xFFFFFFFF  }
0xc1: {  	_ =	task.clear_ibuf [dreg:s7], $0x2FFFF;
	_ =	strace $0x9FFFFFFF  }
0xc2: {  	(tm) =	ssettm $0x7FFFFFFF  }
0xc3: {  	_ =	shalt  }
tec
execute0_lowered:
.L_overlay_start_1:
0x0: {  	(tag) =	ssettag $0x1  }
0x1: {  	s3 =	rddreg [dreg:$0x0]  }
0x2: {  	s6 =	rddreg [dreg:$0x1]  }
0x3: {  	s0 =	rddreg [dreg:$0x2];
	s2 =	simm.s32 $0x0;
	s4 =	srdreg.scid  }
0x4: {  	s1 =	stileid.u32;
	s10 =	simm.s32 $0x1;
	s11 =	simm.s32 $0x4F00  }
0x5: {  	s12 =	simm.s32 $0x7700;
	s13 =	simm.s32 $0x2;
	s4 =	sand.u32 $0x1, s4  }
0x6: {  	s5 =	sshrl.u32 s1, $0x2;
	s7 =	sshll.u32 s1, $0x8;
	[smem:$0x7FF] =	sst s2  }
0x7: {  	s15 =	sadd.s32 $0xA000, s6;
	s8 =	sshll.u32 s4, $0x7;
	s9 =	smul.u32 $0x13C00, s5  }
0x8: {  	s7 =	sand.u32 $0x300, s7;
	s4 =	ssub.s32 $0x2, s4;
	s5 =	smul.u32 $0x14000, s5  }
0x9: {  	_ =	strace $0x80000047;
	s7 =	sor.u32 s8, s7;
	s31 =	sshrl.u32 s4, $0x1  }
0xa: {  	s8 =	sor.u32 s9, s7;
	s9 =	ssub.s32 s4, s31;
	s5 =	sor.u32 s5, s7  }
0xb: {  	s7 =	simm.s32 $0x80;
	s8 =	sshrl.u32 s8, $0x3;
	s14 =	sshrl.u32 s5, $0x3  }
0xc: {  	s8 =	sadd.s32 s8, s3;
	s5 =	sadd.s32 s6, s14;
	s6 =	smax.u32 s9, $0x1  }
0xd: {  	s9 =	simm.s32 $0x2780;
	s14 =	sadd.s32 s14, s15;
	s15 =	simm.s32 $0x0  }
0xe: {  	v0 =	vimm.f32 $0.0e+00;
	v1 =	vimm.f32 $1.000000000e+00;
	s3 =	sadd.s32 $0xBE00, s8;
	s4 =	sadd.s32 $0x2000, s8;
	s8 =	simm.s32 $0x400  }
.LBB2_1:
0xf: {  	[tilespmem:s2], [sflag:$0x1] =	stream.strided.gather [hbm4b:s3+s7], $0x2780, s8, s7, $0x38;
	[tilespmem:$0x9F00] =	vst v63  }
0x10: {  	s16 =	simm.s32 $0x40;
	s17 =	simm.s32 $0x0  }
0x11: {  	[tilespmem:s9], [sflag:$0x1] =	stream.strided.gather [hbm4b:s4+s7], $0x2780, s8, s7, $0x38;
	[tilespmem:$0x9F00] =	vst v63  }
.LBB2_2:
0x12: {  	p0 =	sne.s32 s16, $0x9FC0;
	[tilespmem:s17+$0x4F00] =	vst v0;
	s18 =	smov.u32 s16;
	s16 =	sadd.s32 $0x40, s16  }
.Ltmp0:
0x13: {  	[tilespmem:s17+$0x7700] =	vst v0;
	(pc) =	sbr.rel @p0 .LBB2_2-.Ltmp0, $2  }
0x14: {  	_ =	sdelay $0x2  }
0x15: {  	s17 =	sshra.s32 s18, $0x2  }
0x16: {  	[tilespmem:s17+$0x4F00] =	vst v0  }
0x17: {  	[tilespmem:s17+$0x7700] =	vst v0  }
0x18: {  	_ =	swait.ge [sflag:s10], $0x2780  }
0x19: {  	[sflag:s10] =	ssyncset.done $0x0  }
0x1a: {  	[sflag:s10] =	ssyncadd.s32 $0xFFFFD880  }
0x1b: {  	_ =	swait.ge [sflag:s10], $0x2780  }
0x1c: {  	[sflag:s10] =	ssyncset.done $0x0  }
0x1d: {  	s17 =	simm.s32 $0x0;
	s16 =	simm.s32 $0x40;
	[sflag:s10] =	ssyncadd.s32 $0xFFFFD880  }
.LBB2_4:
0x1e: {  	p0 =	sne.s32 s16, $0x9C00;
	v2 =	vld [tilespmem:s17+$0x0];
	_ =	sdelay $0x7  }
0x1f: {  	[tilespmem:v2+s11+$0x0] =	vst.idx.add.f32.msk $0xffff, v1  }
0x20: {  	v2 =	vld [tilespmem:s17+$0x2780];
	_ =	sdelay $0x3  }
.Ltmp1:
0x21: {  	(pc) =	sbr.rel @p0 .LBB2_4-.Ltmp1, $2  }
0x22: {  	_ =	sdelay $0x2  }
0x23: {  	s17 =	sshra.s32 s16, $0x2;
	s16 =	sadd.s32 $0x40, s16;
	[tilespmem:v2+s12+$0x0] =	vst.idx.add.f32.msk $0xffff, v1  }
0x24: {  	v2 =	vld [tilespmem:s17+$0x0];
	_ =	sdelay $0x7  }
0x25: {  	[tilespmem:v2+s11+$0x0] =	vst.idx.add.f32.msk $0xffff, v1  }
0x26: {  	v2 =	vld [tilespmem:s17+$0x2780];
	_ =	sdelay $0x7  }
0x27: {  	[tilespmem:v2+s12+$0x0] =	vst.idx.add.f32.msk $0xffff, v1  }
0x28: {  	[hbm4b:s5+s7] =	stream.strided.scatter [tilespmem:s11], [sflag:$0x2], $0x2800, s8, s7, $0x38;
	[tilespmem:$0x9F00] =	vst v63  }
0x29: {  	s15 =	sadd.s32 $0x1, s15;
	_ =	swait.ge [sflag:s13], $0x2800  }
0x2a: {  	p0 =	sne.s32 s15, s6;
	[sflag:s13] =	ssyncset.done $0x0  }
.Ltmp2:
0x2b: {  	[sflag:s13] =	ssyncadd.s32 $0xFFFFD800;
	(pc) =	sbr.rel @p0 .LBB2_1-.Ltmp2, $4  }
0x2c: {  	[hbm4b:s14+s7] =	stream.strided.scatter [tilespmem:s12], [sflag:$0x2], $0x2800, s8, s7, $0x38;
	[tilespmem:$0x9F00] =	vst v63  }
0x2d: {  	_ =	swait.ge [sflag:s13], $0x2800  }
0x2e: {  	[sflag:s13] =	ssyncset.done $0x0  }
0x2f: {  	[sflag:s13] =	ssyncadd.s32 $0xFFFFD800  }
0x30: {  	_ =	sfence.sel $0x180000  }
0x31: {  	[bflag:$0x0] =	sbarrier.arrive $0xFFFF  }
0x32: {  	p0 =	sne.s32 s1, $0x0;
	_ =	strace $0x90000047  }
0x33: {  	s0 =	sadd.s32 @!p0 $0x100000, s0;
	[bflag:$0x2] =	sbarrier.arrive $0xFFFF  }
0x34: {  	[sflag:s0] =	ssyncadd.tile.s32 @!p0 $0x1;
	_ =	shalt  }
.Lfunc_end2:
_tile_overlayer_lowered:
.L_overlay_start_2:
0x35: {  	(tag) =	ssettag $0x2  }
0x36: {  	s0 =	rddreg [dreg:$0x0];
	s2 =	stileid.u32  }
0x37: {  	s1 =	rddreg [dreg:$0x1];
	p0 =	sne.s32 s2, $0x0  }
0x38: {  	s3 =	rddreg [dreg:$0x2];
	[bflag:$0x3] =	sbarrier.arrive $0xFFFF;
	s2 =	simm.s32 @!p0 $0x1C02  }
0x39: {  	[timem:s3], [sflag:s2] =	dma.local @!p0 [hbm:s0], s1  }
0x3a: {  	s0 =	simm.s32 @!p0 $0x2  }
0x3b: {  	_ =	swait.ge @!p0 [sflag:s0], s1  }
0x3c: {  	s1 =	ssub.s32 @!p0 $0x0, s1;
	[sflag:s0] =	ssyncset.done @!p0 $0x0  }
0x3d: {  	[sflag:s0] =	ssyncadd.s32 @!p0 s1  }
0x3e: {  	[bflag:$0x3] =	sbarrier.arrive $0xFFFF  }
0x3f: {  	_ =	shalt  }

</sc_bundles>
